<compile_context>
chip_gen: v7x
topology: tpu7x:2x2x1
jax: 0.10.2.dev20260603
libtpu: 0.0.44.dev20260713+nightly
codegen_flags: <defaults>
</compile_context>

<pallas_src>
import functools

import jax
import jax.numpy as jnp
from jax.experimental import pallas as pl
from jax.experimental.pallas import tpu as pltpu
from jax.experimental.pallas import tpu_sc as plsc

N_CORES = 2
N_SUB = 16
N_TILES = N_CORES * N_SUB
CHUNK = 128
NCH = 80
IDXD = 4
PADROWS = 8
ROWCHUNK = 80

_MESH = plsc.VectorSubcoreMesh(
    core_axis_name="c", subcore_axis_name="s", num_cores=N_CORES, num_subcores=N_SUB
)




def _deg_body(n_rowchunks, col2d, ones_hbm, zeros_hbm, out_hbm, idx_all,
              ones_v, acc_sh, semp, semw):
    cid = jax.lax.axis_index("c")
    sid = jax.lax.axis_index("s")
    chunk_base = (cid * N_SUB + sid) * NCH

    cp = pltpu.async_copy(col2d.at[pl.ds(chunk_base, NCH)], idx_all, semp)
    cpo = pltpu.async_copy(ones_hbm, ones_v, semw)

    @pl.loop(sid, n_rowchunks, step=N_SUB)
    def _(j):
        pltpu.sync_copy(zeros_hbm.at[pl.ds(j * ROWCHUNK, ROWCHUNK)],
                        acc_sh.at[pl.ds(j * ROWCHUNK, ROWCHUNK)])

    cp.wait()
    cpo.wait()
    plsc.subcore_barrier()

    window = 4

    for j in range(window):
        pltpu.async_copy(ones_v, acc_sh.at[idx_all.at[j]], semw, add=True)

    @pl.loop(window, NCH)
    def _(j):
        pltpu.make_async_copy(ones_v, acc_sh.at[idx_all.at[j - window]],
                              semw).wait()
        pltpu.async_copy(ones_v, acc_sh.at[idx_all.at[j]], semw, add=True)

    for j in range(NCH - window, NCH):
        pltpu.make_async_copy(ones_v, acc_sh.at[idx_all.at[j]], semw).wait()

    plsc.subcore_barrier()

    @pl.loop(sid, n_rowchunks, step=N_SUB)
    def _(j):
        pltpu.sync_copy(acc_sh.at[pl.ds(j * ROWCHUNK, ROWCHUNK)],
                        out_hbm.at[cid, pl.ds(j * ROWCHUNK, ROWCHUNK)])


def _sc_degree(col2d, ones128, zeros_nd, n, d):
    n_rowchunks = n // ROWCHUNK
    body = functools.partial(_deg_body, n_rowchunks)
    return pl.kernel(
        body,
        out_type=jax.ShapeDtypeStruct((N_CORES, n, d), jnp.float32),
        mesh=_MESH,
        scratch_types=[
            pltpu.VMEM((NCH, CHUNK), jnp.int32),
            pltpu.VMEM((CHUNK, d), jnp.float32),
            pltpu.VMEM_SHARED((n + PADROWS, d), jnp.float32),
            pltpu.SemaphoreType.DMA,
            pltpu.SemaphoreType.DMA,
        ],
    )(col2d, ones128, zeros_nd)


def _hop_body(n_rowchunks, d, g_hbm, row1d, col2d, zeros_hbm, out_hbm,
              idx_c_all, ri0, ri1, ri2, ri3, rw0, rw1, acc_sh,
              semp, si0, si1, si2, si3, sg0, sg1, ss0, ss1):
    cid = jax.lax.axis_index("c")
    sid = jax.lax.axis_index("s")
    rowidx = (ri0, ri1, ri2, ri3)
    semi = (si0, si1, si2, si3)
    rows = (rw0, rw1)
    semg = (sg0, sg1)
    sems = (ss0, ss1)
    chunk_base = (cid * N_SUB + sid) * NCH
    edge_base = chunk_base * CHUNK

    cp_c = pltpu.async_copy(col2d.at[pl.ds(chunk_base, NCH)], idx_c_all, semp)
    for q in range(IDXD):
        pltpu.async_copy(row1d.at[pl.ds(edge_base + q * CHUNK, CHUNK)],
                         rowidx[q], semi[q])

    @pl.loop(sid, n_rowchunks, step=N_SUB)
    def _(j):
        pltpu.sync_copy(zeros_hbm.at[pl.ds(j * ROWCHUNK, ROWCHUNK)],
                        acc_sh.at[pl.ds(j * ROWCHUNK, ROWCHUNK)])

    cp_c.wait()
    plsc.subcore_barrier()


    def wait_scatter(j, t):
        pltpu.make_async_copy(rows[t % 2], acc_sh.at[idx_c_all.at[j]],
                              sems[t % 2]).wait()

    def fire_gather(j, t):
        pltpu.make_async_copy(row1d.at[pl.ds(edge_base + j * CHUNK, CHUNK)],
                              rowidx[t], semi[t]).wait()
        pltpu.async_copy(g_hbm.at[rowidx[t]], rows[t % 2], semg[t % 2])

    def retire(j, t, refill=True):
        pltpu.make_async_copy(g_hbm.at[rowidx[t]], rows[t % 2],
                              semg[t % 2]).wait()
        pltpu.async_copy(rows[t % 2], acc_sh.at[idx_c_all.at[j]],
                         sems[t % 2], add=True)
        if refill:
            pltpu.async_copy(
                row1d.at[pl.ds(edge_base + (j + IDXD) * CHUNK, CHUNK)],
                rowidx[t], semi[t])

    fire_gather(0, 0)
    retire(0, 0)
    fire_gather(1, 1)
    retire(1, 1)
    wait_scatter(0, 0)
    fire_gather(2, 2)
    retire(2, 2)
    wait_scatter(1, 1)
    fire_gather(3, 3)

    @pl.loop(IDXD, NCH - IDXD, step=IDXD)
    def _(j0):
        for t in range(IDXD):
            j = j0 + t
            retire(j - 1, t - 1)
            wait_scatter(j - 2, t - 2)
            fire_gather(j, t)

    for j in range(NCH - IDXD, NCH):
        t = j % IDXD
        retire(j - 1, t - 1, refill=(j - 1 + IDXD < NCH))
        wait_scatter(j - 2, t - 2)
        fire_gather(j, t)
    retire(NCH - 1, (NCH - 1) % IDXD, refill=False)
    for j in (NCH - 2, NCH - 1):
        wait_scatter(j, j % IDXD)

    plsc.subcore_barrier()

    @pl.loop(sid, n_rowchunks, step=N_SUB)
    def _(j):
        pltpu.sync_copy(acc_sh.at[pl.ds(j * ROWCHUNK, ROWCHUNK)],
                        out_hbm.at[cid, pl.ds(j * ROWCHUNK, ROWCHUNK)])


def _sc_hop(g, row1d, col2d, zeros_nd, n, d):
    n_rowchunks = n // ROWCHUNK
    body = functools.partial(_hop_body, n_rowchunks, d)
    return pl.kernel(
        body,
        out_type=jax.ShapeDtypeStruct((N_CORES, n, d), jnp.float32),
        mesh=_MESH,
        scratch_types=[
            pltpu.VMEM((NCH, CHUNK), jnp.int32),
            pltpu.VMEM((CHUNK,), jnp.int32),
            pltpu.VMEM((CHUNK,), jnp.int32),
            pltpu.VMEM((CHUNK,), jnp.int32),
            pltpu.VMEM((CHUNK,), jnp.int32),
            pltpu.VMEM((CHUNK, d), jnp.float32),
            pltpu.VMEM((CHUNK, d), jnp.float32),
            pltpu.VMEM_SHARED((n + PADROWS, d), jnp.float32),
        ] + [pltpu.SemaphoreType.DMA] * 9,
    )(g, row1d, col2d, zeros_nd)



_BLK = 1000


def _mm_body(x_ref, w_ref, y_ref):
    y_ref[...] = jax.lax.dot_general(
        x_ref[...], w_ref[...], (((1,), (1,)), ((), ())),
        preferred_element_type=jnp.float32)


def _tc_matmul(x, w, n, d):
    grid = n // _BLK
    return pl.pallas_call(
        _mm_body,
        grid=(grid,),
        in_specs=[
            pl.BlockSpec((_BLK, d), lambda i: (i, 0)),
            pl.BlockSpec((d, d), lambda i: (0, 0)),
        ],
        out_specs=pl.BlockSpec((_BLK, d), lambda i: (i, 0)),
        out_shape=jax.ShapeDtypeStruct((n, d), jnp.float32),
    )(x, w)


def _scale_body(degp_ref, y_ref, g0_ref, dinv_ref, invdeg_ref):
    deg = degp_ref[0][:, 0:1] + degp_ref[1][:, 0:1] + 1.0
    dinv = jax.lax.rsqrt(deg)
    g0_ref[...] = y_ref[...] * dinv
    dinv_ref[...] = dinv
    invdeg_ref[...] = 1.0 / deg


def _tc_scale(degpart, y, n, d):
    grid = n // _BLK
    return pl.pallas_call(
        _scale_body,
        grid=(grid,),
        in_specs=[
            pl.BlockSpec((N_CORES, _BLK, d), lambda i: (0, i, 0)),
            pl.BlockSpec((_BLK, d), lambda i: (i, 0)),
        ],
        out_specs=[
            pl.BlockSpec((_BLK, d), lambda i: (i, 0)),
            pl.BlockSpec((_BLK, 1), lambda i: (i, 0)),
            pl.BlockSpec((_BLK, 1), lambda i: (i, 0)),
        ],
        out_shape=[
            jax.ShapeDtypeStruct((n, d), jnp.float32),
            jax.ShapeDtypeStruct((n, 1), jnp.float32),
            jax.ShapeDtypeStruct((n, 1), jnp.float32),
        ],
    )(degpart, y)


def _combine_body(part_ref, g_ref, scale_ref, out_ref):
    out_ref[...] = (part_ref[0] + part_ref[1] + g_ref[...]) * scale_ref[...]


def _tc_combine(part, g, scale, n, d):
    grid = n // _BLK
    return pl.pallas_call(
        _combine_body,
        grid=(grid,),
        in_specs=[
            pl.BlockSpec((N_CORES, _BLK, d), lambda i: (0, i, 0)),
            pl.BlockSpec((_BLK, d), lambda i: (i, 0)),
            pl.BlockSpec((_BLK, 1), lambda i: (i, 0)),
        ],
        out_specs=pl.BlockSpec((_BLK, d), lambda i: (i, 0)),
        out_shape=jax.ShapeDtypeStruct((n, d), jnp.float32),
    )(part, g, scale)


def _final_body(part_ref, g_ref, dinv_ref, b_ref, out_ref):
    h = (part_ref[0] + part_ref[1] + g_ref[...]) * dinv_ref[...]
    out_ref[...] = jnp.maximum(h + b_ref[...], 0.0)


def _tc_final(part, g, dinv, b2, n, d):
    grid = n // _BLK
    return pl.pallas_call(
        _final_body,
        grid=(grid,),
        in_specs=[
            pl.BlockSpec((N_CORES, _BLK, d), lambda i: (0, i, 0)),
            pl.BlockSpec((_BLK, d), lambda i: (i, 0)),
            pl.BlockSpec((_BLK, 1), lambda i: (i, 0)),
            pl.BlockSpec((1, d), lambda i: (0, 0)),
        ],
        out_specs=pl.BlockSpec((_BLK, d), lambda i: (i, 0)),
        out_shape=jax.ShapeDtypeStruct((n, d), jnp.float32),
    )(part, g, dinv, b2)




def kernel(x, edge_index, W, b):
    n, d = x.shape
    e = edge_index.shape[1]
    e_tile = e // N_TILES
    seg = NCH * CHUNK
    pad = seg - e_tile
    assert e % N_TILES == 0 and 0 <= pad < seg
    assert n % ROWCHUNK == 0 and n % _BLK == 0

    idt = edge_index.dtype
    prow = jnp.zeros((N_TILES, pad), idt)
    pcol = n + (jnp.arange(pad, dtype=idt) % PADROWS)
    pcol = jnp.broadcast_to(pcol, (N_TILES, pad))
    row1d = jnp.concatenate(
        [edge_index[0].reshape(N_TILES, e_tile), prow], axis=1).reshape(-1)
    col2d = jnp.concatenate(
        [edge_index[1].reshape(N_TILES, e_tile), pcol], axis=1
    ).reshape(-1, CHUNK)

    zeros_nd = jnp.zeros((n, d), jnp.float32)
    ones128 = jnp.ones((CHUNK, d), jnp.float32)

    degpart = _sc_degree(col2d, ones128, zeros_nd, n, d)
    y = _tc_matmul(x, W, n, d)
    g0, dinv, invdeg = _tc_scale(degpart, y, n, d)
    part1 = _sc_hop(g0, row1d, col2d, zeros_nd, n, d)
    g1 = _tc_combine(part1, g0, invdeg, n, d)
    part2 = _sc_hop(g1, row1d, col2d, zeros_nd, n, d)
    return _tc_final(part2, g1, dinv, b.reshape(1, d), n, d)

# --- scband reference (transcript-rebuilt; emitter-appended) ---
"""Pipeline reference for scband-graph-sage-87582973100260 (READ-ONLY COPY).

The authoritative reference and input builder live on the scoring server;
editing this copy changes nothing except your own understanding.
"""

import jax, jax.numpy as jnp
import numpy as np

N_NODES = 10000
N_EDGES = 320000
D_IN = 128
D_OUT = 128


def setup_inputs(seed: int = 0) -> dict:
    key = jax.random.key(seed)
    k1, k2, k3, k4 = jax.random.split(key, 4)
    x = jax.random.normal(k1, (N_NODES, D_IN), dtype=jnp.float32)
    edge_index = jax.random.randint(k2, (2, N_EDGES), 0, N_NODES, dtype=jnp.int32)
    # SGConv linear layer params (torch.nn.Linear: W[out,in], b[out])
    bound = 1.0 / np.sqrt(D_IN)
    W = jax.random.uniform(k3, (D_OUT, D_IN), dtype=jnp.float32, minval=-bound, maxval=bound)
    b = jax.random.uniform(k4, (D_OUT,), dtype=jnp.float32, minval=-bound, maxval=bound)
    return {"x": x, "edge_index": edge_index, "W": W, "b": b}


def reference(x, edge_index, W, b):
    # SGConv(K=2) = Linear( S^2 x ), S = D^{-1/2}(A+I)D^{-1/2} (gcn_norm with self-loops)
    N = x.shape[0]
    row = edge_index[0]
    col = edge_index[1]
    loop = jnp.arange(N, dtype=edge_index.dtype)
    row = jnp.concatenate([row, loop])
    col = jnp.concatenate([col, loop])
    ew = jnp.ones(row.shape[0], dtype=x.dtype)
    deg = jax.ops.segment_sum(ew, col, num_segments=N)
    deg_inv_sqrt = jnp.where(deg > 0, 1.0 / jnp.sqrt(deg), 0.0)
    norm = deg_inv_sqrt[row] * ew * deg_inv_sqrt[col]
    h = x
    for _ in range(2):  # K=2 propagation steps
        h = jax.ops.segment_sum(norm[:, None] * h[row], col, num_segments=N)
    support = h @ W.T + b
    # dropout p (eval mode, identity), then activation
    out = jax.nn.relu(support)
    return out


if False:  # reference __main__ guard neutralized (emitter)
    inp = setup_inputs()
    y = reference(**inp)
    print(y.shape, y.dtype)

if __name__ == "__main__":
    import jax
    _d = setup_inputs()
    print(jax.jit(kernel)(*tuple(_d.values())))

</pallas_src>

<mosaic_0001>
#map = affine_map<(d0, d1) -> (0, 0)>
#map1 = affine_map<(d0, d1) -> (0, 0, 0)>
module attributes {stable_mosaic.version = 14 : i64} {
  func.func @_deg_body(%arg0: i32, %arg1: i32, %arg2: memref<2560x128xi32, #tpu.memory_space<hbm>>, %arg3: memref<128x128xf32, #tpu.memory_space<hbm>>, %arg4: memref<10000x128xf32, #tpu.memory_space<hbm>>, %arg5: memref<2x10000x128xf32, #tpu.memory_space<hbm>>, %arg6: memref<80x128xi32, #tpu.memory_space<vmem>>, %arg7: memref<128x128xf32, #tpu.memory_space<vmem>>, %arg8: memref<10008x128xf32, #tpu.memory_space<vmem_shared>>, %arg9: memref<!tpu.dma_semaphore, #tpu.memory_space<semaphore_mem>>, %arg10: memref<!tpu.dma_semaphore, #tpu.memory_space<semaphore_mem>>) attributes {dimension_semantics = [#tpu.dimension_semantics<core_parallel>, #tpu.dimension_semantics<subcore_parallel>], iteration_bounds = array<i64: 2, 16>, scalar_prefetch = 0 : i64, scratch_operands = 5 : i64, tpu.core_type = #tpu.core_type<sc_vector_subcore>, window_params = [{transform_indices = #map}, {transform_indices = #map}, {transform_indices = #map}, {transform_indices = #map1}]} {
    %mul3A = arith.constant 16 : i32
    %mul3A_0 = arith.muli %arg0, %mul3A : i32
    %add3A = arith.addi %mul3A_0, %arg1 : i32
    %mul3A_1 = arith.constant 80 : i32
    %mul3A_2 = arith.muli %add3A, %mul3A_1 : i32
    %dma_start3A = arith.constant 0 : i32
    %dma_start3A_3 = tpu.memref_slice %arg2[%mul3A_2, %dma_start3A] : memref<2560x128xi32, #tpu.memory_space<hbm>> -> memref<80x128xi32, #tpu.memory_space<hbm>>
    %dma_start3A_4 = arith.constant 0 : i32
    %dma_start3A_5 = tpu.memref_slice %arg2[%mul3A_2, %dma_start3A_4] : memref<2560x128xi32, #tpu.memory_space<hbm>> -> memref<80x128xi32, #tpu.memory_space<hbm>>
    tpu.enqueue_dma source(%dma_start3A_5 : memref<80x128xi32, #tpu.memory_space<hbm>>) target(%arg6 : memref<80x128xi32, #tpu.memory_space<vmem>>) target_semaphore(%arg9 : memref<!tpu.dma_semaphore, #tpu.memory_space<semaphore_mem>>)
    tpu.enqueue_dma source(%arg3 : memref<128x128xf32, #tpu.memory_space<hbm>>) target(%arg7 : memref<128x128xf32, #tpu.memory_space<vmem>>) target_semaphore(%arg10 : memref<!tpu.dma_semaphore, #tpu.memory_space<semaphore_mem>>)
    %sub3A = arith.constant 125 : i32
    %sub3A_6 = arith.subi %sub3A, %arg1 : i32
    %sub3A_7 = arith.constant 16 : i32
    %sub3A_8 = arith.constant 1 : i32
    %sub3A_9 = arith.subi %sub3A_7, %sub3A_8 : i32
    %add3A_10 = arith.addi %sub3A_6, %sub3A_9 : i32
    %div3A = arith.constant 16 : i32
    %div3A_11 = arith.divsi %add3A_10, %div3A : i32
    %while3A = arith.constant 16 : i32
    %while3A_12 = arith.constant 0 : i32
    %while3A_13 = arith.subi %div3A_11, %while3A_12 : i32
    %while3A_14 = arith.addi %while3A_12, %while3A_13 : i32
    %while3A_15 = arith.constant 1 : i32
    %while3A_16 = arith.divsi %while3A_13, %while3A_15 : i32
    %while3A_17 = arith.muli %while3A_16, %while3A_15 : i32
    %while3A_18 = arith.addi %while3A_12, %while3A_17 : i32
    %while3A_19 = arith.constant 1 : i32
    scf.for %while3A_103 = %while3A_12 to %while3A_18 step %while3A_19  : i32 {
      %mul3A_104 = arith.muli %while3A_103, %while3A : i32
      %add3A_105 = arith.addi %arg1, %mul3A_104 : i32
      %mul3A_106 = arith.constant 80 : i32
      %mul3A_107 = arith.muli %add3A_105, %mul3A_106 : i32
      %mul3A_108 = arith.constant 80 : i32
      %mul3A_109 = arith.muli %add3A_105, %mul3A_108 : i32
      "tpu.region"() ({
        %run_scoped3A = tpu.sem_alloc : memref<!tpu.dma_semaphore, #tpu.memory_space<semaphore_mem>>
        %dma_start3A_110 = arith.constant 0 : i32
        %dma_start3A_111 = tpu.memref_slice %arg8[%mul3A_109, %dma_start3A_110] : memref<10008x128xf32, #tpu.memory_space<vmem_shared>> -> memref<80x128xf32, #tpu.memory_space<vmem_shared>>
        %dma_start3A_112 = arith.constant 0 : i32
        %dma_start3A_113 = tpu.memref_slice %arg4[%mul3A_107, %dma_start3A_112] : memref<10000x128xf32, #tpu.memory_space<hbm>> -> memref<80x128xf32, #tpu.memory_space<hbm>>
        tpu.enqueue_dma source(%dma_start3A_113 : memref<80x128xf32, #tpu.memory_space<hbm>>) target(%dma_start3A_111 : memref<80x128xf32, #tpu.memory_space<vmem_shared>>) target_semaphore(%run_scoped3A : memref<!tpu.dma_semaphore, #tpu.memory_space<semaphore_mem>>)
        %dma_wait3A_114 = arith.constant 0 : i32
        %dma_wait3A_115 = tpu.memref_slice %arg8[%mul3A_109, %dma_wait3A_114] : memref<10008x128xf32, #tpu.memory_space<vmem_shared>> -> memref<80x128xf32, #tpu.memory_space<vmem_shared>>
        %dma_wait3A_116 = arith.constant 0 : i32
        %dma_wait3A_117 = tpu.memref_slice %arg4[%mul3A_107, %dma_wait3A_116] : memref<10000x128xf32, #tpu.memory_space<hbm>> -> memref<80x128xf32, #tpu.memory_space<hbm>>
        tpu.wait_dma2 semaphore(%run_scoped3A : memref<!tpu.dma_semaphore, #tpu.memory_space<semaphore_mem>>) src(%dma_wait3A_117 : memref<80x128xf32, #tpu.memory_space<hbm>>) dst(%dma_wait3A_115 : memref<80x128xf32, #tpu.memory_space<vmem_shared>>)
        tpu.yield
      }) : () -> ()
    }
    %while3A_20 = arith.constant 1 : i32
    scf.for %while3A_103 = %while3A_18 to %while3A_14 step %while3A_20  : i32 {
      %mul3A_104 = arith.muli %while3A_103, %while3A : i32
      %add3A_105 = arith.addi %arg1, %mul3A_104 : i32
      %mul3A_106 = arith.constant 80 : i32
      %mul3A_107 = arith.muli %add3A_105, %mul3A_106 : i32
      %mul3A_108 = arith.constant 80 : i32
      %mul3A_109 = arith.muli %add3A_105, %mul3A_108 : i32
      "tpu.region"() ({
        %run_scoped3A = tpu.sem_alloc : memref<!tpu.dma_semaphore, #tpu.memory_space<semaphore_mem>>
        %dma_start3A_110 = arith.constant 0 : i32
        %dma_start3A_111 = tpu.memref_slice %arg8[%mul3A_109, %dma_start3A_110] : memref<10008x128xf32, #tpu.memory_space<vmem_shared>> -> memref<80x128xf32, #tpu.memory_space<vmem_shared>>
        %dma_start3A_112 = arith.constant 0 : i32
        %dma_start3A_113 = tpu.memref_slice %arg4[%mul3A_107, %dma_start3A_112] : memref<10000x128xf32, #tpu.memory_space<hbm>> -> memref<80x128xf32, #tpu.memory_space<hbm>>
        tpu.enqueue_dma source(%dma_start3A_113 : memref<80x128xf32, #tpu.memory_space<hbm>>) target(%dma_start3A_111 : memref<80x128xf32, #tpu.memory_space<vmem_shared>>) target_semaphore(%run_scoped3A : memref<!tpu.dma_semaphore, #tpu.memory_space<semaphore_mem>>)
        %dma_wait3A_114 = arith.constant 0 : i32
        %dma_wait3A_115 = tpu.memref_slice %arg8[%mul3A_109, %dma_wait3A_114] : memref<10008x128xf32, #tpu.memory_space<vmem_shared>> -> memref<80x128xf32, #tpu.memory_space<vmem_shared>>
        %dma_wait3A_116 = arith.constant 0 : i32
        %dma_wait3A_117 = tpu.memref_slice %arg4[%mul3A_107, %dma_wait3A_116] : memref<10000x128xf32, #tpu.memory_space<hbm>> -> memref<80x128xf32, #tpu.memory_space<hbm>>
        tpu.wait_dma2 semaphore(%run_scoped3A : memref<!tpu.dma_semaphore, #tpu.memory_space<semaphore_mem>>) src(%dma_wait3A_117 : memref<80x128xf32, #tpu.memory_space<hbm>>) dst(%dma_wait3A_115 : memref<80x128xf32, #tpu.memory_space<vmem_shared>>)
        tpu.yield
      }) : () -> ()
    }
    %dma_wait3A = arith.constant 0 : i32
    %dma_wait3A_21 = tpu.memref_slice %arg2[%mul3A_2, %dma_wait3A] : memref<2560x128xi32, #tpu.memory_space<hbm>> -> memref<80x128xi32, #tpu.memory_space<hbm>>
    %dma_wait3A_22 = arith.constant 0 : i32
    %dma_wait3A_23 = tpu.memref_slice %arg2[%mul3A_2, %dma_wait3A_22] : memref<2560x128xi32, #tpu.memory_space<hbm>> -> memref<80x128xi32, #tpu.memory_space<hbm>>
    tpu.wait_dma2 semaphore(%arg9 : memref<!tpu.dma_semaphore, #tpu.memory_space<semaphore_mem>>) src(%dma_wait3A_23 : memref<80x128xi32, #tpu.memory_space<hbm>>) dst(%arg6 : memref<80x128xi32, #tpu.memory_space<vmem>>)
    tpu.wait_dma2 semaphore(%arg10 : memref<!tpu.dma_semaphore, #tpu.memory_space<semaphore_mem>>) src(%arg3 : memref<128x128xf32, #tpu.memory_space<hbm>>) dst(%arg7 : memref<128x128xf32, #tpu.memory_space<vmem>>)
    %barrier3A = arith.constant 0 : index
    tpu.barrier barrier_id(%barrier3A)
    %dma_start3A_24 = arith.constant 0 : i32
    %dma_start3A_25 = arith.constant 0 : i32
    %dma_start3A_26 = tpu.memref_slice %arg6[%dma_start3A_24, %dma_start3A_25] : memref<80x128xi32, #tpu.memory_space<vmem>> -> memref<1x128xi32, #tpu.memory_space<vmem>>
    %dma_start3A_27 = tpu.memref_squeeze %dma_start3A_26 : memref<1x128xi32, #tpu.memory_space<vmem>> -> memref<128xi32, #tpu.memory_space<vmem>>
    %dma_start3A_28 = arith.constant 0 : i32
    %dma_start3A_29 = arith.constant 0 : i32
    %dma_start3A_30 = tpu.memref_slice %arg8[%dma_start3A_28, %dma_start3A_29] : memref<10008x128xf32, #tpu.memory_space<vmem_shared>> -> memref<10008x128xf32, #tpu.memory_space<vmem_shared>>
    tpu.enqueue_indirect_dma source(%arg7 : memref<128x128xf32, #tpu.memory_space<vmem>>) target(%dma_start3A_30 : memref<10008x128xf32, #tpu.memory_space<vmem_shared>>) offsets(%dma_start3A_27 : memref<128xi32, #tpu.memory_space<vmem>>) semaphore(%arg10 : memref<!tpu.dma_semaphore, #tpu.memory_space<semaphore_mem>>) {add = true}
    %dma_start3A_31 = arith.constant 1 : i32
    %dma_start3A_32 = arith.constant 0 : i32
    %dma_start3A_33 = tpu.memref_slice %arg6[%dma_start3A_31, %dma_start3A_32] : memref<80x128xi32, #tpu.memory_space<vmem>> -> memref<1x128xi32, #tpu.memory_space<vmem>>
    %dma_start3A_34 = tpu.memref_squeeze %dma_start3A_33 : memref<1x128xi32, #tpu.memory_space<vmem>> -> memref<128xi32, #tpu.memory_space<vmem>>
    %dma_start3A_35 = arith.constant 0 : i32
    %dma_start3A_36 = arith.constant 0 : i32
    %dma_start3A_37 = tpu.memref_slice %arg8[%dma_start3A_35, %dma_start3A_36] : memref<10008x128xf32, #tpu.memory_space<vmem_shared>> -> memref<10008x128xf32, #tpu.memory_space<vmem_shared>>
    tpu.enqueue_indirect_dma source(%arg7 : memref<128x128xf32, #tpu.memory_space<vmem>>) target(%dma_start3A_37 : memref<10008x128xf32, #tpu.memory_space<vmem_shared>>) offsets(%dma_start3A_34 : memref<128xi32, #tpu.memory_space<vmem>>) semaphore(%arg10 : memref<!tpu.dma_semaphore, #tpu.memory_space<semaphore_mem>>) {add = true}
    %dma_start3A_38 = arith.constant 2 : i32
    %dma_start3A_39 = arith.constant 0 : i32
    %dma_start3A_40 = tpu.memref_slice %arg6[%dma_start3A_38, %dma_start3A_39] : memref<80x128xi32, #tpu.memory_space<vmem>> -> memref<1x128xi32, #tpu.memory_space<vmem>>
    %dma_start3A_41 = tpu.memref_squeeze %dma_start3A_40 : memref<1x128xi32, #tpu.memory_space<vmem>> -> memref<128xi32, #tpu.memory_space<vmem>>
    %dma_start3A_42 = arith.constant 0 : i32
    %dma_start3A_43 = arith.constant 0 : i32
    %dma_start3A_44 = tpu.memref_slice %arg8[%dma_start3A_42, %dma_start3A_43] : memref<10008x128xf32, #tpu.memory_space<vmem_shared>> -> memref<10008x128xf32, #tpu.memory_space<vmem_shared>>
    tpu.enqueue_indirect_dma source(%arg7 : memref<128x128xf32, #tpu.memory_space<vmem>>) target(%dma_start3A_44 : memref<10008x128xf32, #tpu.memory_space<vmem_shared>>) offsets(%dma_start3A_41 : memref<128xi32, #tpu.memory_space<vmem>>) semaphore(%arg10 : memref<!tpu.dma_semaphore, #tpu.memory_space<semaphore_mem>>) {add = true}
    %dma_start3A_45 = arith.constant 3 : i32
    %dma_start3A_46 = arith.constant 0 : i32
    %dma_start3A_47 = tpu.memref_slice %arg6[%dma_start3A_45, %dma_start3A_46] : memref<80x128xi32, #tpu.memory_space<vmem>> -> memref<1x128xi32, #tpu.memory_space<vmem>>
    %dma_start3A_48 = tpu.memref_squeeze %dma_start3A_47 : memref<1x128xi32, #tpu.memory_space<vmem>> -> memref<128xi32, #tpu.memory_space<vmem>>
    %dma_start3A_49 = arith.constant 0 : i32
    %dma_start3A_50 = arith.constant 0 : i32
    %dma_start3A_51 = tpu.memref_slice %arg8[%dma_start3A_49, %dma_start3A_50] : memref<10008x128xf32, #tpu.memory_space<vmem_shared>> -> memref<10008x128xf32, #tpu.memory_space<vmem_shared>>
    tpu.enqueue_indirect_dma source(%arg7 : memref<128x128xf32, #tpu.memory_space<vmem>>) target(%dma_start3A_51 : memref<10008x128xf32, #tpu.memory_space<vmem_shared>>) offsets(%dma_start3A_48 : memref<128xi32, #tpu.memory_space<vmem>>) semaphore(%arg10 : memref<!tpu.dma_semaphore, #tpu.memory_space<semaphore_mem>>) {add = true}
    %scan3A = arith.constant 0 : i32
    %scan3A_52 = arith.constant 76 : i32
    %scan3A_53 = arith.addi %scan3A, %scan3A_52 : i32
    %scan3A_54 = arith.constant 1 : i32
    scf.for %scan3A_103 = %scan3A to %scan3A_53 step %scan3A_54  : i32 {
      %mul3A_104 = arith.constant 1 : i32
      %mul3A_105 = arith.muli %scan3A_103, %mul3A_104 : i32
      %add3A_106 = arith.constant 4 : i32
      %add3A_107 = arith.addi %add3A_106, %mul3A_105 : i32
      %sub3A_108 = arith.constant 4 : i32
      %sub3A_109 = arith.subi %add3A_107, %sub3A_108 : i32
      %dma_wait3A_110 = arith.constant 0 : i32
      %dma_wait3A_111 = tpu.memref_slice %arg6[%sub3A_109, %dma_wait3A_110] : memref<80x128xi32, #tpu.memory_space<vmem>> -> memref<1x128xi32, #tpu.memory_space<vmem>>
      %dma_wait3A_112 = tpu.memref_squeeze %dma_wait3A_111 : memref<1x128xi32, #tpu.memory_space<vmem>> -> memref<128xi32, #tpu.memory_space<vmem>>
      %dma_wait3A_113 = arith.constant 0 : i32
      %dma_wait3A_114 = arith.constant 0 : i32
      %dma_wait3A_115 = tpu.memref_slice %arg8[%dma_wait3A_113, %dma_wait3A_114] : memref<10008x128xf32, #tpu.memory_space<vmem_shared>> -> memref<10008x128xf32, #tpu.memory_space<vmem_shared>>
      tpu.wait_indirect_dma semaphore(%arg10 : memref<!tpu.dma_semaphore, #tpu.memory_space<semaphore_mem>>) src(%arg7 : memref<128x128xf32, #tpu.memory_space<vmem>>) dst(%dma_wait3A_115 : memref<10008x128xf32, #tpu.memory_space<vmem_shared>>)
      %dma_start3A_116 = arith.constant 0 : i32
      %dma_start3A_117 = tpu.memref_slice %arg6[%add3A_107, %dma_start3A_116] : memref<80x128xi32, #tpu.memory_space<vmem>> -> memref<1x128xi32, #tpu.memory_space<vmem>>
      %dma_start3A_118 = tpu.memref_squeeze %dma_start3A_117 : memref<1x128xi32, #tpu.memory_space<vmem>> -> memref<128xi32, #tpu.memory_space<vmem>>
      %dma_start3A_119 = arith.constant 0 : i32
      %dma_start3A_120 = arith.constant 0 : i32
      %dma_start3A_121 = tpu.memref_slice %arg8[%dma_start3A_119, %dma_start3A_120] : memref<10008x128xf32, #tpu.memory_space<vmem_shared>> -> memref<10008x128xf32, #tpu.memory_space<vmem_shared>>
      tpu.enqueue_indirect_dma source(%arg7 : memref<128x128xf32, #tpu.memory_space<vmem>>) target(%dma_start3A_121 : memref<10008x128xf32, #tpu.memory_space<vmem_shared>>) offsets(%dma_start3A_118 : memref<128xi32, #tpu.memory_space<vmem>>) semaphore(%arg10 : memref<!tpu.dma_semaphore, #tpu.memory_space<semaphore_mem>>) {add = true}
    }
    %scan3A_55 = arith.constant 76 : i32
    %dma_wait3A_56 = arith.constant 76 : i32
    %dma_wait3A_57 = arith.constant 0 : i32
    %dma_wait3A_58 = tpu.memref_slice %arg6[%dma_wait3A_56, %dma_wait3A_57] : memref<80x128xi32, #tpu.memory_space<vmem>> -> memref<1x128xi32, #tpu.memory_space<vmem>>
    %dma_wait3A_59 = tpu.memref_squeeze %dma_wait3A_58 : memref<1x128xi32, #tpu.memory_space<vmem>> -> memref<128xi32, #tpu.memory_space<vmem>>
    %dma_wait3A_60 = arith.constant 0 : i32
    %dma_wait3A_61 = arith.constant 0 : i32
    %dma_wait3A_62 = tpu.memref_slice %arg8[%dma_wait3A_60, %dma_wait3A_61] : memref<10008x128xf32, #tpu.memory_space<vmem_shared>> -> memref<10008x128xf32, #tpu.memory_space<vmem_shared>>
    tpu.wait_indirect_dma semaphore(%arg10 : memref<!tpu.dma_semaphore, #tpu.memory_space<semaphore_mem>>) src(%arg7 : memref<128x128xf32, #tpu.memory_space<vmem>>) dst(%dma_wait3A_62 : memref<10008x128xf32, #tpu.memory_space<vmem_shared>>)
    %dma_wait3A_63 = arith.constant 77 : i32
    %dma_wait3A_64 = arith.constant 0 : i32
    %dma_wait3A_65 = tpu.memref_slice %arg6[%dma_wait3A_63, %dma_wait3A_64] : memref<80x128xi32, #tpu.memory_space<vmem>> -> memref<1x128xi32, #tpu.memory_space<vmem>>
    %dma_wait3A_66 = tpu.memref_squeeze %dma_wait3A_65 : memref<1x128xi32, #tpu.memory_space<vmem>> -> memref<128xi32, #tpu.memory_space<vmem>>
    %dma_wait3A_67 = arith.constant 0 : i32
    %dma_wait3A_68 = arith.constant 0 : i32
    %dma_wait3A_69 = tpu.memref_slice %arg8[%dma_wait3A_67, %dma_wait3A_68] : memref<10008x128xf32, #tpu.memory_space<vmem_shared>> -> memref<10008x128xf32, #tpu.memory_space<vmem_shared>>
    tpu.wait_indirect_dma semaphore(%arg10 : memref<!tpu.dma_semaphore, #tpu.memory_space<semaphore_mem>>) src(%arg7 : memref<128x128xf32, #tpu.memory_space<vmem>>) dst(%dma_wait3A_69 : memref<10008x128xf32, #tpu.memory_space<vmem_shared>>)
    %dma_wait3A_70 = arith.constant 78 : i32
    %dma_wait3A_71 = arith.constant 0 : i32
    %dma_wait3A_72 = tpu.memref_slice %arg6[%dma_wait3A_70, %dma_wait3A_71] : memref<80x128xi32, #tpu.memory_space<vmem>> -> memref<1x128xi32, #tpu.memory_space<vmem>>
    %dma_wait3A_73 = tpu.memref_squeeze %dma_wait3A_72 : memref<1x128xi32, #tpu.memory_space<vmem>> -> memref<128xi32, #tpu.memory_space<vmem>>
    %dma_wait3A_74 = arith.constant 0 : i32
    %dma_wait3A_75 = arith.constant 0 : i32
    %dma_wait3A_76 = tpu.memref_slice %arg8[%dma_wait3A_74, %dma_wait3A_75] : memref<10008x128xf32, #tpu.memory_space<vmem_shared>> -> memref<10008x128xf32, #tpu.memory_space<vmem_shared>>
    tpu.wait_indirect_dma semaphore(%arg10 : memref<!tpu.dma_semaphore, #tpu.memory_space<semaphore_mem>>) src(%arg7 : memref<128x128xf32, #tpu.memory_space<vmem>>) dst(%dma_wait3A_76 : memref<10008x128xf32, #tpu.memory_space<vmem_shared>>)
    %dma_wait3A_77 = arith.constant 79 : i32
    %dma_wait3A_78 = arith.constant 0 : i32
    %dma_wait3A_79 = tpu.memref_slice %arg6[%dma_wait3A_77, %dma_wait3A_78] : memref<80x128xi32, #tpu.memory_space<vmem>> -> memref<1x128xi32, #tpu.memory_space<vmem>>
    %dma_wait3A_80 = tpu.memref_squeeze %dma_wait3A_79 : memref<1x128xi32, #tpu.memory_space<vmem>> -> memref<128xi32, #tpu.memory_space<vmem>>
    %dma_wait3A_81 = arith.constant 0 : i32
    %dma_wait3A_82 = arith.constant 0 : i32
    %dma_wait3A_83 = tpu.memref_slice %arg8[%dma_wait3A_81, %dma_wait3A_82] : memref<10008x128xf32, #tpu.memory_space<vmem_shared>> -> memref<10008x128xf32, #tpu.memory_space<vmem_shared>>
    tpu.wait_indirect_dma semaphore(%arg10 : memref<!tpu.dma_semaphore, #tpu.memory_space<semaphore_mem>>) src(%arg7 : memref<128x128xf32, #tpu.memory_space<vmem>>) dst(%dma_wait3A_83 : memref<10008x128xf32, #tpu.memory_space<vmem_shared>>)
    %barrier3A_84 = arith.constant 0 : index
    tpu.barrier barrier_id(%barrier3A_84)
    %sub3A_85 = arith.constant 125 : i32
    %sub3A_86 = arith.subi %sub3A_85, %arg1 : i32
    %sub3A_87 = arith.constant 16 : i32
    %sub3A_88 = arith.constant 1 : i32
    %sub3A_89 = arith.subi %sub3A_87, %sub3A_88 : i32
    %add3A_90 = arith.addi %sub3A_86, %sub3A_89 : i32
    %div3A_91 = arith.constant 16 : i32
    %div3A_92 = arith.divsi %add3A_90, %div3A_91 : i32
    %while3A_93 = arith.constant 16 : i32
    %while3A_94 = arith.constant 0 : i32
    %while3A_95 = arith.subi %div3A_92, %while3A_94 : i32
    %while3A_96 = arith.addi %while3A_94, %while3A_95 : i32
    %while3A_97 = arith.constant 1 : i32
    %while3A_98 = arith.divsi %while3A_95, %while3A_97 : i32
    %while3A_99 = arith.muli %while3A_98, %while3A_97 : i32
    %while3A_100 = arith.addi %while3A_94, %while3A_99 : i32
    %while3A_101 = arith.constant 1 : i32
    scf.for %while3A_103 = %while3A_94 to %while3A_100 step %while3A_101  : i32 {
      %mul3A_104 = arith.muli %while3A_103, %while3A_93 : i32
      %add3A_105 = arith.addi %arg1, %mul3A_104 : i32
      %mul3A_106 = arith.constant 80 : i32
      %mul3A_107 = arith.muli %add3A_105, %mul3A_106 : i32
      %mul3A_108 = arith.constant 80 : i32
      %mul3A_109 = arith.muli %add3A_105, %mul3A_108 : i32
      "tpu.region"() ({
        %run_scoped3A = tpu.sem_alloc : memref<!tpu.dma_semaphore, #tpu.memory_space<semaphore_mem>>
        %dma_start3A_110 = arith.constant 0 : i32
        %dma_start3A_111 = tpu.memref_slice %arg5[%arg0, %mul3A_109, %dma_start3A_110] : memref<2x10000x128xf32, #tpu.memory_space<hbm>> -> memref<1x80x128xf32, #tpu.memory_space<hbm>>
        %dma_start3A_112 = tpu.memref_squeeze %dma_start3A_111 : memref<1x80x128xf32, #tpu.memory_space<hbm>> -> memref<80x128xf32, #tpu.memory_space<hbm>>
        %dma_start3A_113 = arith.constant 0 : i32
        %dma_start3A_114 = tpu.memref_slice %arg8[%mul3A_107, %dma_start3A_113] : memref<10008x128xf32, #tpu.memory_space<vmem_shared>> -> memref<80x128xf32, #tpu.memory_space<vmem_shared>>
        tpu.enqueue_dma source(%dma_start3A_114 : memref<80x128xf32, #tpu.memory_space<vmem_shared>>) target(%dma_start3A_112 : memref<80x128xf32, #tpu.memory_space<hbm>>) target_semaphore(%run_scoped3A : memref<!tpu.dma_semaphore, #tpu.memory_space<semaphore_mem>>)
        %dma_wait3A_115 = arith.constant 0 : i32
        %dma_wait3A_116 = tpu.memref_slice %arg5[%arg0, %mul3A_109, %dma_wait3A_115] : memref<2x10000x128xf32, #tpu.memory_space<hbm>> -> memref<1x80x128xf32, #tpu.memory_space<hbm>>
        %dma_wait3A_117 = tpu.memref_squeeze %dma_wait3A_116 : memref<1x80x128xf32, #tpu.memory_space<hbm>> -> memref<80x128xf32, #tpu.memory_space<hbm>>
        %dma_wait3A_118 = arith.constant 0 : i32
        %dma_wait3A_119 = tpu.memref_slice %arg8[%mul3A_107, %dma_wait3A_118] : memref<10008x128xf32, #tpu.memory_space<vmem_shared>> -> memref<80x128xf32, #tpu.memory_space<vmem_shared>>
        tpu.wait_dma2 semaphore(%run_scoped3A : memref<!tpu.dma_semaphore, #tpu.memory_space<semaphore_mem>>) src(%dma_wait3A_119 : memref<80x128xf32, #tpu.memory_space<vmem_shared>>) dst(%dma_wait3A_117 : memref<80x128xf32, #tpu.memory_space<hbm>>)
        tpu.yield
      }) : () -> ()
    }
    %while3A_102 = arith.constant 1 : i32
    scf.for %while3A_103 = %while3A_100 to %while3A_96 step %while3A_102  : i32 {
      %mul3A_104 = arith.muli %while3A_103, %while3A_93 : i32
      %add3A_105 = arith.addi %arg1, %mul3A_104 : i32
      %mul3A_106 = arith.constant 80 : i32
      %mul3A_107 = arith.muli %add3A_105, %mul3A_106 : i32
      %mul3A_108 = arith.constant 80 : i32
      %mul3A_109 = arith.muli %add3A_105, %mul3A_108 : i32
      "tpu.region"() ({
        %run_scoped3A = tpu.sem_alloc : memref<!tpu.dma_semaphore, #tpu.memory_space<semaphore_mem>>
        %dma_start3A_110 = arith.constant 0 : i32
        %dma_start3A_111 = tpu.memref_slice %arg5[%arg0, %mul3A_109, %dma_start3A_110] : memref<2x10000x128xf32, #tpu.memory_space<hbm>> -> memref<1x80x128xf32, #tpu.memory_space<hbm>>
        %dma_start3A_112 = tpu.memref_squeeze %dma_start3A_111 : memref<1x80x128xf32, #tpu.memory_space<hbm>> -> memref<80x128xf32, #tpu.memory_space<hbm>>
        %dma_start3A_113 = arith.constant 0 : i32
        %dma_start3A_114 = tpu.memref_slice %arg8[%mul3A_107, %dma_start3A_113] : memref<10008x128xf32, #tpu.memory_space<vmem_shared>> -> memref<80x128xf32, #tpu.memory_space<vmem_shared>>
        tpu.enqueue_dma source(%dma_start3A_114 : memref<80x128xf32, #tpu.memory_space<vmem_shared>>) target(%dma_start3A_112 : memref<80x128xf32, #tpu.memory_space<hbm>>) target_semaphore(%run_scoped3A : memref<!tpu.dma_semaphore, #tpu.memory_space<semaphore_mem>>)
        %dma_wait3A_115 = arith.constant 0 : i32
        %dma_wait3A_116 = tpu.memref_slice %arg5[%arg0, %mul3A_109, %dma_wait3A_115] : memref<2x10000x128xf32, #tpu.memory_space<hbm>> -> memref<1x80x128xf32, #tpu.memory_space<hbm>>
        %dma_wait3A_117 = tpu.memref_squeeze %dma_wait3A_116 : memref<1x80x128xf32, #tpu.memory_space<hbm>> -> memref<80x128xf32, #tpu.memory_space<hbm>>
        %dma_wait3A_118 = arith.constant 0 : i32
        %dma_wait3A_119 = tpu.memref_slice %arg8[%mul3A_107, %dma_wait3A_118] : memref<10008x128xf32, #tpu.memory_space<vmem_shared>> -> memref<80x128xf32, #tpu.memory_space<vmem_shared>>
        tpu.wait_dma2 semaphore(%run_scoped3A : memref<!tpu.dma_semaphore, #tpu.memory_space<semaphore_mem>>) src(%dma_wait3A_119 : memref<80x128xf32, #tpu.memory_space<vmem_shared>>) dst(%dma_wait3A_117 : memref<80x128xf32, #tpu.memory_space<hbm>>)
        tpu.yield
      }) : () -> ()
    }
    return
  }
}

#map = affine_map<(d0, d1) -> (0, 0)>
#map1 = affine_map<(d0, d1) -> (0)>
#map2 = affine_map<(d0, d1) -> (0, 0, 0)>
module attributes {stable_mosaic.version = 14 : i64} {
  func.func @_hop_body(%arg0: i32, %arg1: i32, %arg2: memref<10000x128xf32, #tpu.memory_space<hbm>>, %arg3: memref<327680xi32, #tpu.memory_space<hbm>>, %arg4: memref<2560x128xi32, #tpu.memory_space<hbm>>, %arg5: memref<10000x128xf32, #tpu.memory_space<hbm>>, %arg6: memref<2x10000x128xf32, #tpu.memory_space<hbm>>, %arg7: memref<80x128xi32, #tpu.memory_space<vmem>>, %arg8: memref<128xi32, #tpu.memory_space<vmem>>, %arg9: memref<128xi32, #tpu.memory_space<vmem>>, %arg10: memref<128xi32, #tpu.memory_space<vmem>>, %arg11: memref<128xi32, #tpu.memory_space<vmem>>, %arg12: memref<128x128xf32, #tpu.memory_space<vmem>>, %arg13: memref<128x128xf32, #tpu.memory_space<vmem>>, %arg14: memref<10008x128xf32, #tpu.memory_space<vmem_shared>>, %arg15: memref<!tpu.dma_semaphore, #tpu.memory_space<semaphore_mem>>, %arg16: memref<!tpu.dma_semaphore, #tpu.memory_space<semaphore_mem>>, %arg17: memref<!tpu.dma_semaphore, #tpu.memory_space<semaphore_mem>>, %arg18: memref<!tpu.dma_semaphore, #tpu.memory_space<semaphore_mem>>, %arg19: memref<!tpu.dma_semaphore, #tpu.memory_space<semaphore_mem>>, %arg20: memref<!tpu.dma_semaphore, #tpu.memory_space<semaphore_mem>>, %arg21: memref<!tpu.dma_semaphore, #tpu.memory_space<semaphore_mem>>, %arg22: memref<!tpu.dma_semaphore, #tpu.memory_space<semaphore_mem>>, %arg23: memref<!tpu.dma_semaphore, #tpu.memory_space<semaphore_mem>>) attributes {dimension_semantics = [#tpu.dimension_semantics<core_parallel>, #tpu.dimension_semantics<subcore_parallel>], iteration_bounds = array<i64: 2, 16>, scalar_prefetch = 0 : i64, scratch_operands = 17 : i64, tpu.core_type = #tpu.core_type<sc_vector_subcore>, window_params = [{transform_indices = #map}, {transform_indices = #map1}, {transform_indices = #map}, {transform_indices = #map}, {transform_indices = #map2}]} {
    %mul3A = arith.constant 16 : i32
    %mul3A_0 = arith.muli %arg0, %mul3A : i32
    %add3A = arith.addi %mul3A_0, %arg1 : i32
    %mul3A_1 = arith.constant 80 : i32
    %mul3A_2 = arith.muli %add3A, %mul3A_1 : i32
    %mul3A_3 = arith.constant 128 : i32
    %mul3A_4 = arith.muli %mul3A_2, %mul3A_3 : i32
    %dma_start3A = arith.constant 0 : i32
    %dma_start3A_5 = tpu.memref_slice %arg4[%mul3A_2, %dma_start3A] : memref<2560x128xi32, #tpu.memory_space<hbm>> -> memref<80x128xi32, #tpu.memory_space<hbm>>
    %dma_start3A_6 = arith.constant 0 : i32
    %dma_start3A_7 = tpu.memref_slice %arg4[%mul3A_2, %dma_start3A_6] : memref<2560x128xi32, #tpu.memory_space<hbm>> -> memref<80x128xi32, #tpu.memory_space<hbm>>
    tpu.enqueue_dma source(%dma_start3A_7 : memref<80x128xi32, #tpu.memory_space<hbm>>) target(%arg7 : memref<80x128xi32, #tpu.memory_space<vmem>>) target_semaphore(%arg15 : memref<!tpu.dma_semaphore, #tpu.memory_space<semaphore_mem>>)
    %add3A_8 = arith.constant 0 : i32
    %add3A_9 = arith.addi %mul3A_4, %add3A_8 : i32
    %dma_start3A_10 = tpu.memref_slice %arg3[%add3A_9] : memref<327680xi32, #tpu.memory_space<hbm>> -> memref<128xi32, #tpu.memory_space<hbm>>
    %dma_start3A_11 = tpu.memref_slice %arg3[%add3A_9] : memref<327680xi32, #tpu.memory_space<hbm>> -> memref<128xi32, #tpu.memory_space<hbm>>
    tpu.enqueue_dma source(%dma_start3A_11 : memref<128xi32, #tpu.memory_space<hbm>>) target(%arg8 : memref<128xi32, #tpu.memory_space<vmem>>) target_semaphore(%arg16 : memref<!tpu.dma_semaphore, #tpu.memory_space<semaphore_mem>>)
    %add3A_12 = arith.constant 128 : i32
    %add3A_13 = arith.addi %mul3A_4, %add3A_12 : i32
    %dma_start3A_14 = tpu.memref_slice %arg3[%add3A_13] : memref<327680xi32, #tpu.memory_space<hbm>> -> memref<128xi32, #tpu.memory_space<hbm>>
    %dma_start3A_15 = tpu.memref_slice %arg3[%add3A_13] : memref<327680xi32, #tpu.memory_space<hbm>> -> memref<128xi32, #tpu.memory_space<hbm>>
    tpu.enqueue_dma source(%dma_start3A_15 : memref<128xi32, #tpu.memory_space<hbm>>) target(%arg9 : memref<128xi32, #tpu.memory_space<vmem>>) target_semaphore(%arg17 : memref<!tpu.dma_semaphore, #tpu.memory_space<semaphore_mem>>)
    %add3A_16 = arith.constant 256 : i32
    %add3A_17 = arith.addi %mul3A_4, %add3A_16 : i32
    %dma_start3A_18 = tpu.memref_slice %arg3[%add3A_17] : memref<327680xi32, #tpu.memory_space<hbm>> -> memref<128xi32, #tpu.memory_space<hbm>>
    %dma_start3A_19 = tpu.memref_slice %arg3[%add3A_17] : memref<327680xi32, #tpu.memory_space<hbm>> -> memref<128xi32, #tpu.memory_space<hbm>>
    tpu.enqueue_dma source(%dma_start3A_19 : memref<128xi32, #tpu.memory_space<hbm>>) target(%arg10 : memref<128xi32, #tpu.memory_space<vmem>>) target_semaphore(%arg18 : memref<!tpu.dma_semaphore, #tpu.memory_space<semaphore_mem>>)
    %add3A_20 = arith.constant 384 : i32
    %add3A_21 = arith.addi %mul3A_4, %add3A_20 : i32
    %dma_start3A_22 = tpu.memref_slice %arg3[%add3A_21] : memref<327680xi32, #tpu.memory_space<hbm>> -> memref<128xi32, #tpu.memory_space<hbm>>
    %dma_start3A_23 = tpu.memref_slice %arg3[%add3A_21] : memref<327680xi32, #tpu.memory_space<hbm>> -> memref<128xi32, #tpu.memory_space<hbm>>
    tpu.enqueue_dma source(%dma_start3A_23 : memref<128xi32, #tpu.memory_space<hbm>>) target(%arg11 : memref<128xi32, #tpu.memory_space<vmem>>) target_semaphore(%arg19 : memref<!tpu.dma_semaphore, #tpu.memory_space<semaphore_mem>>)
    %sub3A = arith.constant 125 : i32
    %sub3A_24 = arith.subi %sub3A, %arg1 : i32
    %sub3A_25 = arith.constant 16 : i32
    %sub3A_26 = arith.constant 1 : i32
    %sub3A_27 = arith.subi %sub3A_25, %sub3A_26 : i32
    %add3A_28 = arith.addi %sub3A_24, %sub3A_27 : i32
    %div3A = arith.constant 16 : i32
    %div3A_29 = arith.divsi %add3A_28, %div3A : i32
    %while3A = arith.constant 16 : i32
    %while3A_30 = arith.constant 0 : i32
    %while3A_31 = arith.subi %div3A_29, %while3A_30 : i32
    %while3A_32 = arith.addi %while3A_30, %while3A_31 : i32
    %while3A_33 = arith.constant 1 : i32
    %while3A_34 = arith.divsi %while3A_31, %while3A_33 : i32
    %while3A_35 = arith.muli %while3A_34, %while3A_33 : i32
    %while3A_36 = arith.addi %while3A_30, %while3A_35 : i32
    %while3A_37 = arith.constant 1 : i32
    scf.for %while3A_273 = %while3A_30 to %while3A_36 step %while3A_37  : i32 {
      %mul3A_274 = arith.muli %while3A_273, %while3A : i32
      %add3A_275 = arith.addi %arg1, %mul3A_274 : i32
      %mul3A_276 = arith.constant 80 : i32
      %mul3A_277 = arith.muli %add3A_275, %mul3A_276 : i32
      %mul3A_278 = arith.constant 80 : i32
      %mul3A_279 = arith.muli %add3A_275, %mul3A_278 : i32
      "tpu.region"() ({
        %run_scoped3A = tpu.sem_alloc : memref<!tpu.dma_semaphore, #tpu.memory_space<semaphore_mem>>
        %dma_start3A_280 = arith.constant 0 : i32
        %dma_start3A_281 = tpu.memref_slice %arg14[%mul3A_279, %dma_start3A_280] : memref<10008x128xf32, #tpu.memory_space<vmem_shared>> -> memref<80x128xf32, #tpu.memory_space<vmem_shared>>
        %dma_start3A_282 = arith.constant 0 : i32
        %dma_start3A_283 = tpu.memref_slice %arg5[%mul3A_277, %dma_start3A_282] : memref<10000x128xf32, #tpu.memory_space<hbm>> -> memref<80x128xf32, #tpu.memory_space<hbm>>
        tpu.enqueue_dma source(%dma_start3A_283 : memref<80x128xf32, #tpu.memory_space<hbm>>) target(%dma_start3A_281 : memref<80x128xf32, #tpu.memory_space<vmem_shared>>) target_semaphore(%run_scoped3A : memref<!tpu.dma_semaphore, #tpu.memory_space<semaphore_mem>>)
        %dma_wait3A_284 = arith.constant 0 : i32
        %dma_wait3A_285 = tpu.memref_slice %arg14[%mul3A_279, %dma_wait3A_284] : memref<10008x128xf32, #tpu.memory_space<vmem_shared>> -> memref<80x128xf32, #tpu.memory_space<vmem_shared>>
        %dma_wait3A_286 = arith.constant 0 : i32
        %dma_wait3A_287 = tpu.memref_slice %arg5[%mul3A_277, %dma_wait3A_286] : memref<10000x128xf32, #tpu.memory_space<hbm>> -> memref<80x128xf32, #tpu.memory_space<hbm>>
        tpu.wait_dma2 semaphore(%run_scoped3A : memref<!tpu.dma_semaphore, #tpu.memory_space<semaphore_mem>>) src(%dma_wait3A_287 : memref<80x128xf32, #tpu.memory_space<hbm>>) dst(%dma_wait3A_285 : memref<80x128xf32, #tpu.memory_space<vmem_shared>>)
        tpu.yield
      }) : () -> ()
    }
    %while3A_38 = arith.constant 1 : i32
    scf.for %while3A_273 = %while3A_36 to %while3A_32 step %while3A_38  : i32 {
      %mul3A_274 = arith.muli %while3A_273, %while3A : i32
      %add3A_275 = arith.addi %arg1, %mul3A_274 : i32
      %mul3A_276 = arith.constant 80 : i32
      %mul3A_277 = arith.muli %add3A_275, %mul3A_276 : i32
      %mul3A_278 = arith.constant 80 : i32
      %mul3A_279 = arith.muli %add3A_275, %mul3A_278 : i32
      "tpu.region"() ({
        %run_scoped3A = tpu.sem_alloc : memref<!tpu.dma_semaphore, #tpu.memory_space<semaphore_mem>>
        %dma_start3A_280 = arith.constant 0 : i32
        %dma_start3A_281 = tpu.memref_slice %arg14[%mul3A_279, %dma_start3A_280] : memref<10008x128xf32, #tpu.memory_space<vmem_shared>> -> memref<80x128xf32, #tpu.memory_space<vmem_shared>>
        %dma_start3A_282 = arith.constant 0 : i32
        %dma_start3A_283 = tpu.memref_slice %arg5[%mul3A_277, %dma_start3A_282] : memref<10000x128xf32, #tpu.memory_space<hbm>> -> memref<80x128xf32, #tpu.memory_space<hbm>>
        tpu.enqueue_dma source(%dma_start3A_283 : memref<80x128xf32, #tpu.memory_space<hbm>>) target(%dma_start3A_281 : memref<80x128xf32, #tpu.memory_space<vmem_shared>>) target_semaphore(%run_scoped3A : memref<!tpu.dma_semaphore, #tpu.memory_space<semaphore_mem>>)
        %dma_wait3A_284 = arith.constant 0 : i32
        %dma_wait3A_285 = tpu.memref_slice %arg14[%mul3A_279, %dma_wait3A_284] : memref<10008x128xf32, #tpu.memory_space<vmem_shared>> -> memref<80x128xf32, #tpu.memory_space<vmem_shared>>
        %dma_wait3A_286 = arith.constant 0 : i32
        %dma_wait3A_287 = tpu.memref_slice %arg5[%mul3A_277, %dma_wait3A_286] : memref<10000x128xf32, #tpu.memory_space<hbm>> -> memref<80x128xf32, #tpu.memory_space<hbm>>
        tpu.wait_dma2 semaphore(%run_scoped3A : memref<!tpu.dma_semaphore, #tpu.memory_space<semaphore_mem>>) src(%dma_wait3A_287 : memref<80x128xf32, #tpu.memory_space<hbm>>) dst(%dma_wait3A_285 : memref<80x128xf32, #tpu.memory_space<vmem_shared>>)
        tpu.yield
      }) : () -> ()
    }
    %dma_wait3A = arith.constant 0 : i32
    %dma_wait3A_39 = tpu.memref_slice %arg4[%mul3A_2, %dma_wait3A] : memref<2560x128xi32, #tpu.memory_space<hbm>> -> memref<80x128xi32, #tpu.memory_space<hbm>>
    %dma_wait3A_40 = arith.constant 0 : i32
    %dma_wait3A_41 = tpu.memref_slice %arg4[%mul3A_2, %dma_wait3A_40] : memref<2560x128xi32, #tpu.memory_space<hbm>> -> memref<80x128xi32, #tpu.memory_space<hbm>>
    tpu.wait_dma2 semaphore(%arg15 : memref<!tpu.dma_semaphore, #tpu.memory_space<semaphore_mem>>) src(%dma_wait3A_41 : memref<80x128xi32, #tpu.memory_space<hbm>>) dst(%arg7 : memref<80x128xi32, #tpu.memory_space<vmem>>)
    %barrier3A = arith.constant 0 : index
    tpu.barrier barrier_id(%barrier3A)
    %add3A_42 = arith.constant 0 : i32
    %add3A_43 = arith.addi %mul3A_4, %add3A_42 : i32
    %dma_wait3A_44 = tpu.memref_slice %arg3[%add3A_43] : memref<327680xi32, #tpu.memory_space<hbm>> -> memref<128xi32, #tpu.memory_space<hbm>>
    %dma_wait3A_45 = tpu.memref_slice %arg3[%add3A_43] : memref<327680xi32, #tpu.memory_space<hbm>> -> memref<128xi32, #tpu.memory_space<hbm>>
    tpu.wait_dma2 semaphore(%arg16 : memref<!tpu.dma_semaphore, #tpu.memory_space<semaphore_mem>>) src(%dma_wait3A_45 : memref<128xi32, #tpu.memory_space<hbm>>) dst(%arg8 : memref<128xi32, #tpu.memory_space<vmem>>)
    %dma_start3A_46 = arith.constant 0 : i32
    %dma_start3A_47 = arith.constant 0 : i32
    %dma_start3A_48 = tpu.memref_slice %arg2[%dma_start3A_46, %dma_start3A_47] : memref<10000x128xf32, #tpu.memory_space<hbm>> -> memref<10000x128xf32, #tpu.memory_space<hbm>>
    tpu.enqueue_indirect_dma source(%dma_start3A_48 : memref<10000x128xf32, #tpu.memory_space<hbm>>) target(%arg12 : memref<128x128xf32, #tpu.memory_space<vmem>>) offsets(%arg8 : memref<128xi32, #tpu.memory_space<vmem>>) semaphore(%arg20 : memref<!tpu.dma_semaphore, #tpu.memory_space<semaphore_mem>>)
    %dma_wait3A_49 = arith.constant 0 : i32
    %dma_wait3A_50 = arith.constant 0 : i32
    %dma_wait3A_51 = tpu.memref_slice %arg2[%dma_wait3A_49, %dma_wait3A_50] : memref<10000x128xf32, #tpu.memory_space<hbm>> -> memref<10000x128xf32, #tpu.memory_space<hbm>>
    tpu.wait_indirect_dma semaphore(%arg20 : memref<!tpu.dma_semaphore, #tpu.memory_space<semaphore_mem>>) src(%dma_wait3A_51 : memref<10000x128xf32, #tpu.memory_space<hbm>>) dst(%arg12 : memref<128x128xf32, #tpu.memory_space<vmem>>)
    %dma_start3A_52 = arith.constant 0 : i32
    %dma_start3A_53 = arith.constant 0 : i32
    %dma_start3A_54 = tpu.memref_slice %arg7[%dma_start3A_52, %dma_start3A_53] : memref<80x128xi32, #tpu.memory_space<vmem>> -> memref<1x128xi32, #tpu.memory_space<vmem>>
    %dma_start3A_55 = tpu.memref_squeeze %dma_start3A_54 : memref<1x128xi32, #tpu.memory_space<vmem>> -> memref<128xi32, #tpu.memory_space<vmem>>
    %dma_start3A_56 = arith.constant 0 : i32
    %dma_start3A_57 = arith.constant 0 : i32
    %dma_start3A_58 = tpu.memref_slice %arg14[%dma_start3A_56, %dma_start3A_57] : memref<10008x128xf32, #tpu.memory_space<vmem_shared>> -> memref<10008x128xf32, #tpu.memory_space<vmem_shared>>
    tpu.enqueue_indirect_dma source(%arg12 : memref<128x128xf32, #tpu.memory_space<vmem>>) target(%dma_start3A_58 : memref<10008x128xf32, #tpu.memory_space<vmem_shared>>) offsets(%dma_start3A_55 : memref<128xi32, #tpu.memory_space<vmem>>) semaphore(%arg22 : memref<!tpu.dma_semaphore, #tpu.memory_space<semaphore_mem>>) {add = true}
    %add3A_59 = arith.constant 512 : i32
    %add3A_60 = arith.addi %mul3A_4, %add3A_59 : i32
    %dma_start3A_61 = tpu.memref_slice %arg3[%add3A_60] : memref<327680xi32, #tpu.memory_space<hbm>> -> memref<128xi32, #tpu.memory_space<hbm>>
    %dma_start3A_62 = tpu.memref_slice %arg3[%add3A_60] : memref<327680xi32, #tpu.memory_space<hbm>> -> memref<128xi32, #tpu.memory_space<hbm>>
    tpu.enqueue_dma source(%dma_start3A_62 : memref<128xi32, #tpu.memory_space<hbm>>) target(%arg8 : memref<128xi32, #tpu.memory_space<vmem>>) target_semaphore(%arg16 : memref<!tpu.dma_semaphore, #tpu.memory_space<semaphore_mem>>)
    %add3A_63 = arith.constant 128 : i32
    %add3A_64 = arith.addi %mul3A_4, %add3A_63 : i32
    %dma_wait3A_65 = tpu.memref_slice %arg3[%add3A_64] : memref<327680xi32, #tpu.memory_space<hbm>> -> memref<128xi32, #tpu.memory_space<hbm>>
    %dma_wait3A_66 = tpu.memref_slice %arg3[%add3A_64] : memref<327680xi32, #tpu.memory_space<hbm>> -> memref<128xi32, #tpu.memory_space<hbm>>
    tpu.wait_dma2 semaphore(%arg17 : memref<!tpu.dma_semaphore, #tpu.memory_space<semaphore_mem>>) src(%dma_wait3A_66 : memref<128xi32, #tpu.memory_space<hbm>>) dst(%arg9 : memref<128xi32, #tpu.memory_space<vmem>>)
    %dma_start3A_67 = arith.constant 0 : i32
    %dma_start3A_68 = arith.constant 0 : i32
    %dma_start3A_69 = tpu.memref_slice %arg2[%dma_start3A_67, %dma_start3A_68] : memref<10000x128xf32, #tpu.memory_space<hbm>> -> memref<10000x128xf32, #tpu.memory_space<hbm>>
    tpu.enqueue_indirect_dma source(%dma_start3A_69 : memref<10000x128xf32, #tpu.memory_space<hbm>>) target(%arg13 : memref<128x128xf32, #tpu.memory_space<vmem>>) offsets(%arg9 : memref<128xi32, #tpu.memory_space<vmem>>) semaphore(%arg21 : memref<!tpu.dma_semaphore, #tpu.memory_space<semaphore_mem>>)
    %dma_wait3A_70 = arith.constant 0 : i32
    %dma_wait3A_71 = arith.constant 0 : i32
    %dma_wait3A_72 = tpu.memref_slice %arg2[%dma_wait3A_70, %dma_wait3A_71] : memref<10000x128xf32, #tpu.memory_space<hbm>> -> memref<10000x128xf32, #tpu.memory_space<hbm>>
    tpu.wait_indirect_dma semaphore(%arg21 : memref<!tpu.dma_semaphore, #tpu.memory_space<semaphore_mem>>) src(%dma_wait3A_72 : memref<10000x128xf32, #tpu.memory_space<hbm>>) dst(%arg13 : memref<128x128xf32, #tpu.memory_space<vmem>>)
    %dma_start3A_73 = arith.constant 1 : i32
    %dma_start3A_74 = arith.constant 0 : i32
    %dma_start3A_75 = tpu.memref_slice %arg7[%dma_start3A_73, %dma_start3A_74] : memref<80x128xi32, #tpu.memory_space<vmem>> -> memref<1x128xi32, #tpu.memory_space<vmem>>
    %dma_start3A_76 = tpu.memref_squeeze %dma_start3A_75 : memref<1x128xi32, #tpu.memory_space<vmem>> -> memref<128xi32, #tpu.memory_space<vmem>>
    %dma_start3A_77 = arith.constant 0 : i32
    %dma_start3A_78 = arith.constant 0 : i32
    %dma_start3A_79 = tpu.memref_slice %arg14[%dma_start3A_77, %dma_start3A_78] : memref<10008x128xf32, #tpu.memory_space<vmem_shared>> -> memref<10008x128xf32, #tpu.memory_space<vmem_shared>>
    tpu.enqueue_indirect_dma source(%arg13 : memref<128x128xf32, #tpu.memory_space<vmem>>) target(%dma_start3A_79 : memref<10008x128xf32, #tpu.memory_space<vmem_shared>>) offsets(%dma_start3A_76 : memref<128xi32, #tpu.memory_space<vmem>>) semaphore(%arg23 : memref<!tpu.dma_semaphore, #tpu.memory_space<semaphore_mem>>) {add = true}
    %add3A_80 = arith.constant 640 : i32
    %add3A_81 = arith.addi %mul3A_4, %add3A_80 : i32
    %dma_start3A_82 = tpu.memref_slice %arg3[%add3A_81] : memref<327680xi32, #tpu.memory_space<hbm>> -> memref<128xi32, #tpu.memory_space<hbm>>
    %dma_start3A_83 = tpu.memref_slice %arg3[%add3A_81] : memref<327680xi32, #tpu.memory_space<hbm>> -> memref<128xi32, #tpu.memory_space<hbm>>
    tpu.enqueue_dma source(%dma_start3A_83 : memref<128xi32, #tpu.memory_space<hbm>>) target(%arg9 : memref<128xi32, #tpu.memory_space<vmem>>) target_semaphore(%arg17 : memref<!tpu.dma_semaphore, #tpu.memory_space<semaphore_mem>>)
    %dma_wait3A_84 = arith.constant 0 : i32
    %dma_wait3A_85 = arith.constant 0 : i32
    %dma_wait3A_86 = tpu.memref_slice %arg7[%dma_wait3A_84, %dma_wait3A_85] : memref<80x128xi32, #tpu.memory_space<vmem>> -> memref<1x128xi32, #tpu.memory_space<vmem>>
    %dma_wait3A_87 = tpu.memref_squeeze %dma_wait3A_86 : memref<1x128xi32, #tpu.memory_space<vmem>> -> memref<128xi32, #tpu.memory_space<vmem>>
    %dma_wait3A_88 = arith.constant 0 : i32
    %dma_wait3A_89 = arith.constant 0 : i32
    %dma_wait3A_90 = tpu.memref_slice %arg14[%dma_wait3A_88, %dma_wait3A_89] : memref<10008x128xf32, #tpu.memory_space<vmem_shared>> -> memref<10008x128xf32, #tpu.memory_space<vmem_shared>>
    tpu.wait_indirect_dma semaphore(%arg22 : memref<!tpu.dma_semaphore, #tpu.memory_space<semaphore_mem>>) src(%arg12 : memref<128x128xf32, #tpu.memory_space<vmem>>) dst(%dma_wait3A_90 : memref<10008x128xf32, #tpu.memory_space<vmem_shared>>)
    %add3A_91 = arith.constant 256 : i32
    %add3A_92 = arith.addi %mul3A_4, %add3A_91 : i32
    %dma_wait3A_93 = tpu.memref_slice %arg3[%add3A_92] : memref<327680xi32, #tpu.memory_space<hbm>> -> memref<128xi32, #tpu.memory_space<hbm>>
    %dma_wait3A_94 = tpu.memref_slice %arg3[%add3A_92] : memref<327680xi32, #tpu.memory_space<hbm>> -> memref<128xi32, #tpu.memory_space<hbm>>
    tpu.wait_dma2 semaphore(%arg18 : memref<!tpu.dma_semaphore, #tpu.memory_space<semaphore_mem>>) src(%dma_wait3A_94 : memref<128xi32, #tpu.memory_space<hbm>>) dst(%arg10 : memref<128xi32, #tpu.memory_space<vmem>>)
    %dma_start3A_95 = arith.constant 0 : i32
    %dma_start3A_96 = arith.constant 0 : i32
    %dma_start3A_97 = tpu.memref_slice %arg2[%dma_start3A_95, %dma_start3A_96] : memref<10000x128xf32, #tpu.memory_space<hbm>> -> memref<10000x128xf32, #tpu.memory_space<hbm>>
    tpu.enqueue_indirect_dma source(%dma_start3A_97 : memref<10000x128xf32, #tpu.memory_space<hbm>>) target(%arg12 : memref<128x128xf32, #tpu.memory_space<vmem>>) offsets(%arg10 : memref<128xi32, #tpu.memory_space<vmem>>) semaphore(%arg20 : memref<!tpu.dma_semaphore, #tpu.memory_space<semaphore_mem>>)
    %dma_wait3A_98 = arith.constant 0 : i32
    %dma_wait3A_99 = arith.constant 0 : i32
    %dma_wait3A_100 = tpu.memref_slice %arg2[%dma_wait3A_98, %dma_wait3A_99] : memref<10000x128xf32, #tpu.memory_space<hbm>> -> memref<10000x128xf32, #tpu.memory_space<hbm>>
    tpu.wait_indirect_dma semaphore(%arg20 : memref<!tpu.dma_semaphore, #tpu.memory_space<semaphore_mem>>) src(%dma_wait3A_100 : memref<10000x128xf32, #tpu.memory_space<hbm>>) dst(%arg12 : memref<128x128xf32, #tpu.memory_space<vmem>>)
    %dma_start3A_101 = arith.constant 2 : i32
    %dma_start3A_102 = arith.constant 0 : i32
    %dma_start3A_103 = tpu.memref_slice %arg7[%dma_start3A_101, %dma_start3A_102] : memref<80x128xi32, #tpu.memory_space<vmem>> -> memref<1x128xi32, #tpu.memory_space<vmem>>
    %dma_start3A_104 = tpu.memref_squeeze %dma_start3A_103 : memref<1x128xi32, #tpu.memory_space<vmem>> -> memref<128xi32, #tpu.memory_space<vmem>>
    %dma_start3A_105 = arith.constant 0 : i32
    %dma_start3A_106 = arith.constant 0 : i32
    %dma_start3A_107 = tpu.memref_slice %arg14[%dma_start3A_105, %dma_start3A_106] : memref<10008x128xf32, #tpu.memory_space<vmem_shared>> -> memref<10008x128xf32, #tpu.memory_space<vmem_shared>>
    tpu.enqueue_indirect_dma source(%arg12 : memref<128x128xf32, #tpu.memory_space<vmem>>) target(%dma_start3A_107 : memref<10008x128xf32, #tpu.memory_space<vmem_shared>>) offsets(%dma_start3A_104 : memref<128xi32, #tpu.memory_space<vmem>>) semaphore(%arg22 : memref<!tpu.dma_semaphore, #tpu.memory_space<semaphore_mem>>) {add = true}
    %add3A_108 = arith.constant 768 : i32
    %add3A_109 = arith.addi %mul3A_4, %add3A_108 : i32
    %dma_start3A_110 = tpu.memref_slice %arg3[%add3A_109] : memref<327680xi32, #tpu.memory_space<hbm>> -> memref<128xi32, #tpu.memory_space<hbm>>
    %dma_start3A_111 = tpu.memref_slice %arg3[%add3A_109] : memref<327680xi32, #tpu.memory_space<hbm>> -> memref<128xi32, #tpu.memory_space<hbm>>
    tpu.enqueue_dma source(%dma_start3A_111 : memref<128xi32, #tpu.memory_space<hbm>>) target(%arg10 : memref<128xi32, #tpu.memory_space<vmem>>) target_semaphore(%arg18 : memref<!tpu.dma_semaphore, #tpu.memory_space<semaphore_mem>>)
    %dma_wait3A_112 = arith.constant 1 : i32
    %dma_wait3A_113 = arith.constant 0 : i32
    %dma_wait3A_114 = tpu.memref_slice %arg7[%dma_wait3A_112, %dma_wait3A_113] : memref<80x128xi32, #tpu.memory_space<vmem>> -> memref<1x128xi32, #tpu.memory_space<vmem>>
    %dma_wait3A_115 = tpu.memref_squeeze %dma_wait3A_114 : memref<1x128xi32, #tpu.memory_space<vmem>> -> memref<128xi32, #tpu.memory_space<vmem>>
    %dma_wait3A_116 = arith.constant 0 : i32
    %dma_wait3A_117 = arith.constant 0 : i32
    %dma_wait3A_118 = tpu.memref_slice %arg14[%dma_wait3A_116, %dma_wait3A_117] : memref<10008x128xf32, #tpu.memory_space<vmem_shared>> -> memref<10008x128xf32, #tpu.memory_space<vmem_shared>>
    tpu.wait_indirect_dma semaphore(%arg23 : memref<!tpu.dma_semaphore, #tpu.memory_space<semaphore_mem>>) src(%arg13 : memref<128x128xf32, #tpu.memory_space<vmem>>) dst(%dma_wait3A_118 : memref<10008x128xf32, #tpu.memory_space<vmem_shared>>)
    %add3A_119 = arith.constant 384 : i32
    %add3A_120 = arith.addi %mul3A_4, %add3A_119 : i32
    %dma_wait3A_121 = tpu.memref_slice %arg3[%add3A_120] : memref<327680xi32, #tpu.memory_space<hbm>> -> memref<128xi32, #tpu.memory_space<hbm>>
    %dma_wait3A_122 = tpu.memref_slice %arg3[%add3A_120] : memref<327680xi32, #tpu.memory_space<hbm>> -> memref<128xi32, #tpu.memory_space<hbm>>
    tpu.wait_dma2 semaphore(%arg19 : memref<!tpu.dma_semaphore, #tpu.memory_space<semaphore_mem>>) src(%dma_wait3A_122 : memref<128xi32, #tpu.memory_space<hbm>>) dst(%arg11 : memref<128xi32, #tpu.memory_space<vmem>>)
    %dma_start3A_123 = arith.constant 0 : i32
    %dma_start3A_124 = arith.constant 0 : i32
    %dma_start3A_125 = tpu.memref_slice %arg2[%dma_start3A_123, %dma_start3A_124] : memref<10000x128xf32, #tpu.memory_space<hbm>> -> memref<10000x128xf32, #tpu.memory_space<hbm>>
    tpu.enqueue_indirect_dma source(%dma_start3A_125 : memref<10000x128xf32, #tpu.memory_space<hbm>>) target(%arg13 : memref<128x128xf32, #tpu.memory_space<vmem>>) offsets(%arg11 : memref<128xi32, #tpu.memory_space<vmem>>) semaphore(%arg21 : memref<!tpu.dma_semaphore, #tpu.memory_space<semaphore_mem>>)
    %scan3A = arith.constant 0 : i32
    %scan3A_126 = arith.constant 18 : i32
    %scan3A_127 = arith.addi %scan3A, %scan3A_126 : i32
    %scan3A_128 = arith.constant 1 : i32
    scf.for %scan3A_273 = %scan3A to %scan3A_127 step %scan3A_128  : i32 {
      %mul3A_274 = arith.constant 4 : i32
      %mul3A_275 = arith.muli %scan3A_273, %mul3A_274 : i32
      %add3A_276 = arith.constant 4 : i32
      %add3A_277 = arith.addi %add3A_276, %mul3A_275 : i32
      %add3A_278 = arith.constant 0 : i32
      %add3A_279 = arith.addi %add3A_277, %add3A_278 : i32
      %sub3A_280 = arith.constant 1 : i32
      %sub3A_281 = arith.subi %add3A_279, %sub3A_280 : i32
      %dma_wait3A_282 = arith.constant 0 : i32
      %dma_wait3A_283 = arith.constant 0 : i32
      %dma_wait3A_284 = tpu.memref_slice %arg2[%dma_wait3A_282, %dma_wait3A_283] : memref<10000x128xf32, #tpu.memory_space<hbm>> -> memref<10000x128xf32, #tpu.memory_space<hbm>>
      tpu.wait_indirect_dma semaphore(%arg21 : memref<!tpu.dma_semaphore, #tpu.memory_space<semaphore_mem>>) src(%dma_wait3A_284 : memref<10000x128xf32, #tpu.memory_space<hbm>>) dst(%arg13 : memref<128x128xf32, #tpu.memory_space<vmem>>)
      %dma_start3A_285 = arith.constant 0 : i32
      %dma_start3A_286 = tpu.memref_slice %arg7[%sub3A_281, %dma_start3A_285] : memref<80x128xi32, #tpu.memory_space<vmem>> -> memref<1x128xi32, #tpu.memory_space<vmem>>
      %dma_start3A_287 = tpu.memref_squeeze %dma_start3A_286 : memref<1x128xi32, #tpu.memory_space<vmem>> -> memref<128xi32, #tpu.memory_space<vmem>>
      %dma_start3A_288 = arith.constant 0 : i32
      %dma_start3A_289 = arith.constant 0 : i32
      %dma_start3A_290 = tpu.memref_slice %arg14[%dma_start3A_288, %dma_start3A_289] : memref<10008x128xf32, #tpu.memory_space<vmem_shared>> -> memref<10008x128xf32, #tpu.memory_space<vmem_shared>>
      tpu.enqueue_indirect_dma source(%arg13 : memref<128x128xf32, #tpu.memory_space<vmem>>) target(%dma_start3A_290 : memref<10008x128xf32, #tpu.memory_space<vmem_shared>>) offsets(%dma_start3A_287 : memref<128xi32, #tpu.memory_space<vmem>>) semaphore(%arg23 : memref<!tpu.dma_semaphore, #tpu.memory_space<semaphore_mem>>) {add = true}
      %add3A_291 = arith.constant 4 : i32
      %add3A_292 = arith.addi %sub3A_281, %add3A_291 : i32
      %mul3A_293 = arith.constant 128 : i32
      %mul3A_294 = arith.muli %add3A_292, %mul3A_293 : i32
      %add3A_295 = arith.addi %mul3A_4, %mul3A_294 : i32
      %dma_start3A_296 = tpu.memref_slice %arg3[%add3A_295] : memref<327680xi32, #tpu.memory_space<hbm>> -> memref<128xi32, #tpu.memory_space<hbm>>
      %dma_start3A_297 = tpu.memref_slice %arg3[%add3A_295] : memref<327680xi32, #tpu.memory_space<hbm>> -> memref<128xi32, #tpu.memory_space<hbm>>
      tpu.enqueue_dma source(%dma_start3A_297 : memref<128xi32, #tpu.memory_space<hbm>>) target(%arg11 : memref<128xi32, #tpu.memory_space<vmem>>) target_semaphore(%arg19 : memref<!tpu.dma_semaphore, #tpu.memory_space<semaphore_mem>>)
      %sub3A_298 = arith.constant 2 : i32
      %sub3A_299 = arith.subi %add3A_279, %sub3A_298 : i32
      %dma_wait3A_300 = arith.constant 0 : i32
      %dma_wait3A_301 = tpu.memref_slice %arg7[%sub3A_299, %dma_wait3A_300] : memref<80x128xi32, #tpu.memory_space<vmem>> -> memref<1x128xi32, #tpu.memory_space<vmem>>
      %dma_wait3A_302 = tpu.memref_squeeze %dma_wait3A_301 : memref<1x128xi32, #tpu.memory_space<vmem>> -> memref<128xi32, #tpu.memory_space<vmem>>
      %dma_wait3A_303 = arith.constant 0 : i32
      %dma_wait3A_304 = arith.constant 0 : i32
      %dma_wait3A_305 = tpu.memref_slice %arg14[%dma_wait3A_303, %dma_wait3A_304] : memref<10008x128xf32, #tpu.memory_space<vmem_shared>> -> memref<10008x128xf32, #tpu.memory_space<vmem_shared>>
      tpu.wait_indirect_dma semaphore(%arg22 : memref<!tpu.dma_semaphore, #tpu.memory_space<semaphore_mem>>) src(%arg12 : memref<128x128xf32, #tpu.memory_space<vmem>>) dst(%dma_wait3A_305 : memref<10008x128xf32, #tpu.memory_space<vmem_shared>>)
      %mul3A_306 = arith.constant 128 : i32
      %mul3A_307 = arith.muli %add3A_279, %mul3A_306 : i32
      %add3A_308 = arith.addi %mul3A_4, %mul3A_307 : i32
      %dma_wait3A_309 = tpu.memref_slice %arg3[%add3A_308] : memref<327680xi32, #tpu.memory_space<hbm>> -> memref<128xi32, #tpu.memory_space<hbm>>
      %dma_wait3A_310 = tpu.memref_slice %arg3[%add3A_308] : memref<327680xi32, #tpu.memory_space<hbm>> -> memref<128xi32, #tpu.memory_space<hbm>>
      tpu.wait_dma2 semaphore(%arg16 : memref<!tpu.dma_semaphore, #tpu.memory_space<semaphore_mem>>) src(%dma_wait3A_310 : memref<128xi32, #tpu.memory_space<hbm>>) dst(%arg8 : memref<128xi32, #tpu.memory_space<vmem>>)
      %dma_start3A_311 = arith.constant 0 : i32
      %dma_start3A_312 = arith.constant 0 : i32
      %dma_start3A_313 = tpu.memref_slice %arg2[%dma_start3A_311, %dma_start3A_312] : memref<10000x128xf32, #tpu.memory_space<hbm>> -> memref<10000x128xf32, #tpu.memory_space<hbm>>
      tpu.enqueue_indirect_dma source(%dma_start3A_313 : memref<10000x128xf32, #tpu.memory_space<hbm>>) target(%arg12 : memref<128x128xf32, #tpu.memory_space<vmem>>) offsets(%arg8 : memref<128xi32, #tpu.memory_space<vmem>>) semaphore(%arg20 : memref<!tpu.dma_semaphore, #tpu.memory_space<semaphore_mem>>)
      %add3A_314 = arith.constant 1 : i32
      %add3A_315 = arith.addi %add3A_277, %add3A_314 : i32
      %sub3A_316 = arith.constant 1 : i32
      %sub3A_317 = arith.subi %add3A_315, %sub3A_316 : i32
      %dma_wait3A_318 = arith.constant 0 : i32
      %dma_wait3A_319 = arith.constant 0 : i32
      %dma_wait3A_320 = tpu.memref_slice %arg2[%dma_wait3A_318, %dma_wait3A_319] : memref<10000x128xf32, #tpu.memory_space<hbm>> -> memref<10000x128xf32, #tpu.memory_space<hbm>>
      tpu.wait_indirect_dma semaphore(%arg20 : memref<!tpu.dma_semaphore, #tpu.memory_space<semaphore_mem>>) src(%dma_wait3A_320 : memref<10000x128xf32, #tpu.memory_space<hbm>>) dst(%arg12 : memref<128x128xf32, #tpu.memory_space<vmem>>)
      %dma_start3A_321 = arith.constant 0 : i32
      %dma_start3A_322 = tpu.memref_slice %arg7[%sub3A_317, %dma_start3A_321] : memref<80x128xi32, #tpu.memory_space<vmem>> -> memref<1x128xi32, #tpu.memory_space<vmem>>
      %dma_start3A_323 = tpu.memref_squeeze %dma_start3A_322 : memref<1x128xi32, #tpu.memory_space<vmem>> -> memref<128xi32, #tpu.memory_space<vmem>>
      %dma_start3A_324 = arith.constant 0 : i32
      %dma_start3A_325 = arith.constant 0 : i32
      %dma_start3A_326 = tpu.memref_slice %arg14[%dma_start3A_324, %dma_start3A_325] : memref<10008x128xf32, #tpu.memory_space<vmem_shared>> -> memref<10008x128xf32, #tpu.memory_space<vmem_shared>>
      tpu.enqueue_indirect_dma source(%arg12 : memref<128x128xf32, #tpu.memory_space<vmem>>) target(%dma_start3A_326 : memref<10008x128xf32, #tpu.memory_space<vmem_shared>>) offsets(%dma_start3A_323 : memref<128xi32, #tpu.memory_space<vmem>>) semaphore(%arg22 : memref<!tpu.dma_semaphore, #tpu.memory_space<semaphore_mem>>) {add = true}
      %add3A_327 = arith.constant 4 : i32
      %add3A_328 = arith.addi %sub3A_317, %add3A_327 : i32
      %mul3A_329 = arith.constant 128 : i32
      %mul3A_330 = arith.muli %add3A_328, %mul3A_329 : i32
      %add3A_331 = arith.addi %mul3A_4, %mul3A_330 : i32
      %dma_start3A_332 = tpu.memref_slice %arg3[%add3A_331] : memref<327680xi32, #tpu.memory_space<hbm>> -> memref<128xi32, #tpu.memory_space<hbm>>
      %dma_start3A_333 = tpu.memref_slice %arg3[%add3A_331] : memref<327680xi32, #tpu.memory_space<hbm>> -> memref<128xi32, #tpu.memory_space<hbm>>
      tpu.enqueue_dma source(%dma_start3A_333 : memref<128xi32, #tpu.memory_space<hbm>>) target(%arg8 : memref<128xi32, #tpu.memory_space<vmem>>) target_semaphore(%arg16 : memref<!tpu.dma_semaphore, #tpu.memory_space<semaphore_mem>>)
      %sub3A_334 = arith.constant 2 : i32
      %sub3A_335 = arith.subi %add3A_315, %sub3A_334 : i32
      %dma_wait3A_336 = arith.constant 0 : i32
      %dma_wait3A_337 = tpu.memref_slice %arg7[%sub3A_335, %dma_wait3A_336] : memref<80x128xi32, #tpu.memory_space<vmem>> -> memref<1x128xi32, #tpu.memory_space<vmem>>
      %dma_wait3A_338 = tpu.memref_squeeze %dma_wait3A_337 : memref<1x128xi32, #tpu.memory_space<vmem>> -> memref<128xi32, #tpu.memory_space<vmem>>
      %dma_wait3A_339 = arith.constant 0 : i32
      %dma_wait3A_340 = arith.constant 0 : i32
      %dma_wait3A_341 = tpu.memref_slice %arg14[%dma_wait3A_339, %dma_wait3A_340] : memref<10008x128xf32, #tpu.memory_space<vmem_shared>> -> memref<10008x128xf32, #tpu.memory_space<vmem_shared>>
      tpu.wait_indirect_dma semaphore(%arg23 : memref<!tpu.dma_semaphore, #tpu.memory_space<semaphore_mem>>) src(%arg13 : memref<128x128xf32, #tpu.memory_space<vmem>>) dst(%dma_wait3A_341 : memref<10008x128xf32, #tpu.memory_space<vmem_shared>>)
      %mul3A_342 = arith.constant 128 : i32
      %mul3A_343 = arith.muli %add3A_315, %mul3A_342 : i32
      %add3A_344 = arith.addi %mul3A_4, %mul3A_343 : i32
      %dma_wait3A_345 = tpu.memref_slice %arg3[%add3A_344] : memref<327680xi32, #tpu.memory_space<hbm>> -> memref<128xi32, #tpu.memory_space<hbm>>
      %dma_wait3A_346 = tpu.memref_slice %arg3[%add3A_344] : memref<327680xi32, #tpu.memory_space<hbm>> -> memref<128xi32, #tpu.memory_space<hbm>>
      tpu.wait_dma2 semaphore(%arg17 : memref<!tpu.dma_semaphore, #tpu.memory_space<semaphore_mem>>) src(%dma_wait3A_346 : memref<128xi32, #tpu.memory_space<hbm>>) dst(%arg9 : memref<128xi32, #tpu.memory_space<vmem>>)
      %dma_start3A_347 = arith.constant 0 : i32
      %dma_start3A_348 = arith.constant 0 : i32
      %dma_start3A_349 = tpu.memref_slice %arg2[%dma_start3A_347, %dma_start3A_348] : memref<10000x128xf32, #tpu.memory_space<hbm>> -> memref<10000x128xf32, #tpu.memory_space<hbm>>
      tpu.enqueue_indirect_dma source(%dma_start3A_349 : memref<10000x128xf32, #tpu.memory_space<hbm>>) target(%arg13 : memref<128x128xf32, #tpu.memory_space<vmem>>) offsets(%arg9 : memref<128xi32, #tpu.memory_space<vmem>>) semaphore(%arg21 : memref<!tpu.dma_semaphore, #tpu.memory_space<semaphore_mem>>)
      %add3A_350 = arith.constant 2 : i32
      %add3A_351 = arith.addi %add3A_277, %add3A_350 : i32
      %sub3A_352 = arith.constant 1 : i32
      %sub3A_353 = arith.subi %add3A_351, %sub3A_352 : i32
      %dma_wait3A_354 = arith.constant 0 : i32
      %dma_wait3A_355 = arith.constant 0 : i32
      %dma_wait3A_356 = tpu.memref_slice %arg2[%dma_wait3A_354, %dma_wait3A_355] : memref<10000x128xf32, #tpu.memory_space<hbm>> -> memref<10000x128xf32, #tpu.memory_space<hbm>>
      tpu.wait_indirect_dma semaphore(%arg21 : memref<!tpu.dma_semaphore, #tpu.memory_space<semaphore_mem>>) src(%dma_wait3A_356 : memref<10000x128xf32, #tpu.memory_space<hbm>>) dst(%arg13 : memref<128x128xf32, #tpu.memory_space<vmem>>)
      %dma_start3A_357 = arith.constant 0 : i32
      %dma_start3A_358 = tpu.memref_slice %arg7[%sub3A_353, %dma_start3A_357] : memref<80x128xi32, #tpu.memory_space<vmem>> -> memref<1x128xi32, #tpu.memory_space<vmem>>
      %dma_start3A_359 = tpu.memref_squeeze %dma_start3A_358 : memref<1x128xi32, #tpu.memory_space<vmem>> -> memref<128xi32, #tpu.memory_space<vmem>>
      %dma_start3A_360 = arith.constant 0 : i32
      %dma_start3A_361 = arith.constant 0 : i32
      %dma_start3A_362 = tpu.memref_slice %arg14[%dma_start3A_360, %dma_start3A_361] : memref<10008x128xf32, #tpu.memory_space<vmem_shared>> -> memref<10008x128xf32, #tpu.memory_space<vmem_shared>>
      tpu.enqueue_indirect_dma source(%arg13 : memref<128x128xf32, #tpu.memory_space<vmem>>) target(%dma_start3A_362 : memref<10008x128xf32, #tpu.memory_space<vmem_shared>>) offsets(%dma_start3A_359 : memref<128xi32, #tpu.memory_space<vmem>>) semaphore(%arg23 : memref<!tpu.dma_semaphore, #tpu.memory_space<semaphore_mem>>) {add = true}
      %add3A_363 = arith.constant 4 : i32
      %add3A_364 = arith.addi %sub3A_353, %add3A_363 : i32
      %mul3A_365 = arith.constant 128 : i32
      %mul3A_366 = arith.muli %add3A_364, %mul3A_365 : i32
      %add3A_367 = arith.addi %mul3A_4, %mul3A_366 : i32
      %dma_start3A_368 = tpu.memref_slice %arg3[%add3A_367] : memref<327680xi32, #tpu.memory_space<hbm>> -> memref<128xi32, #tpu.memory_space<hbm>>
      %dma_start3A_369 = tpu.memref_slice %arg3[%add3A_367] : memref<327680xi32, #tpu.memory_space<hbm>> -> memref<128xi32, #tpu.memory_space<hbm>>
      tpu.enqueue_dma source(%dma_start3A_369 : memref<128xi32, #tpu.memory_space<hbm>>) target(%arg9 : memref<128xi32, #tpu.memory_space<vmem>>) target_semaphore(%arg17 : memref<!tpu.dma_semaphore, #tpu.memory_space<semaphore_mem>>)
      %sub3A_370 = arith.constant 2 : i32
      %sub3A_371 = arith.subi %add3A_351, %sub3A_370 : i32
      %dma_wait3A_372 = arith.constant 0 : i32
      %dma_wait3A_373 = tpu.memref_slice %arg7[%sub3A_371, %dma_wait3A_372] : memref<80x128xi32, #tpu.memory_space<vmem>> -> memref<1x128xi32, #tpu.memory_space<vmem>>
      %dma_wait3A_374 = tpu.memref_squeeze %dma_wait3A_373 : memref<1x128xi32, #tpu.memory_space<vmem>> -> memref<128xi32, #tpu.memory_space<vmem>>
      %dma_wait3A_375 = arith.constant 0 : i32
      %dma_wait3A_376 = arith.constant 0 : i32
      %dma_wait3A_377 = tpu.memref_slice %arg14[%dma_wait3A_375, %dma_wait3A_376] : memref<10008x128xf32, #tpu.memory_space<vmem_shared>> -> memref<10008x128xf32, #tpu.memory_space<vmem_shared>>
      tpu.wait_indirect_dma semaphore(%arg22 : memref<!tpu.dma_semaphore, #tpu.memory_space<semaphore_mem>>) src(%arg12 : memref<128x128xf32, #tpu.memory_space<vmem>>) dst(%dma_wait3A_377 : memref<10008x128xf32, #tpu.memory_space<vmem_shared>>)
      %mul3A_378 = arith.constant 128 : i32
      %mul3A_379 = arith.muli %add3A_351, %mul3A_378 : i32
      %add3A_380 = arith.addi %mul3A_4, %mul3A_379 : i32
      %dma_wait3A_381 = tpu.memref_slice %arg3[%add3A_380] : memref<327680xi32, #tpu.memory_space<hbm>> -> memref<128xi32, #tpu.memory_space<hbm>>
      %dma_wait3A_382 = tpu.memref_slice %arg3[%add3A_380] : memref<327680xi32, #tpu.memory_space<hbm>> -> memref<128xi32, #tpu.memory_space<hbm>>
      tpu.wait_dma2 semaphore(%arg18 : memref<!tpu.dma_semaphore, #tpu.memory_space<semaphore_mem>>) src(%dma_wait3A_382 : memref<128xi32, #tpu.memory_space<hbm>>) dst(%arg10 : memref<128xi32, #tpu.memory_space<vmem>>)
      %dma_start3A_383 = arith.constant 0 : i32
      %dma_start3A_384 = arith.constant 0 : i32
      %dma_start3A_385 = tpu.memref_slice %arg2[%dma_start3A_383, %dma_start3A_384] : memref<10000x128xf32, #tpu.memory_space<hbm>> -> memref<10000x128xf32, #tpu.memory_space<hbm>>
      tpu.enqueue_indirect_dma source(%dma_start3A_385 : memref<10000x128xf32, #tpu.memory_space<hbm>>) target(%arg12 : memref<128x128xf32, #tpu.memory_space<vmem>>) offsets(%arg10 : memref<128xi32, #tpu.memory_space<vmem>>) semaphore(%arg20 : memref<!tpu.dma_semaphore, #tpu.memory_space<semaphore_mem>>)
      %add3A_386 = arith.constant 3 : i32
      %add3A_387 = arith.addi %add3A_277, %add3A_386 : i32
      %sub3A_388 = arith.constant 1 : i32
      %sub3A_389 = arith.subi %add3A_387, %sub3A_388 : i32
      %dma_wait3A_390 = arith.constant 0 : i32
      %dma_wait3A_391 = arith.constant 0 : i32
      %dma_wait3A_392 = tpu.memref_slice %arg2[%dma_wait3A_390, %dma_wait3A_391] : memref<10000x128xf32, #tpu.memory_space<hbm>> -> memref<10000x128xf32, #tpu.memory_space<hbm>>
      tpu.wait_indirect_dma semaphore(%arg20 : memref<!tpu.dma_semaphore, #tpu.memory_space<semaphore_mem>>) src(%dma_wait3A_392 : memref<10000x128xf32, #tpu.memory_space<hbm>>) dst(%arg12 : memref<128x128xf32, #tpu.memory_space<vmem>>)
      %dma_start3A_393 = arith.constant 0 : i32
      %dma_start3A_394 = tpu.memref_slice %arg7[%sub3A_389, %dma_start3A_393] : memref<80x128xi32, #tpu.memory_space<vmem>> -> memref<1x128xi32, #tpu.memory_space<vmem>>
      %dma_start3A_395 = tpu.memref_squeeze %dma_start3A_394 : memref<1x128xi32, #tpu.memory_space<vmem>> -> memref<128xi32, #tpu.memory_space<vmem>>
      %dma_start3A_396 = arith.constant 0 : i32
      %dma_start3A_397 = arith.constant 0 : i32
      %dma_start3A_398 = tpu.memref_slice %arg14[%dma_start3A_396, %dma_start3A_397] : memref<10008x128xf32, #tpu.memory_space<vmem_shared>> -> memref<10008x128xf32, #tpu.memory_space<vmem_shared>>
      tpu.enqueue_indirect_dma source(%arg12 : memref<128x128xf32, #tpu.memory_space<vmem>>) target(%dma_start3A_398 : memref<10008x128xf32, #tpu.memory_space<vmem_shared>>) offsets(%dma_start3A_395 : memref<128xi32, #tpu.memory_space<vmem>>) semaphore(%arg22 : memref<!tpu.dma_semaphore, #tpu.memory_space<semaphore_mem>>) {add = true}
      %add3A_399 = arith.constant 4 : i32
      %add3A_400 = arith.addi %sub3A_389, %add3A_399 : i32
      %mul3A_401 = arith.constant 128 : i32
      %mul3A_402 = arith.muli %add3A_400, %mul3A_401 : i32
      %add3A_403 = arith.addi %mul3A_4, %mul3A_402 : i32
      %dma_start3A_404 = tpu.memref_slice %arg3[%add3A_403] : memref<327680xi32, #tpu.memory_space<hbm>> -> memref<128xi32, #tpu.memory_space<hbm>>
      %dma_start3A_405 = tpu.memref_slice %arg3[%add3A_403] : memref<327680xi32, #tpu.memory_space<hbm>> -> memref<128xi32, #tpu.memory_space<hbm>>
      tpu.enqueue_dma source(%dma_start3A_405 : memref<128xi32, #tpu.memory_space<hbm>>) target(%arg10 : memref<128xi32, #tpu.memory_space<vmem>>) target_semaphore(%arg18 : memref<!tpu.dma_semaphore, #tpu.memory_space<semaphore_mem>>)
      %sub3A_406 = arith.constant 2 : i32
      %sub3A_407 = arith.subi %add3A_387, %sub3A_406 : i32
      %dma_wait3A_408 = arith.constant 0 : i32
      %dma_wait3A_409 = tpu.memref_slice %arg7[%sub3A_407, %dma_wait3A_408] : memref<80x128xi32, #tpu.memory_space<vmem>> -> memref<1x128xi32, #tpu.memory_space<vmem>>
      %dma_wait3A_410 = tpu.memref_squeeze %dma_wait3A_409 : memref<1x128xi32, #tpu.memory_space<vmem>> -> memref<128xi32, #tpu.memory_space<vmem>>
      %dma_wait3A_411 = arith.constant 0 : i32
      %dma_wait3A_412 = arith.constant 0 : i32
      %dma_wait3A_413 = tpu.memref_slice %arg14[%dma_wait3A_411, %dma_wait3A_412] : memref<10008x128xf32, #tpu.memory_space<vmem_shared>> -> memref<10008x128xf32, #tpu.memory_space<vmem_shared>>
      tpu.wait_indirect_dma semaphore(%arg23 : memref<!tpu.dma_semaphore, #tpu.memory_space<semaphore_mem>>) src(%arg13 : memref<128x128xf32, #tpu.memory_space<vmem>>) dst(%dma_wait3A_413 : memref<10008x128xf32, #tpu.memory_space<vmem_shared>>)
      %mul3A_414 = arith.constant 128 : i32
      %mul3A_415 = arith.muli %add3A_387, %mul3A_414 : i32
      %add3A_416 = arith.addi %mul3A_4, %mul3A_415 : i32
      %dma_wait3A_417 = tpu.memref_slice %arg3[%add3A_416] : memref<327680xi32, #tpu.memory_space<hbm>> -> memref<128xi32, #tpu.memory_space<hbm>>
      %dma_wait3A_418 = tpu.memref_slice %arg3[%add3A_416] : memref<327680xi32, #tpu.memory_space<hbm>> -> memref<128xi32, #tpu.memory_space<hbm>>
      tpu.wait_dma2 semaphore(%arg19 : memref<!tpu.dma_semaphore, #tpu.memory_space<semaphore_mem>>) src(%dma_wait3A_418 : memref<128xi32, #tpu.memory_space<hbm>>) dst(%arg11 : memref<128xi32, #tpu.memory_space<vmem>>)
      %dma_start3A_419 = arith.constant 0 : i32
      %dma_start3A_420 = arith.constant 0 : i32
      %dma_start3A_421 = tpu.memref_slice %arg2[%dma_start3A_419, %dma_start3A_420] : memref<10000x128xf32, #tpu.memory_space<hbm>> -> memref<10000x128xf32, #tpu.memory_space<hbm>>
      tpu.enqueue_indirect_dma source(%dma_start3A_421 : memref<10000x128xf32, #tpu.memory_space<hbm>>) target(%arg13 : memref<128x128xf32, #tpu.memory_space<vmem>>) offsets(%arg11 : memref<128xi32, #tpu.memory_space<vmem>>) semaphore(%arg21 : memref<!tpu.dma_semaphore, #tpu.memory_space<semaphore_mem>>)
    }
    %scan3A_129 = arith.constant 18 : i32
    %dma_wait3A_130 = arith.constant 0 : i32
    %dma_wait3A_131 = arith.constant 0 : i32
    %dma_wait3A_132 = tpu.memref_slice %arg2[%dma_wait3A_130, %dma_wait3A_131] : memref<10000x128xf32, #tpu.memory_space<hbm>> -> memref<10000x128xf32, #tpu.memory_space<hbm>>
    tpu.wait_indirect_dma semaphore(%arg21 : memref<!tpu.dma_semaphore, #tpu.memory_space<semaphore_mem>>) src(%dma_wait3A_132 : memref<10000x128xf32, #tpu.memory_space<hbm>>) dst(%arg13 : memref<128x128xf32, #tpu.memory_space<vmem>>)
    %dma_start3A_133 = arith.constant 75 : i32
    %dma_start3A_134 = arith.constant 0 : i32
    %dma_start3A_135 = tpu.memref_slice %arg7[%dma_start3A_133, %dma_start3A_134] : memref<80x128xi32, #tpu.memory_space<vmem>> -> memref<1x128xi32, #tpu.memory_space<vmem>>
    %dma_start3A_136 = tpu.memref_squeeze %dma_start3A_135 : memref<1x128xi32, #tpu.memory_space<vmem>> -> memref<128xi32, #tpu.memory_space<vmem>>
    %dma_start3A_137 = arith.constant 0 : i32
    %dma_start3A_138 = arith.constant 0 : i32
    %dma_start3A_139 = tpu.memref_slice %arg14[%dma_start3A_137, %dma_start3A_138] : memref<10008x128xf32, #tpu.memory_space<vmem_shared>> -> memref<10008x128xf32, #tpu.memory_space<vmem_shared>>
    tpu.enqueue_indirect_dma source(%arg13 : memref<128x128xf32, #tpu.memory_space<vmem>>) target(%dma_start3A_139 : memref<10008x128xf32, #tpu.memory_space<vmem_shared>>) offsets(%dma_start3A_136 : memref<128xi32, #tpu.memory_space<vmem>>) semaphore(%arg23 : memref<!tpu.dma_semaphore, #tpu.memory_space<semaphore_mem>>) {add = true}
    %add3A_140 = arith.constant 10112 : i32
    %add3A_141 = arith.addi %mul3A_4, %add3A_140 : i32
    %dma_start3A_142 = tpu.memref_slice %arg3[%add3A_141] : memref<327680xi32, #tpu.memory_space<hbm>> -> memref<128xi32, #tpu.memory_space<hbm>>
    %dma_start3A_143 = tpu.memref_slice %arg3[%add3A_141] : memref<327680xi32, #tpu.memory_space<hbm>> -> memref<128xi32, #tpu.memory_space<hbm>>
    tpu.enqueue_dma source(%dma_start3A_143 : memref<128xi32, #tpu.memory_space<hbm>>) target(%arg11 : memref<128xi32, #tpu.memory_space<vmem>>) target_semaphore(%arg19 : memref<!tpu.dma_semaphore, #tpu.memory_space<semaphore_mem>>)
    %dma_wait3A_144 = arith.constant 74 : i32
    %dma_wait3A_145 = arith.constant 0 : i32
    %dma_wait3A_146 = tpu.memref_slice %arg7[%dma_wait3A_144, %dma_wait3A_145] : memref<80x128xi32, #tpu.memory_space<vmem>> -> memref<1x128xi32, #tpu.memory_space<vmem>>
    %dma_wait3A_147 = tpu.memref_squeeze %dma_wait3A_146 : memref<1x128xi32, #tpu.memory_space<vmem>> -> memref<128xi32, #tpu.memory_space<vmem>>
    %dma_wait3A_148 = arith.constant 0 : i32
    %dma_wait3A_149 = arith.constant 0 : i32
    %dma_wait3A_150 = tpu.memref_slice %arg14[%dma_wait3A_148, %dma_wait3A_149] : memref<10008x128xf32, #tpu.memory_space<vmem_shared>> -> memref<10008x128xf32, #tpu.memory_space<vmem_shared>>
    tpu.wait_indirect_dma semaphore(%arg22 : memref<!tpu.dma_semaphore, #tpu.memory_space<semaphore_mem>>) src(%arg12 : memref<128x128xf32, #tpu.memory_space<vmem>>) dst(%dma_wait3A_150 : memref<10008x128xf32, #tpu.memory_space<vmem_shared>>)
    %add3A_151 = arith.constant 9728 : i32
    %add3A_152 = arith.addi %mul3A_4, %add3A_151 : i32
    %dma_wait3A_153 = tpu.memref_slice %arg3[%add3A_152] : memref<327680xi32, #tpu.memory_space<hbm>> -> memref<128xi32, #tpu.memory_space<hbm>>
    %dma_wait3A_154 = tpu.memref_slice %arg3[%add3A_152] : memref<327680xi32, #tpu.memory_space<hbm>> -> memref<128xi32, #tpu.memory_space<hbm>>
    tpu.wait_dma2 semaphore(%arg16 : memref<!tpu.dma_semaphore, #tpu.memory_space<semaphore_mem>>) src(%dma_wait3A_154 : memref<128xi32, #tpu.memory_space<hbm>>) dst(%arg8 : memref<128xi32, #tpu.memory_space<vmem>>)
    %dma_start3A_155 = arith.constant 0 : i32
    %dma_start3A_156 = arith.constant 0 : i32
    %dma_start3A_157 = tpu.memref_slice %arg2[%dma_start3A_155, %dma_start3A_156] : memref<10000x128xf32, #tpu.memory_space<hbm>> -> memref<10000x128xf32, #tpu.memory_space<hbm>>
    tpu.enqueue_indirect_dma source(%dma_start3A_157 : memref<10000x128xf32, #tpu.memory_space<hbm>>) target(%arg12 : memref<128x128xf32, #tpu.memory_space<vmem>>) offsets(%arg8 : memref<128xi32, #tpu.memory_space<vmem>>) semaphore(%arg20 : memref<!tpu.dma_semaphore, #tpu.memory_space<semaphore_mem>>)
    %dma_wait3A_158 = arith.constant 0 : i32
    %dma_wait3A_159 = arith.constant 0 : i32
    %dma_wait3A_160 = tpu.memref_slice %arg2[%dma_wait3A_158, %dma_wait3A_159] : memref<10000x128xf32, #tpu.memory_space<hbm>> -> memref<10000x128xf32, #tpu.memory_space<hbm>>
    tpu.wait_indirect_dma semaphore(%arg20 : memref<!tpu.dma_semaphore, #tpu.memory_space<semaphore_mem>>) src(%dma_wait3A_160 : memref<10000x128xf32, #tpu.memory_space<hbm>>) dst(%arg12 : memref<128x128xf32, #tpu.memory_space<vmem>>)
    %dma_start3A_161 = arith.constant 76 : i32
    %dma_start3A_162 = arith.constant 0 : i32
    %dma_start3A_163 = tpu.memref_slice %arg7[%dma_start3A_161, %dma_start3A_162] : memref<80x128xi32, #tpu.memory_space<vmem>> -> memref<1x128xi32, #tpu.memory_space<vmem>>
    %dma_start3A_164 = tpu.memref_squeeze %dma_start3A_163 : memref<1x128xi32, #tpu.memory_space<vmem>> -> memref<128xi32, #tpu.memory_space<vmem>>
    %dma_start3A_165 = arith.constant 0 : i32
    %dma_start3A_166 = arith.constant 0 : i32
    %dma_start3A_167 = tpu.memref_slice %arg14[%dma_start3A_165, %dma_start3A_166] : memref<10008x128xf32, #tpu.memory_space<vmem_shared>> -> memref<10008x128xf32, #tpu.memory_space<vmem_shared>>
    tpu.enqueue_indirect_dma source(%arg12 : memref<128x128xf32, #tpu.memory_space<vmem>>) target(%dma_start3A_167 : memref<10008x128xf32, #tpu.memory_space<vmem_shared>>) offsets(%dma_start3A_164 : memref<128xi32, #tpu.memory_space<vmem>>) semaphore(%arg22 : memref<!tpu.dma_semaphore, #tpu.memory_space<semaphore_mem>>) {add = true}
    %dma_wait3A_168 = arith.constant 75 : i32
    %dma_wait3A_169 = arith.constant 0 : i32
    %dma_wait3A_170 = tpu.memref_slice %arg7[%dma_wait3A_168, %dma_wait3A_169] : memref<80x128xi32, #tpu.memory_space<vmem>> -> memref<1x128xi32, #tpu.memory_space<vmem>>
    %dma_wait3A_171 = tpu.memref_squeeze %dma_wait3A_170 : memref<1x128xi32, #tpu.memory_space<vmem>> -> memref<128xi32, #tpu.memory_space<vmem>>
    %dma_wait3A_172 = arith.constant 0 : i32
    %dma_wait3A_173 = arith.constant 0 : i32
    %dma_wait3A_174 = tpu.memref_slice %arg14[%dma_wait3A_172, %dma_wait3A_173] : memref<10008x128xf32, #tpu.memory_space<vmem_shared>> -> memref<10008x128xf32, #tpu.memory_space<vmem_shared>>
    tpu.wait_indirect_dma semaphore(%arg23 : memref<!tpu.dma_semaphore, #tpu.memory_space<semaphore_mem>>) src(%arg13 : memref<128x128xf32, #tpu.memory_space<vmem>>) dst(%dma_wait3A_174 : memref<10008x128xf32, #tpu.memory_space<vmem_shared>>)
    %add3A_175 = arith.constant 9856 : i32
    %add3A_176 = arith.addi %mul3A_4, %add3A_175 : i32
    %dma_wait3A_177 = tpu.memref_slice %arg3[%add3A_176] : memref<327680xi32, #tpu.memory_space<hbm>> -> memref<128xi32, #tpu.memory_space<hbm>>
    %dma_wait3A_178 = tpu.memref_slice %arg3[%add3A_176] : memref<327680xi32, #tpu.memory_space<hbm>> -> memref<128xi32, #tpu.memory_space<hbm>>
    tpu.wait_dma2 semaphore(%arg17 : memref<!tpu.dma_semaphore, #tpu.memory_space<semaphore_mem>>) src(%dma_wait3A_178 : memref<128xi32, #tpu.memory_space<hbm>>) dst(%arg9 : memref<128xi32, #tpu.memory_space<vmem>>)
    %dma_start3A_179 = arith.constant 0 : i32
    %dma_start3A_180 = arith.constant 0 : i32
    %dma_start3A_181 = tpu.memref_slice %arg2[%dma_start3A_179, %dma_start3A_180] : memref<10000x128xf32, #tpu.memory_space<hbm>> -> memref<10000x128xf32, #tpu.memory_space<hbm>>
    tpu.enqueue_indirect_dma source(%dma_start3A_181 : memref<10000x128xf32, #tpu.memory_space<hbm>>) target(%arg13 : memref<128x128xf32, #tpu.memory_space<vmem>>) offsets(%arg9 : memref<128xi32, #tpu.memory_space<vmem>>) semaphore(%arg21 : memref<!tpu.dma_semaphore, #tpu.memory_space<semaphore_mem>>)
    %dma_wait3A_182 = arith.constant 0 : i32
    %dma_wait3A_183 = arith.constant 0 : i32
    %dma_wait3A_184 = tpu.memref_slice %arg2[%dma_wait3A_182, %dma_wait3A_183] : memref<10000x128xf32, #tpu.memory_space<hbm>> -> memref<10000x128xf32, #tpu.memory_space<hbm>>
    tpu.wait_indirect_dma semaphore(%arg21 : memref<!tpu.dma_semaphore, #tpu.memory_space<semaphore_mem>>) src(%dma_wait3A_184 : memref<10000x128xf32, #tpu.memory_space<hbm>>) dst(%arg13 : memref<128x128xf32, #tpu.memory_space<vmem>>)
    %dma_start3A_185 = arith.constant 77 : i32
    %dma_start3A_186 = arith.constant 0 : i32
    %dma_start3A_187 = tpu.memref_slice %arg7[%dma_start3A_185, %dma_start3A_186] : memref<80x128xi32, #tpu.memory_space<vmem>> -> memref<1x128xi32, #tpu.memory_space<vmem>>
    %dma_start3A_188 = tpu.memref_squeeze %dma_start3A_187 : memref<1x128xi32, #tpu.memory_space<vmem>> -> memref<128xi32, #tpu.memory_space<vmem>>
    %dma_start3A_189 = arith.constant 0 : i32
    %dma_start3A_190 = arith.constant 0 : i32
    %dma_start3A_191 = tpu.memref_slice %arg14[%dma_start3A_189, %dma_start3A_190] : memref<10008x128xf32, #tpu.memory_space<vmem_shared>> -> memref<10008x128xf32, #tpu.memory_space<vmem_shared>>
    tpu.enqueue_indirect_dma source(%arg13 : memref<128x128xf32, #tpu.memory_space<vmem>>) target(%dma_start3A_191 : memref<10008x128xf32, #tpu.memory_space<vmem_shared>>) offsets(%dma_start3A_188 : memref<128xi32, #tpu.memory_space<vmem>>) semaphore(%arg23 : memref<!tpu.dma_semaphore, #tpu.memory_space<semaphore_mem>>) {add = true}
    %dma_wait3A_192 = arith.constant 76 : i32
    %dma_wait3A_193 = arith.constant 0 : i32
    %dma_wait3A_194 = tpu.memref_slice %arg7[%dma_wait3A_192, %dma_wait3A_193] : memref<80x128xi32, #tpu.memory_space<vmem>> -> memref<1x128xi32, #tpu.memory_space<vmem>>
    %dma_wait3A_195 = tpu.memref_squeeze %dma_wait3A_194 : memref<1x128xi32, #tpu.memory_space<vmem>> -> memref<128xi32, #tpu.memory_space<vmem>>
    %dma_wait3A_196 = arith.constant 0 : i32
    %dma_wait3A_197 = arith.constant 0 : i32
    %dma_wait3A_198 = tpu.memref_slice %arg14[%dma_wait3A_196, %dma_wait3A_197] : memref<10008x128xf32, #tpu.memory_space<vmem_shared>> -> memref<10008x128xf32, #tpu.memory_space<vmem_shared>>
    tpu.wait_indirect_dma semaphore(%arg22 : memref<!tpu.dma_semaphore, #tpu.memory_space<semaphore_mem>>) src(%arg12 : memref<128x128xf32, #tpu.memory_space<vmem>>) dst(%dma_wait3A_198 : memref<10008x128xf32, #tpu.memory_space<vmem_shared>>)
    %add3A_199 = arith.constant 9984 : i32
    %add3A_200 = arith.addi %mul3A_4, %add3A_199 : i32
    %dma_wait3A_201 = tpu.memref_slice %arg3[%add3A_200] : memref<327680xi32, #tpu.memory_space<hbm>> -> memref<128xi32, #tpu.memory_space<hbm>>
    %dma_wait3A_202 = tpu.memref_slice %arg3[%add3A_200] : memref<327680xi32, #tpu.memory_space<hbm>> -> memref<128xi32, #tpu.memory_space<hbm>>
    tpu.wait_dma2 semaphore(%arg18 : memref<!tpu.dma_semaphore, #tpu.memory_space<semaphore_mem>>) src(%dma_wait3A_202 : memref<128xi32, #tpu.memory_space<hbm>>) dst(%arg10 : memref<128xi32, #tpu.memory_space<vmem>>)
    %dma_start3A_203 = arith.constant 0 : i32
    %dma_start3A_204 = arith.constant 0 : i32
    %dma_start3A_205 = tpu.memref_slice %arg2[%dma_start3A_203, %dma_start3A_204] : memref<10000x128xf32, #tpu.memory_space<hbm>> -> memref<10000x128xf32, #tpu.memory_space<hbm>>
    tpu.enqueue_indirect_dma source(%dma_start3A_205 : memref<10000x128xf32, #tpu.memory_space<hbm>>) target(%arg12 : memref<128x128xf32, #tpu.memory_space<vmem>>) offsets(%arg10 : memref<128xi32, #tpu.memory_space<vmem>>) semaphore(%arg20 : memref<!tpu.dma_semaphore, #tpu.memory_space<semaphore_mem>>)
    %dma_wait3A_206 = arith.constant 0 : i32
    %dma_wait3A_207 = arith.constant 0 : i32
    %dma_wait3A_208 = tpu.memref_slice %arg2[%dma_wait3A_206, %dma_wait3A_207] : memref<10000x128xf32, #tpu.memory_space<hbm>> -> memref<10000x128xf32, #tpu.memory_space<hbm>>
    tpu.wait_indirect_dma semaphore(%arg20 : memref<!tpu.dma_semaphore, #tpu.memory_space<semaphore_mem>>) src(%dma_wait3A_208 : memref<10000x128xf32, #tpu.memory_space<hbm>>) dst(%arg12 : memref<128x128xf32, #tpu.memory_space<vmem>>)
    %dma_start3A_209 = arith.constant 78 : i32
    %dma_start3A_210 = arith.constant 0 : i32
    %dma_start3A_211 = tpu.memref_slice %arg7[%dma_start3A_209, %dma_start3A_210] : memref<80x128xi32, #tpu.memory_space<vmem>> -> memref<1x128xi32, #tpu.memory_space<vmem>>
    %dma_start3A_212 = tpu.memref_squeeze %dma_start3A_211 : memref<1x128xi32, #tpu.memory_space<vmem>> -> memref<128xi32, #tpu.memory_space<vmem>>
    %dma_start3A_213 = arith.constant 0 : i32
    %dma_start3A_214 = arith.constant 0 : i32
    %dma_start3A_215 = tpu.memref_slice %arg14[%dma_start3A_213, %dma_start3A_214] : memref<10008x128xf32, #tpu.memory_space<vmem_shared>> -> memref<10008x128xf32, #tpu.memory_space<vmem_shared>>
    tpu.enqueue_indirect_dma source(%arg12 : memref<128x128xf32, #tpu.memory_space<vmem>>) target(%dma_start3A_215 : memref<10008x128xf32, #tpu.memory_space<vmem_shared>>) offsets(%dma_start3A_212 : memref<128xi32, #tpu.memory_space<vmem>>) semaphore(%arg22 : memref<!tpu.dma_semaphore, #tpu.memory_space<semaphore_mem>>) {add = true}
    %dma_wait3A_216 = arith.constant 77 : i32
    %dma_wait3A_217 = arith.constant 0 : i32
    %dma_wait3A_218 = tpu.memref_slice %arg7[%dma_wait3A_216, %dma_wait3A_217] : memref<80x128xi32, #tpu.memory_space<vmem>> -> memref<1x128xi32, #tpu.memory_space<vmem>>
    %dma_wait3A_219 = tpu.memref_squeeze %dma_wait3A_218 : memref<1x128xi32, #tpu.memory_space<vmem>> -> memref<128xi32, #tpu.memory_space<vmem>>
    %dma_wait3A_220 = arith.constant 0 : i32
    %dma_wait3A_221 = arith.constant 0 : i32
    %dma_wait3A_222 = tpu.memref_slice %arg14[%dma_wait3A_220, %dma_wait3A_221] : memref<10008x128xf32, #tpu.memory_space<vmem_shared>> -> memref<10008x128xf32, #tpu.memory_space<vmem_shared>>
    tpu.wait_indirect_dma semaphore(%arg23 : memref<!tpu.dma_semaphore, #tpu.memory_space<semaphore_mem>>) src(%arg13 : memref<128x128xf32, #tpu.memory_space<vmem>>) dst(%dma_wait3A_222 : memref<10008x128xf32, #tpu.memory_space<vmem_shared>>)
    %add3A_223 = arith.constant 10112 : i32
    %add3A_224 = arith.addi %mul3A_4, %add3A_223 : i32
    %dma_wait3A_225 = tpu.memref_slice %arg3[%add3A_224] : memref<327680xi32, #tpu.memory_space<hbm>> -> memref<128xi32, #tpu.memory_space<hbm>>
    %dma_wait3A_226 = tpu.memref_slice %arg3[%add3A_224] : memref<327680xi32, #tpu.memory_space<hbm>> -> memref<128xi32, #tpu.memory_space<hbm>>
    tpu.wait_dma2 semaphore(%arg19 : memref<!tpu.dma_semaphore, #tpu.memory_space<semaphore_mem>>) src(%dma_wait3A_226 : memref<128xi32, #tpu.memory_space<hbm>>) dst(%arg11 : memref<128xi32, #tpu.memory_space<vmem>>)
    %dma_start3A_227 = arith.constant 0 : i32
    %dma_start3A_228 = arith.constant 0 : i32
    %dma_start3A_229 = tpu.memref_slice %arg2[%dma_start3A_227, %dma_start3A_228] : memref<10000x128xf32, #tpu.memory_space<hbm>> -> memref<10000x128xf32, #tpu.memory_space<hbm>>
    tpu.enqueue_indirect_dma source(%dma_start3A_229 : memref<10000x128xf32, #tpu.memory_space<hbm>>) target(%arg13 : memref<128x128xf32, #tpu.memory_space<vmem>>) offsets(%arg11 : memref<128xi32, #tpu.memory_space<vmem>>) semaphore(%arg21 : memref<!tpu.dma_semaphore, #tpu.memory_space<semaphore_mem>>)
    %dma_wait3A_230 = arith.constant 0 : i32
    %dma_wait3A_231 = arith.constant 0 : i32
    %dma_wait3A_232 = tpu.memref_slice %arg2[%dma_wait3A_230, %dma_wait3A_231] : memref<10000x128xf32, #tpu.memory_space<hbm>> -> memref<10000x128xf32, #tpu.memory_space<hbm>>
    tpu.wait_indirect_dma semaphore(%arg21 : memref<!tpu.dma_semaphore, #tpu.memory_space<semaphore_mem>>) src(%dma_wait3A_232 : memref<10000x128xf32, #tpu.memory_space<hbm>>) dst(%arg13 : memref<128x128xf32, #tpu.memory_space<vmem>>)
    %dma_start3A_233 = arith.constant 79 : i32
    %dma_start3A_234 = arith.constant 0 : i32
    %dma_start3A_235 = tpu.memref_slice %arg7[%dma_start3A_233, %dma_start3A_234] : memref<80x128xi32, #tpu.memory_space<vmem>> -> memref<1x128xi32, #tpu.memory_space<vmem>>
    %dma_start3A_236 = tpu.memref_squeeze %dma_start3A_235 : memref<1x128xi32, #tpu.memory_space<vmem>> -> memref<128xi32, #tpu.memory_space<vmem>>
    %dma_start3A_237 = arith.constant 0 : i32
    %dma_start3A_238 = arith.constant 0 : i32
    %dma_start3A_239 = tpu.memref_slice %arg14[%dma_start3A_237, %dma_start3A_238] : memref<10008x128xf32, #tpu.memory_space<vmem_shared>> -> memref<10008x128xf32, #tpu.memory_space<vmem_shared>>
    tpu.enqueue_indirect_dma source(%arg13 : memref<128x128xf32, #tpu.memory_space<vmem>>) target(%dma_start3A_239 : memref<10008x128xf32, #tpu.memory_space<vmem_shared>>) offsets(%dma_start3A_236 : memref<128xi32, #tpu.memory_space<vmem>>) semaphore(%arg23 : memref<!tpu.dma_semaphore, #tpu.memory_space<semaphore_mem>>) {add = true}
    %dma_wait3A_240 = arith.constant 78 : i32
    %dma_wait3A_241 = arith.constant 0 : i32
    %dma_wait3A_242 = tpu.memref_slice %arg7[%dma_wait3A_240, %dma_wait3A_241] : memref<80x128xi32, #tpu.memory_space<vmem>> -> memref<1x128xi32, #tpu.memory_space<vmem>>
    %dma_wait3A_243 = tpu.memref_squeeze %dma_wait3A_242 : memref<1x128xi32, #tpu.memory_space<vmem>> -> memref<128xi32, #tpu.memory_space<vmem>>
    %dma_wait3A_244 = arith.constant 0 : i32
    %dma_wait3A_245 = arith.constant 0 : i32
    %dma_wait3A_246 = tpu.memref_slice %arg14[%dma_wait3A_244, %dma_wait3A_245] : memref<10008x128xf32, #tpu.memory_space<vmem_shared>> -> memref<10008x128xf32, #tpu.memory_space<vmem_shared>>
    tpu.wait_indirect_dma semaphore(%arg22 : memref<!tpu.dma_semaphore, #tpu.memory_space<semaphore_mem>>) src(%arg12 : memref<128x128xf32, #tpu.memory_space<vmem>>) dst(%dma_wait3A_246 : memref<10008x128xf32, #tpu.memory_space<vmem_shared>>)
    %dma_wait3A_247 = arith.constant 79 : i32
    %dma_wait3A_248 = arith.constant 0 : i32
    %dma_wait3A_249 = tpu.memref_slice %arg7[%dma_wait3A_247, %dma_wait3A_248] : memref<80x128xi32, #tpu.memory_space<vmem>> -> memref<1x128xi32, #tpu.memory_space<vmem>>
    %dma_wait3A_250 = tpu.memref_squeeze %dma_wait3A_249 : memref<1x128xi32, #tpu.memory_space<vmem>> -> memref<128xi32, #tpu.memory_space<vmem>>
    %dma_wait3A_251 = arith.constant 0 : i32
    %dma_wait3A_252 = arith.constant 0 : i32
    %dma_wait3A_253 = tpu.memref_slice %arg14[%dma_wait3A_251, %dma_wait3A_252] : memref<10008x128xf32, #tpu.memory_space<vmem_shared>> -> memref<10008x128xf32, #tpu.memory_space<vmem_shared>>
    tpu.wait_indirect_dma semaphore(%arg23 : memref<!tpu.dma_semaphore, #tpu.memory_space<semaphore_mem>>) src(%arg13 : memref<128x128xf32, #tpu.memory_space<vmem>>) dst(%dma_wait3A_253 : memref<10008x128xf32, #tpu.memory_space<vmem_shared>>)
    %barrier3A_254 = arith.constant 0 : index
    tpu.barrier barrier_id(%barrier3A_254)
    %sub3A_255 = arith.constant 125 : i32
    %sub3A_256 = arith.subi %sub3A_255, %arg1 : i32
    %sub3A_257 = arith.constant 16 : i32
    %sub3A_258 = arith.constant 1 : i32
    %sub3A_259 = arith.subi %sub3A_257, %sub3A_258 : i32
    %add3A_260 = arith.addi %sub3A_256, %sub3A_259 : i32
    %div3A_261 = arith.constant 16 : i32
    %div3A_262 = arith.divsi %add3A_260, %div3A_261 : i32
    %while3A_263 = arith.constant 16 : i32
    %while3A_264 = arith.constant 0 : i32
    %while3A_265 = arith.subi %div3A_262, %while3A_264 : i32
    %while3A_266 = arith.addi %while3A_264, %while3A_265 : i32
    %while3A_267 = arith.constant 1 : i32
    %while3A_268 = arith.divsi %while3A_265, %while3A_267 : i32
    %while3A_269 = arith.muli %while3A_268, %while3A_267 : i32
    %while3A_270 = arith.addi %while3A_264, %while3A_269 : i32
    %while3A_271 = arith.constant 1 : i32
    scf.for %while3A_273 = %while3A_264 to %while3A_270 step %while3A_271  : i32 {
      %mul3A_274 = arith.muli %while3A_273, %while3A_263 : i32
      %add3A_275 = arith.addi %arg1, %mul3A_274 : i32
      %mul3A_276 = arith.constant 80 : i32
      %mul3A_277 = arith.muli %add3A_275, %mul3A_276 : i32
      %mul3A_278 = arith.constant 80 : i32
      %mul3A_279 = arith.muli %add3A_275, %mul3A_278 : i32
      "tpu.region"() ({
        %run_scoped3A = tpu.sem_alloc : memref<!tpu.dma_semaphore, #tpu.memory_space<semaphore_mem>>
        %dma_start3A_280 = arith.constant 0 : i32
        %dma_start3A_281 = tpu.memref_slice %arg6[%arg0, %mul3A_279, %dma_start3A_280] : memref<2x10000x128xf32, #tpu.memory_space<hbm>> -> memref<1x80x128xf32, #tpu.memory_space<hbm>>
        %dma_start3A_282 = tpu.memref_squeeze %dma_start3A_281 : memref<1x80x128xf32, #tpu.memory_space<hbm>> -> memref<80x128xf32, #tpu.memory_space<hbm>>
        %dma_start3A_283 = arith.constant 0 : i32
        %dma_start3A_284 = tpu.memref_slice %arg14[%mul3A_277, %dma_start3A_283] : memref<10008x128xf32, #tpu.memory_space<vmem_shared>> -> memref<80x128xf32, #tpu.memory_space<vmem_shared>>
        tpu.enqueue_dma source(%dma_start3A_284 : memref<80x128xf32, #tpu.memory_space<vmem_shared>>) target(%dma_start3A_282 : memref<80x128xf32, #tpu.memory_space<hbm>>) target_semaphore(%run_scoped3A : memref<!tpu.dma_semaphore, #tpu.memory_space<semaphore_mem>>)
        %dma_wait3A_285 = arith.constant 0 : i32
        %dma_wait3A_286 = tpu.memref_slice %arg6[%arg0, %mul3A_279, %dma_wait3A_285] : memref<2x10000x128xf32, #tpu.memory_space<hbm>> -> memref<1x80x128xf32, #tpu.memory_space<hbm>>
        %dma_wait3A_287 = tpu.memref_squeeze %dma_wait3A_286 : memref<1x80x128xf32, #tpu.memory_space<hbm>> -> memref<80x128xf32, #tpu.memory_space<hbm>>
        %dma_wait3A_288 = arith.constant 0 : i32
        %dma_wait3A_289 = tpu.memref_slice %arg14[%mul3A_277, %dma_wait3A_288] : memref<10008x128xf32, #tpu.memory_space<vmem_shared>> -> memref<80x128xf32, #tpu.memory_space<vmem_shared>>
        tpu.wait_dma2 semaphore(%run_scoped3A : memref<!tpu.dma_semaphore, #tpu.memory_space<semaphore_mem>>) src(%dma_wait3A_289 : memref<80x128xf32, #tpu.memory_space<vmem_shared>>) dst(%dma_wait3A_287 : memref<80x128xf32, #tpu.memory_space<hbm>>)
        tpu.yield
      }) : () -> ()
    }
    %while3A_272 = arith.constant 1 : i32
    scf.for %while3A_273 = %while3A_270 to %while3A_266 step %while3A_272  : i32 {
      %mul3A_274 = arith.muli %while3A_273, %while3A_263 : i32
      %add3A_275 = arith.addi %arg1, %mul3A_274 : i32
      %mul3A_276 = arith.constant 80 : i32
      %mul3A_277 = arith.muli %add3A_275, %mul3A_276 : i32
      %mul3A_278 = arith.constant 80 : i32
      %mul3A_279 = arith.muli %add3A_275, %mul3A_278 : i32
      "tpu.region"() ({
        %run_scoped3A = tpu.sem_alloc : memref<!tpu.dma_semaphore, #tpu.memory_space<semaphore_mem>>
        %dma_start3A_280 = arith.constant 0 : i32
        %dma_start3A_281 = tpu.memref_slice %arg6[%arg0, %mul3A_279, %dma_start3A_280] : memref<2x10000x128xf32, #tpu.memory_space<hbm>> -> memref<1x80x128xf32, #tpu.memory_space<hbm>>
        %dma_start3A_282 = tpu.memref_squeeze %dma_start3A_281 : memref<1x80x128xf32, #tpu.memory_space<hbm>> -> memref<80x128xf32, #tpu.memory_space<hbm>>
        %dma_start3A_283 = arith.constant 0 : i32
        %dma_start3A_284 = tpu.memref_slice %arg14[%mul3A_277, %dma_start3A_283] : memref<10008x128xf32, #tpu.memory_space<vmem_shared>> -> memref<80x128xf32, #tpu.memory_space<vmem_shared>>
        tpu.enqueue_dma source(%dma_start3A_284 : memref<80x128xf32, #tpu.memory_space<vmem_shared>>) target(%dma_start3A_282 : memref<80x128xf32, #tpu.memory_space<hbm>>) target_semaphore(%run_scoped3A : memref<!tpu.dma_semaphore, #tpu.memory_space<semaphore_mem>>)
        %dma_wait3A_285 = arith.constant 0 : i32
        %dma_wait3A_286 = tpu.memref_slice %arg6[%arg0, %mul3A_279, %dma_wait3A_285] : memref<2x10000x128xf32, #tpu.memory_space<hbm>> -> memref<1x80x128xf32, #tpu.memory_space<hbm>>
        %dma_wait3A_287 = tpu.memref_squeeze %dma_wait3A_286 : memref<1x80x128xf32, #tpu.memory_space<hbm>> -> memref<80x128xf32, #tpu.memory_space<hbm>>
        %dma_wait3A_288 = arith.constant 0 : i32
        %dma_wait3A_289 = tpu.memref_slice %arg14[%mul3A_277, %dma_wait3A_288] : memref<10008x128xf32, #tpu.memory_space<vmem_shared>> -> memref<80x128xf32, #tpu.memory_space<vmem_shared>>
        tpu.wait_dma2 semaphore(%run_scoped3A : memref<!tpu.dma_semaphore, #tpu.memory_space<semaphore_mem>>) src(%dma_wait3A_289 : memref<80x128xf32, #tpu.memory_space<vmem_shared>>) dst(%dma_wait3A_287 : memref<80x128xf32, #tpu.memory_space<hbm>>)
        tpu.yield
      }) : () -> ()
    }
    return
  }
}

#map = affine_map<(d0, d1) -> (0, 0)>
#map1 = affine_map<(d0, d1) -> (0)>
#map2 = affine_map<(d0, d1) -> (0, 0, 0)>
module attributes {stable_mosaic.version = 14 : i64} {
  func.func @_hop_body(%arg0: i32, %arg1: i32, %arg2: memref<10000x128xf32, #tpu.memory_space<hbm>>, %arg3: memref<327680xi32, #tpu.memory_space<hbm>>, %arg4: memref<2560x128xi32, #tpu.memory_space<hbm>>, %arg5: memref<10000x128xf32, #tpu.memory_space<hbm>>, %arg6: memref<2x10000x128xf32, #tpu.memory_space<hbm>>, %arg7: memref<80x128xi32, #tpu.memory_space<vmem>>, %arg8: memref<128xi32, #tpu.memory_space<vmem>>, %arg9: memref<128xi32, #tpu.memory_space<vmem>>, %arg10: memref<128xi32, #tpu.memory_space<vmem>>, %arg11: memref<128xi32, #tpu.memory_space<vmem>>, %arg12: memref<128x128xf32, #tpu.memory_space<vmem>>, %arg13: memref<128x128xf32, #tpu.memory_space<vmem>>, %arg14: memref<10008x128xf32, #tpu.memory_space<vmem_shared>>, %arg15: memref<!tpu.dma_semaphore, #tpu.memory_space<semaphore_mem>>, %arg16: memref<!tpu.dma_semaphore, #tpu.memory_space<semaphore_mem>>, %arg17: memref<!tpu.dma_semaphore, #tpu.memory_space<semaphore_mem>>, %arg18: memref<!tpu.dma_semaphore, #tpu.memory_space<semaphore_mem>>, %arg19: memref<!tpu.dma_semaphore, #tpu.memory_space<semaphore_mem>>, %arg20: memref<!tpu.dma_semaphore, #tpu.memory_space<semaphore_mem>>, %arg21: memref<!tpu.dma_semaphore, #tpu.memory_space<semaphore_mem>>, %arg22: memref<!tpu.dma_semaphore, #tpu.memory_space<semaphore_mem>>, %arg23: memref<!tpu.dma_semaphore, #tpu.memory_space<semaphore_mem>>) attributes {dimension_semantics = [#tpu.dimension_semantics<core_parallel>, #tpu.dimension_semantics<subcore_parallel>], iteration_bounds = array<i64: 2, 16>, scalar_prefetch = 0 : i64, scratch_operands = 17 : i64, tpu.core_type = #tpu.core_type<sc_vector_subcore>, window_params = [{transform_indices = #map}, {transform_indices = #map1}, {transform_indices = #map}, {transform_indices = #map}, {transform_indices = #map2}]} {
    %mul3A = arith.constant 16 : i32
    %mul3A_0 = arith.muli %arg0, %mul3A : i32
    %add3A = arith.addi %mul3A_0, %arg1 : i32
    %mul3A_1 = arith.constant 80 : i32
    %mul3A_2 = arith.muli %add3A, %mul3A_1 : i32
    %mul3A_3 = arith.constant 128 : i32
    %mul3A_4 = arith.muli %mul3A_2, %mul3A_3 : i32
    %dma_start3A = arith.constant 0 : i32
    %dma_start3A_5 = tpu.memref_slice %arg4[%mul3A_2, %dma_start3A] : memref<2560x128xi32, #tpu.memory_space<hbm>> -> memref<80x128xi32, #tpu.memory_space<hbm>>
    %dma_start3A_6 = arith.constant 0 : i32
    %dma_start3A_7 = tpu.memref_slice %arg4[%mul3A_2, %dma_start3A_6] : memref<2560x128xi32, #tpu.memory_space<hbm>> -> memref<80x128xi32, #tpu.memory_space<hbm>>
    tpu.enqueue_dma source(%dma_start3A_7 : memref<80x128xi32, #tpu.memory_space<hbm>>) target(%arg7 : memref<80x128xi32, #tpu.memory_space<vmem>>) target_semaphore(%arg15 : memref<!tpu.dma_semaphore, #tpu.memory_space<semaphore_mem>>)
    %add3A_8 = arith.constant 0 : i32
    %add3A_9 = arith.addi %mul3A_4, %add3A_8 : i32
    %dma_start3A_10 = tpu.memref_slice %arg3[%add3A_9] : memref<327680xi32, #tpu.memory_space<hbm>> -> memref<128xi32, #tpu.memory_space<hbm>>
    %dma_start3A_11 = tpu.memref_slice %arg3[%add3A_9] : memref<327680xi32, #tpu.memory_space<hbm>> -> memref<128xi32, #tpu.memory_space<hbm>>
    tpu.enqueue_dma source(%dma_start3A_11 : memref<128xi32, #tpu.memory_space<hbm>>) target(%arg8 : memref<128xi32, #tpu.memory_space<vmem>>) target_semaphore(%arg16 : memref<!tpu.dma_semaphore, #tpu.memory_space<semaphore_mem>>)
    %add3A_12 = arith.constant 128 : i32
    %add3A_13 = arith.addi %mul3A_4, %add3A_12 : i32
    %dma_start3A_14 = tpu.memref_slice %arg3[%add3A_13] : memref<327680xi32, #tpu.memory_space<hbm>> -> memref<128xi32, #tpu.memory_space<hbm>>
    %dma_start3A_15 = tpu.memref_slice %arg3[%add3A_13] : memref<327680xi32, #tpu.memory_space<hbm>> -> memref<128xi32, #tpu.memory_space<hbm>>
    tpu.enqueue_dma source(%dma_start3A_15 : memref<128xi32, #tpu.memory_space<hbm>>) target(%arg9 : memref<128xi32, #tpu.memory_space<vmem>>) target_semaphore(%arg17 : memref<!tpu.dma_semaphore, #tpu.memory_space<semaphore_mem>>)
    %add3A_16 = arith.constant 256 : i32
    %add3A_17 = arith.addi %mul3A_4, %add3A_16 : i32
    %dma_start3A_18 = tpu.memref_slice %arg3[%add3A_17] : memref<327680xi32, #tpu.memory_space<hbm>> -> memref<128xi32, #tpu.memory_space<hbm>>
    %dma_start3A_19 = tpu.memref_slice %arg3[%add3A_17] : memref<327680xi32, #tpu.memory_space<hbm>> -> memref<128xi32, #tpu.memory_space<hbm>>
    tpu.enqueue_dma source(%dma_start3A_19 : memref<128xi32, #tpu.memory_space<hbm>>) target(%arg10 : memref<128xi32, #tpu.memory_space<vmem>>) target_semaphore(%arg18 : memref<!tpu.dma_semaphore, #tpu.memory_space<semaphore_mem>>)
    %add3A_20 = arith.constant 384 : i32
    %add3A_21 = arith.addi %mul3A_4, %add3A_20 : i32
    %dma_start3A_22 = tpu.memref_slice %arg3[%add3A_21] : memref<327680xi32, #tpu.memory_space<hbm>> -> memref<128xi32, #tpu.memory_space<hbm>>
    %dma_start3A_23 = tpu.memref_slice %arg3[%add3A_21] : memref<327680xi32, #tpu.memory_space<hbm>> -> memref<128xi32, #tpu.memory_space<hbm>>
    tpu.enqueue_dma source(%dma_start3A_23 : memref<128xi32, #tpu.memory_space<hbm>>) target(%arg11 : memref<128xi32, #tpu.memory_space<vmem>>) target_semaphore(%arg19 : memref<!tpu.dma_semaphore, #tpu.memory_space<semaphore_mem>>)
    %sub3A = arith.constant 125 : i32
    %sub3A_24 = arith.subi %sub3A, %arg1 : i32
    %sub3A_25 = arith.constant 16 : i32
    %sub3A_26 = arith.constant 1 : i32
    %sub3A_27 = arith.subi %sub3A_25, %sub3A_26 : i32
    %add3A_28 = arith.addi %sub3A_24, %sub3A_27 : i32
    %div3A = arith.constant 16 : i32
    %div3A_29 = arith.divsi %add3A_28, %div3A : i32
    %while3A = arith.constant 16 : i32
    %while3A_30 = arith.constant 0 : i32
    %while3A_31 = arith.subi %div3A_29, %while3A_30 : i32
    %while3A_32 = arith.addi %while3A_30, %while3A_31 : i32
    %while3A_33 = arith.constant 1 : i32
    %while3A_34 = arith.divsi %while3A_31, %while3A_33 : i32
    %while3A_35 = arith.muli %while3A_34, %while3A_33 : i32
    %while3A_36 = arith.addi %while3A_30, %while3A_35 : i32
    %while3A_37 = arith.constant 1 : i32
    scf.for %while3A_273 = %while3A_30 to %while3A_36 step %while3A_37  : i32 {
      %mul3A_274 = arith.muli %while3A_273, %while3A : i32
      %add3A_275 = arith.addi %arg1, %mul3A_274 : i32
      %mul3A_276 = arith.constant 80 : i32
      %mul3A_277 = arith.muli %add3A_275, %mul3A_276 : i32
      %mul3A_278 = arith.constant 80 : i32
      %mul3A_279 = arith.muli %add3A_275, %mul3A_278 : i32
      "tpu.region"() ({
        %run_scoped3A = tpu.sem_alloc : memref<!tpu.dma_semaphore, #tpu.memory_space<semaphore_mem>>
        %dma_start3A_280 = arith.constant 0 : i32
        %dma_start3A_281 = tpu.memref_slice %arg14[%mul3A_279, %dma_start3A_280] : memref<10008x128xf32, #tpu.memory_space<vmem_shared>> -> memref<80x128xf32, #tpu.memory_space<vmem_shared>>
        %dma_start3A_282 = arith.constant 0 : i32
        %dma_start3A_283 = tpu.memref_slice %arg5[%mul3A_277, %dma_start3A_282] : memref<10000x128xf32, #tpu.memory_space<hbm>> -> memref<80x128xf32, #tpu.memory_space<hbm>>
        tpu.enqueue_dma source(%dma_start3A_283 : memref<80x128xf32, #tpu.memory_space<hbm>>) target(%dma_start3A_281 : memref<80x128xf32, #tpu.memory_space<vmem_shared>>) target_semaphore(%run_scoped3A : memref<!tpu.dma_semaphore, #tpu.memory_space<semaphore_mem>>)
        %dma_wait3A_284 = arith.constant 0 : i32
        %dma_wait3A_285 = tpu.memref_slice %arg14[%mul3A_279, %dma_wait3A_284] : memref<10008x128xf32, #tpu.memory_space<vmem_shared>> -> memref<80x128xf32, #tpu.memory_space<vmem_shared>>
        %dma_wait3A_286 = arith.constant 0 : i32
        %dma_wait3A_287 = tpu.memref_slice %arg5[%mul3A_277, %dma_wait3A_286] : memref<10000x128xf32, #tpu.memory_space<hbm>> -> memref<80x128xf32, #tpu.memory_space<hbm>>
        tpu.wait_dma2 semaphore(%run_scoped3A : memref<!tpu.dma_semaphore, #tpu.memory_space<semaphore_mem>>) src(%dma_wait3A_287 : memref<80x128xf32, #tpu.memory_space<hbm>>) dst(%dma_wait3A_285 : memref<80x128xf32, #tpu.memory_space<vmem_shared>>)
        tpu.yield
      }) : () -> ()
    }
    %while3A_38 = arith.constant 1 : i32
    scf.for %while3A_273 = %while3A_36 to %while3A_32 step %while3A_38  : i32 {
      %mul3A_274 = arith.muli %while3A_273, %while3A : i32
      %add3A_275 = arith.addi %arg1, %mul3A_274 : i32
      %mul3A_276 = arith.constant 80 : i32
      %mul3A_277 = arith.muli %add3A_275, %mul3A_276 : i32
      %mul3A_278 = arith.constant 80 : i32
      %mul3A_279 = arith.muli %add3A_275, %mul3A_278 : i32
      "tpu.region"() ({
        %run_scoped3A = tpu.sem_alloc : memref<!tpu.dma_semaphore, #tpu.memory_space<semaphore_mem>>
        %dma_start3A_280 = arith.constant 0 : i32
        %dma_start3A_281 = tpu.memref_slice %arg14[%mul3A_279, %dma_start3A_280] : memref<10008x128xf32, #tpu.memory_space<vmem_shared>> -> memref<80x128xf32, #tpu.memory_space<vmem_shared>>
        %dma_start3A_282 = arith.constant 0 : i32
        %dma_start3A_283 = tpu.memref_slice %arg5[%mul3A_277, %dma_start3A_282] : memref<10000x128xf32, #tpu.memory_space<hbm>> -> memref<80x128xf32, #tpu.memory_space<hbm>>
        tpu.enqueue_dma source(%dma_start3A_283 : memref<80x128xf32, #tpu.memory_space<hbm>>) target(%dma_start3A_281 : memref<80x128xf32, #tpu.memory_space<vmem_shared>>) target_semaphore(%run_scoped3A : memref<!tpu.dma_semaphore, #tpu.memory_space<semaphore_mem>>)
        %dma_wait3A_284 = arith.constant 0 : i32
        %dma_wait3A_285 = tpu.memref_slice %arg14[%mul3A_279, %dma_wait3A_284] : memref<10008x128xf32, #tpu.memory_space<vmem_shared>> -> memref<80x128xf32, #tpu.memory_space<vmem_shared>>
        %dma_wait3A_286 = arith.constant 0 : i32
        %dma_wait3A_287 = tpu.memref_slice %arg5[%mul3A_277, %dma_wait3A_286] : memref<10000x128xf32, #tpu.memory_space<hbm>> -> memref<80x128xf32, #tpu.memory_space<hbm>>
        tpu.wait_dma2 semaphore(%run_scoped3A : memref<!tpu.dma_semaphore, #tpu.memory_space<semaphore_mem>>) src(%dma_wait3A_287 : memref<80x128xf32, #tpu.memory_space<hbm>>) dst(%dma_wait3A_285 : memref<80x128xf32, #tpu.memory_space<vmem_shared>>)
        tpu.yield
      }) : () -> ()
    }
    %dma_wait3A = arith.constant 0 : i32
    %dma_wait3A_39 = tpu.memref_slice %arg4[%mul3A_2, %dma_wait3A] : memref<2560x128xi32, #tpu.memory_space<hbm>> -> memref<80x128xi32, #tpu.memory_space<hbm>>
    %dma_wait3A_40 = arith.constant 0 : i32
    %dma_wait3A_41 = tpu.memref_slice %arg4[%mul3A_2, %dma_wait3A_40] : memref<2560x128xi32, #tpu.memory_space<hbm>> -> memref<80x128xi32, #tpu.memory_space<hbm>>
    tpu.wait_dma2 semaphore(%arg15 : memref<!tpu.dma_semaphore, #tpu.memory_space<semaphore_mem>>) src(%dma_wait3A_41 : memref<80x128xi32, #tpu.memory_space<hbm>>) dst(%arg7 : memref<80x128xi32, #tpu.memory_space<vmem>>)
    %barrier3A = arith.constant 0 : index
    tpu.barrier barrier_id(%barrier3A)
    %add3A_42 = arith.constant 0 : i32
    %add3A_43 = arith.addi %mul3A_4, %add3A_42 : i32
    %dma_wait3A_44 = tpu.memref_slice %arg3[%add3A_43] : memref<327680xi32, #tpu.memory_space<hbm>> -> memref<128xi32, #tpu.memory_space<hbm>>
    %dma_wait3A_45 = tpu.memref_slice %arg3[%add3A_43] : memref<327680xi32, #tpu.memory_space<hbm>> -> memref<128xi32, #tpu.memory_space<hbm>>
    tpu.wait_dma2 semaphore(%arg16 : memref<!tpu.dma_semaphore, #tpu.memory_space<semaphore_mem>>) src(%dma_wait3A_45 : memref<128xi32, #tpu.memory_space<hbm>>) dst(%arg8 : memref<128xi32, #tpu.memory_space<vmem>>)
    %dma_start3A_46 = arith.constant 0 : i32
    %dma_start3A_47 = arith.constant 0 : i32
    %dma_start3A_48 = tpu.memref_slice %arg2[%dma_start3A_46, %dma_start3A_47] : memref<10000x128xf32, #tpu.memory_space<hbm>> -> memref<10000x128xf32, #tpu.memory_space<hbm>>
    tpu.enqueue_indirect_dma source(%dma_start3A_48 : memref<10000x128xf32, #tpu.memory_space<hbm>>) target(%arg12 : memref<128x128xf32, #tpu.memory_space<vmem>>) offsets(%arg8 : memref<128xi32, #tpu.memory_space<vmem>>) semaphore(%arg20 : memref<!tpu.dma_semaphore, #tpu.memory_space<semaphore_mem>>)
    %dma_wait3A_49 = arith.constant 0 : i32
    %dma_wait3A_50 = arith.constant 0 : i32
    %dma_wait3A_51 = tpu.memref_slice %arg2[%dma_wait3A_49, %dma_wait3A_50] : memref<10000x128xf32, #tpu.memory_space<hbm>> -> memref<10000x128xf32, #tpu.memory_space<hbm>>
    tpu.wait_indirect_dma semaphore(%arg20 : memref<!tpu.dma_semaphore, #tpu.memory_space<semaphore_mem>>) src(%dma_wait3A_51 : memref<10000x128xf32, #tpu.memory_space<hbm>>) dst(%arg12 : memref<128x128xf32, #tpu.memory_space<vmem>>)
    %dma_start3A_52 = arith.constant 0 : i32
    %dma_start3A_53 = arith.constant 0 : i32
    %dma_start3A_54 = tpu.memref_slice %arg7[%dma_start3A_52, %dma_start3A_53] : memref<80x128xi32, #tpu.memory_space<vmem>> -> memref<1x128xi32, #tpu.memory_space<vmem>>
    %dma_start3A_55 = tpu.memref_squeeze %dma_start3A_54 : memref<1x128xi32, #tpu.memory_space<vmem>> -> memref<128xi32, #tpu.memory_space<vmem>>
    %dma_start3A_56 = arith.constant 0 : i32
    %dma_start3A_57 = arith.constant 0 : i32
    %dma_start3A_58 = tpu.memref_slice %arg14[%dma_start3A_56, %dma_start3A_57] : memref<10008x128xf32, #tpu.memory_space<vmem_shared>> -> memref<10008x128xf32, #tpu.memory_space<vmem_shared>>
    tpu.enqueue_indirect_dma source(%arg12 : memref<128x128xf32, #tpu.memory_space<vmem>>) target(%dma_start3A_58 : memref<10008x128xf32, #tpu.memory_space<vmem_shared>>) offsets(%dma_start3A_55 : memref<128xi32, #tpu.memory_space<vmem>>) semaphore(%arg22 : memref<!tpu.dma_semaphore, #tpu.memory_space<semaphore_mem>>) {add = true}
    %add3A_59 = arith.constant 512 : i32
    %add3A_60 = arith.addi %mul3A_4, %add3A_59 : i32
    %dma_start3A_61 = tpu.memref_slice %arg3[%add3A_60] : memref<327680xi32, #tpu.memory_space<hbm>> -> memref<128xi32, #tpu.memory_space<hbm>>
    %dma_start3A_62 = tpu.memref_slice %arg3[%add3A_60] : memref<327680xi32, #tpu.memory_space<hbm>> -> memref<128xi32, #tpu.memory_space<hbm>>
    tpu.enqueue_dma source(%dma_start3A_62 : memref<128xi32, #tpu.memory_space<hbm>>) target(%arg8 : memref<128xi32, #tpu.memory_space<vmem>>) target_semaphore(%arg16 : memref<!tpu.dma_semaphore, #tpu.memory_space<semaphore_mem>>)
    %add3A_63 = arith.constant 128 : i32
    %add3A_64 = arith.addi %mul3A_4, %add3A_63 : i32
    %dma_wait3A_65 = tpu.memref_slice %arg3[%add3A_64] : memref<327680xi32, #tpu.memory_space<hbm>> -> memref<128xi32, #tpu.memory_space<hbm>>
    %dma_wait3A_66 = tpu.memref_slice %arg3[%add3A_64] : memref<327680xi32, #tpu.memory_space<hbm>> -> memref<128xi32, #tpu.memory_space<hbm>>
    tpu.wait_dma2 semaphore(%arg17 : memref<!tpu.dma_semaphore, #tpu.memory_space<semaphore_mem>>) src(%dma_wait3A_66 : memref<128xi32, #tpu.memory_space<hbm>>) dst(%arg9 : memref<128xi32, #tpu.memory_space<vmem>>)
    %dma_start3A_67 = arith.constant 0 : i32
    %dma_start3A_68 = arith.constant 0 : i32
    %dma_start3A_69 = tpu.memref_slice %arg2[%dma_start3A_67, %dma_start3A_68] : memref<10000x128xf32, #tpu.memory_space<hbm>> -> memref<10000x128xf32, #tpu.memory_space<hbm>>
    tpu.enqueue_indirect_dma source(%dma_start3A_69 : memref<10000x128xf32, #tpu.memory_space<hbm>>) target(%arg13 : memref<128x128xf32, #tpu.memory_space<vmem>>) offsets(%arg9 : memref<128xi32, #tpu.memory_space<vmem>>) semaphore(%arg21 : memref<!tpu.dma_semaphore, #tpu.memory_space<semaphore_mem>>)
    %dma_wait3A_70 = arith.constant 0 : i32
    %dma_wait3A_71 = arith.constant 0 : i32
    %dma_wait3A_72 = tpu.memref_slice %arg2[%dma_wait3A_70, %dma_wait3A_71] : memref<10000x128xf32, #tpu.memory_space<hbm>> -> memref<10000x128xf32, #tpu.memory_space<hbm>>
    tpu.wait_indirect_dma semaphore(%arg21 : memref<!tpu.dma_semaphore, #tpu.memory_space<semaphore_mem>>) src(%dma_wait3A_72 : memref<10000x128xf32, #tpu.memory_space<hbm>>) dst(%arg13 : memref<128x128xf32, #tpu.memory_space<vmem>>)
    %dma_start3A_73 = arith.constant 1 : i32
    %dma_start3A_74 = arith.constant 0 : i32
    %dma_start3A_75 = tpu.memref_slice %arg7[%dma_start3A_73, %dma_start3A_74] : memref<80x128xi32, #tpu.memory_space<vmem>> -> memref<1x128xi32, #tpu.memory_space<vmem>>
    %dma_start3A_76 = tpu.memref_squeeze %dma_start3A_75 : memref<1x128xi32, #tpu.memory_space<vmem>> -> memref<128xi32, #tpu.memory_space<vmem>>
    %dma_start3A_77 = arith.constant 0 : i32
    %dma_start3A_78 = arith.constant 0 : i32
    %dma_start3A_79 = tpu.memref_slice %arg14[%dma_start3A_77, %dma_start3A_78] : memref<10008x128xf32, #tpu.memory_space<vmem_shared>> -> memref<10008x128xf32, #tpu.memory_space<vmem_shared>>
    tpu.enqueue_indirect_dma source(%arg13 : memref<128x128xf32, #tpu.memory_space<vmem>>) target(%dma_start3A_79 : memref<10008x128xf32, #tpu.memory_space<vmem_shared>>) offsets(%dma_start3A_76 : memref<128xi32, #tpu.memory_space<vmem>>) semaphore(%arg23 : memref<!tpu.dma_semaphore, #tpu.memory_space<semaphore_mem>>) {add = true}
    %add3A_80 = arith.constant 640 : i32
    %add3A_81 = arith.addi %mul3A_4, %add3A_80 : i32
    %dma_start3A_82 = tpu.memref_slice %arg3[%add3A_81] : memref<327680xi32, #tpu.memory_space<hbm>> -> memref<128xi32, #tpu.memory_space<hbm>>
    %dma_start3A_83 = tpu.memref_slice %arg3[%add3A_81] : memref<327680xi32, #tpu.memory_space<hbm>> -> memref<128xi32, #tpu.memory_space<hbm>>
    tpu.enqueue_dma source(%dma_start3A_83 : memref<128xi32, #tpu.memory_space<hbm>>) target(%arg9 : memref<128xi32, #tpu.memory_space<vmem>>) target_semaphore(%arg17 : memref<!tpu.dma_semaphore, #tpu.memory_space<semaphore_mem>>)
    %dma_wait3A_84 = arith.constant 0 : i32
    %dma_wait3A_85 = arith.constant 0 : i32
    %dma_wait3A_86 = tpu.memref_slice %arg7[%dma_wait3A_84, %dma_wait3A_85] : memref<80x128xi32, #tpu.memory_space<vmem>> -> memref<1x128xi32, #tpu.memory_space<vmem>>
    %dma_wait3A_87 = tpu.memref_squeeze %dma_wait3A_86 : memref<1x128xi32, #tpu.memory_space<vmem>> -> memref<128xi32, #tpu.memory_space<vmem>>
    %dma_wait3A_88 = arith.constant 0 : i32
    %dma_wait3A_89 = arith.constant 0 : i32
    %dma_wait3A_90 = tpu.memref_slice %arg14[%dma_wait3A_88, %dma_wait3A_89] : memref<10008x128xf32, #tpu.memory_space<vmem_shared>> -> memref<10008x128xf32, #tpu.memory_space<vmem_shared>>
    tpu.wait_indirect_dma semaphore(%arg22 : memref<!tpu.dma_semaphore, #tpu.memory_space<semaphore_mem>>) src(%arg12 : memref<128x128xf32, #tpu.memory_space<vmem>>) dst(%dma_wait3A_90 : memref<10008x128xf32, #tpu.memory_space<vmem_shared>>)
    %add3A_91 = arith.constant 256 : i32
    %add3A_92 = arith.addi %mul3A_4, %add3A_91 : i32
    %dma_wait3A_93 = tpu.memref_slice %arg3[%add3A_92] : memref<327680xi32, #tpu.memory_space<hbm>> -> memref<128xi32, #tpu.memory_space<hbm>>
    %dma_wait3A_94 = tpu.memref_slice %arg3[%add3A_92] : memref<327680xi32, #tpu.memory_space<hbm>> -> memref<128xi32, #tpu.memory_space<hbm>>
    tpu.wait_dma2 semaphore(%arg18 : memref<!tpu.dma_semaphore, #tpu.memory_space<semaphore_mem>>) src(%dma_wait3A_94 : memref<128xi32, #tpu.memory_space<hbm>>) dst(%arg10 : memref<128xi32, #tpu.memory_space<vmem>>)
    %dma_start3A_95 = arith.constant 0 : i32
    %dma_start3A_96 = arith.constant 0 : i32
    %dma_start3A_97 = tpu.memref_slice %arg2[%dma_start3A_95, %dma_start3A_96] : memref<10000x128xf32, #tpu.memory_space<hbm>> -> memref<10000x128xf32, #tpu.memory_space<hbm>>
    tpu.enqueue_indirect_dma source(%dma_start3A_97 : memref<10000x128xf32, #tpu.memory_space<hbm>>) target(%arg12 : memref<128x128xf32, #tpu.memory_space<vmem>>) offsets(%arg10 : memref<128xi32, #tpu.memory_space<vmem>>) semaphore(%arg20 : memref<!tpu.dma_semaphore, #tpu.memory_space<semaphore_mem>>)
    %dma_wait3A_98 = arith.constant 0 : i32
    %dma_wait3A_99 = arith.constant 0 : i32
    %dma_wait3A_100 = tpu.memref_slice %arg2[%dma_wait3A_98, %dma_wait3A_99] : memref<10000x128xf32, #tpu.memory_space<hbm>> -> memref<10000x128xf32, #tpu.memory_space<hbm>>
    tpu.wait_indirect_dma semaphore(%arg20 : memref<!tpu.dma_semaphore, #tpu.memory_space<semaphore_mem>>) src(%dma_wait3A_100 : memref<10000x128xf32, #tpu.memory_space<hbm>>) dst(%arg12 : memref<128x128xf32, #tpu.memory_space<vmem>>)
    %dma_start3A_101 = arith.constant 2 : i32
    %dma_start3A_102 = arith.constant 0 : i32
    %dma_start3A_103 = tpu.memref_slice %arg7[%dma_start3A_101, %dma_start3A_102] : memref<80x128xi32, #tpu.memory_space<vmem>> -> memref<1x128xi32, #tpu.memory_space<vmem>>
    %dma_start3A_104 = tpu.memref_squeeze %dma_start3A_103 : memref<1x128xi32, #tpu.memory_space<vmem>> -> memref<128xi32, #tpu.memory_space<vmem>>
    %dma_start3A_105 = arith.constant 0 : i32
    %dma_start3A_106 = arith.constant 0 : i32
    %dma_start3A_107 = tpu.memref_slice %arg14[%dma_start3A_105, %dma_start3A_106] : memref<10008x128xf32, #tpu.memory_space<vmem_shared>> -> memref<10008x128xf32, #tpu.memory_space<vmem_shared>>
    tpu.enqueue_indirect_dma source(%arg12 : memref<128x128xf32, #tpu.memory_space<vmem>>) target(%dma_start3A_107 : memref<10008x128xf32, #tpu.memory_space<vmem_shared>>) offsets(%dma_start3A_104 : memref<128xi32, #tpu.memory_space<vmem>>) semaphore(%arg22 : memref<!tpu.dma_semaphore, #tpu.memory_space<semaphore_mem>>) {add = true}
    %add3A_108 = arith.constant 768 : i32
    %add3A_109 = arith.addi %mul3A_4, %add3A_108 : i32
    %dma_start3A_110 = tpu.memref_slice %arg3[%add3A_109] : memref<327680xi32, #tpu.memory_space<hbm>> -> memref<128xi32, #tpu.memory_space<hbm>>
    %dma_start3A_111 = tpu.memref_slice %arg3[%add3A_109] : memref<327680xi32, #tpu.memory_space<hbm>> -> memref<128xi32, #tpu.memory_space<hbm>>
    tpu.enqueue_dma source(%dma_start3A_111 : memref<128xi32, #tpu.memory_space<hbm>>) target(%arg10 : memref<128xi32, #tpu.memory_space<vmem>>) target_semaphore(%arg18 : memref<!tpu.dma_semaphore, #tpu.memory_space<semaphore_mem>>)
    %dma_wait3A_112 = arith.constant 1 : i32
    %dma_wait3A_113 = arith.constant 0 : i32
    %dma_wait3A_114 = tpu.memref_slice %arg7[%dma_wait3A_112, %dma_wait3A_113] : memref<80x128xi32, #tpu.memory_space<vmem>> -> memref<1x128xi32, #tpu.memory_space<vmem>>
    %dma_wait3A_115 = tpu.memref_squeeze %dma_wait3A_114 : memref<1x128xi32, #tpu.memory_space<vmem>> -> memref<128xi32, #tpu.memory_space<vmem>>
    %dma_wait3A_116 = arith.constant 0 : i32
    %dma_wait3A_117 = arith.constant 0 : i32
    %dma_wait3A_118 = tpu.memref_slice %arg14[%dma_wait3A_116, %dma_wait3A_117] : memref<10008x128xf32, #tpu.memory_space<vmem_shared>> -> memref<10008x128xf32, #tpu.memory_space<vmem_shared>>
    tpu.wait_indirect_dma semaphore(%arg23 : memref<!tpu.dma_semaphore, #tpu.memory_space<semaphore_mem>>) src(%arg13 : memref<128x128xf32, #tpu.memory_space<vmem>>) dst(%dma_wait3A_118 : memref<10008x128xf32, #tpu.memory_space<vmem_shared>>)
    %add3A_119 = arith.constant 384 : i32
    %add3A_120 = arith.addi %mul3A_4, %add3A_119 : i32
    %dma_wait3A_121 = tpu.memref_slice %arg3[%add3A_120] : memref<327680xi32, #tpu.memory_space<hbm>> -> memref<128xi32, #tpu.memory_space<hbm>>
    %dma_wait3A_122 = tpu.memref_slice %arg3[%add3A_120] : memref<327680xi32, #tpu.memory_space<hbm>> -> memref<128xi32, #tpu.memory_space<hbm>>
    tpu.wait_dma2 semaphore(%arg19 : memref<!tpu.dma_semaphore, #tpu.memory_space<semaphore_mem>>) src(%dma_wait3A_122 : memref<128xi32, #tpu.memory_space<hbm>>) dst(%arg11 : memref<128xi32, #tpu.memory_space<vmem>>)
    %dma_start3A_123 = arith.constant 0 : i32
    %dma_start3A_124 = arith.constant 0 : i32
    %dma_start3A_125 = tpu.memref_slice %arg2[%dma_start3A_123, %dma_start3A_124] : memref<10000x128xf32, #tpu.memory_space<hbm>> -> memref<10000x128xf32, #tpu.memory_space<hbm>>
    tpu.enqueue_indirect_dma source(%dma_start3A_125 : memref<10000x128xf32, #tpu.memory_space<hbm>>) target(%arg13 : memref<128x128xf32, #tpu.memory_space<vmem>>) offsets(%arg11 : memref<128xi32, #tpu.memory_space<vmem>>) semaphore(%arg21 : memref<!tpu.dma_semaphore, #tpu.memory_space<semaphore_mem>>)
    %scan3A = arith.constant 0 : i32
    %scan3A_126 = arith.constant 18 : i32
    %scan3A_127 = arith.addi %scan3A, %scan3A_126 : i32
    %scan3A_128 = arith.constant 1 : i32
    scf.for %scan3A_273 = %scan3A to %scan3A_127 step %scan3A_128  : i32 {
      %mul3A_274 = arith.constant 4 : i32
      %mul3A_275 = arith.muli %scan3A_273, %mul3A_274 : i32
      %add3A_276 = arith.constant 4 : i32
      %add3A_277 = arith.addi %add3A_276, %mul3A_275 : i32
      %add3A_278 = arith.constant 0 : i32
      %add3A_279 = arith.addi %add3A_277, %add3A_278 : i32
      %sub3A_280 = arith.constant 1 : i32
      %sub3A_281 = arith.subi %add3A_279, %sub3A_280 : i32
      %dma_wait3A_282 = arith.constant 0 : i32
      %dma_wait3A_283 = arith.constant 0 : i32
      %dma_wait3A_284 = tpu.memref_slice %arg2[%dma_wait3A_282, %dma_wait3A_283] : memref<10000x128xf32, #tpu.memory_space<hbm>> -> memref<10000x128xf32, #tpu.memory_space<hbm>>
      tpu.wait_indirect_dma semaphore(%arg21 : memref<!tpu.dma_semaphore, #tpu.memory_space<semaphore_mem>>) src(%dma_wait3A_284 : memref<10000x128xf32, #tpu.memory_space<hbm>>) dst(%arg13 : memref<128x128xf32, #tpu.memory_space<vmem>>)
      %dma_start3A_285 = arith.constant 0 : i32
      %dma_start3A_286 = tpu.memref_slice %arg7[%sub3A_281, %dma_start3A_285] : memref<80x128xi32, #tpu.memory_space<vmem>> -> memref<1x128xi32, #tpu.memory_space<vmem>>
      %dma_start3A_287 = tpu.memref_squeeze %dma_start3A_286 : memref<1x128xi32, #tpu.memory_space<vmem>> -> memref<128xi32, #tpu.memory_space<vmem>>
      %dma_start3A_288 = arith.constant 0 : i32
      %dma_start3A_289 = arith.constant 0 : i32
      %dma_start3A_290 = tpu.memref_slice %arg14[%dma_start3A_288, %dma_start3A_289] : memref<10008x128xf32, #tpu.memory_space<vmem_shared>> -> memref<10008x128xf32, #tpu.memory_space<vmem_shared>>
      tpu.enqueue_indirect_dma source(%arg13 : memref<128x128xf32, #tpu.memory_space<vmem>>) target(%dma_start3A_290 : memref<10008x128xf32, #tpu.memory_space<vmem_shared>>) offsets(%dma_start3A_287 : memref<128xi32, #tpu.memory_space<vmem>>) semaphore(%arg23 : memref<!tpu.dma_semaphore, #tpu.memory_space<semaphore_mem>>) {add = true}
      %add3A_291 = arith.constant 4 : i32
      %add3A_292 = arith.addi %sub3A_281, %add3A_291 : i32
      %mul3A_293 = arith.constant 128 : i32
      %mul3A_294 = arith.muli %add3A_292, %mul3A_293 : i32
      %add3A_295 = arith.addi %mul3A_4, %mul3A_294 : i32
      %dma_start3A_296 = tpu.memref_slice %arg3[%add3A_295] : memref<327680xi32, #tpu.memory_space<hbm>> -> memref<128xi32, #tpu.memory_space<hbm>>
      %dma_start3A_297 = tpu.memref_slice %arg3[%add3A_295] : memref<327680xi32, #tpu.memory_space<hbm>> -> memref<128xi32, #tpu.memory_space<hbm>>
      tpu.enqueue_dma source(%dma_start3A_297 : memref<128xi32, #tpu.memory_space<hbm>>) target(%arg11 : memref<128xi32, #tpu.memory_space<vmem>>) target_semaphore(%arg19 : memref<!tpu.dma_semaphore, #tpu.memory_space<semaphore_mem>>)
      %sub3A_298 = arith.constant 2 : i32
      %sub3A_299 = arith.subi %add3A_279, %sub3A_298 : i32
      %dma_wait3A_300 = arith.constant 0 : i32
      %dma_wait3A_301 = tpu.memref_slice %arg7[%sub3A_299, %dma_wait3A_300] : memref<80x128xi32, #tpu.memory_space<vmem>> -> memref<1x128xi32, #tpu.memory_space<vmem>>
      %dma_wait3A_302 = tpu.memref_squeeze %dma_wait3A_301 : memref<1x128xi32, #tpu.memory_space<vmem>> -> memref<128xi32, #tpu.memory_space<vmem>>
      %dma_wait3A_303 = arith.constant 0 : i32
      %dma_wait3A_304 = arith.constant 0 : i32
      %dma_wait3A_305 = tpu.memref_slice %arg14[%dma_wait3A_303, %dma_wait3A_304] : memref<10008x128xf32, #tpu.memory_space<vmem_shared>> -> memref<10008x128xf32, #tpu.memory_space<vmem_shared>>
      tpu.wait_indirect_dma semaphore(%arg22 : memref<!tpu.dma_semaphore, #tpu.memory_space<semaphore_mem>>) src(%arg12 : memref<128x128xf32, #tpu.memory_space<vmem>>) dst(%dma_wait3A_305 : memref<10008x128xf32, #tpu.memory_space<vmem_shared>>)
      %mul3A_306 = arith.constant 128 : i32
      %mul3A_307 = arith.muli %add3A_279, %mul3A_306 : i32
      %add3A_308 = arith.addi %mul3A_4, %mul3A_307 : i32
      %dma_wait3A_309 = tpu.memref_slice %arg3[%add3A_308] : memref<327680xi32, #tpu.memory_space<hbm>> -> memref<128xi32, #tpu.memory_space<hbm>>
      %dma_wait3A_310 = tpu.memref_slice %arg3[%add3A_308] : memref<327680xi32, #tpu.memory_space<hbm>> -> memref<128xi32, #tpu.memory_space<hbm>>
      tpu.wait_dma2 semaphore(%arg16 : memref<!tpu.dma_semaphore, #tpu.memory_space<semaphore_mem>>) src(%dma_wait3A_310 : memref<128xi32, #tpu.memory_space<hbm>>) dst(%arg8 : memref<128xi32, #tpu.memory_space<vmem>>)
      %dma_start3A_311 = arith.constant 0 : i32
      %dma_start3A_312 = arith.constant 0 : i32
      %dma_start3A_313 = tpu.memref_slice %arg2[%dma_start3A_311, %dma_start3A_312] : memref<10000x128xf32, #tpu.memory_space<hbm>> -> memref<10000x128xf32, #tpu.memory_space<hbm>>
      tpu.enqueue_indirect_dma source(%dma_start3A_313 : memref<10000x128xf32, #tpu.memory_space<hbm>>) target(%arg12 : memref<128x128xf32, #tpu.memory_space<vmem>>) offsets(%arg8 : memref<128xi32, #tpu.memory_space<vmem>>) semaphore(%arg20 : memref<!tpu.dma_semaphore, #tpu.memory_space<semaphore_mem>>)
      %add3A_314 = arith.constant 1 : i32
      %add3A_315 = arith.addi %add3A_277, %add3A_314 : i32
      %sub3A_316 = arith.constant 1 : i32
      %sub3A_317 = arith.subi %add3A_315, %sub3A_316 : i32
      %dma_wait3A_318 = arith.constant 0 : i32
      %dma_wait3A_319 = arith.constant 0 : i32
      %dma_wait3A_320 = tpu.memref_slice %arg2[%dma_wait3A_318, %dma_wait3A_319] : memref<10000x128xf32, #tpu.memory_space<hbm>> -> memref<10000x128xf32, #tpu.memory_space<hbm>>
      tpu.wait_indirect_dma semaphore(%arg20 : memref<!tpu.dma_semaphore, #tpu.memory_space<semaphore_mem>>) src(%dma_wait3A_320 : memref<10000x128xf32, #tpu.memory_space<hbm>>) dst(%arg12 : memref<128x128xf32, #tpu.memory_space<vmem>>)
      %dma_start3A_321 = arith.constant 0 : i32
      %dma_start3A_322 = tpu.memref_slice %arg7[%sub3A_317, %dma_start3A_321] : memref<80x128xi32, #tpu.memory_space<vmem>> -> memref<1x128xi32, #tpu.memory_space<vmem>>
      %dma_start3A_323 = tpu.memref_squeeze %dma_start3A_322 : memref<1x128xi32, #tpu.memory_space<vmem>> -> memref<128xi32, #tpu.memory_space<vmem>>
      %dma_start3A_324 = arith.constant 0 : i32
      %dma_start3A_325 = arith.constant 0 : i32
      %dma_start3A_326 = tpu.memref_slice %arg14[%dma_start3A_324, %dma_start3A_325] : memref<10008x128xf32, #tpu.memory_space<vmem_shared>> -> memref<10008x128xf32, #tpu.memory_space<vmem_shared>>
      tpu.enqueue_indirect_dma source(%arg12 : memref<128x128xf32, #tpu.memory_space<vmem>>) target(%dma_start3A_326 : memref<10008x128xf32, #tpu.memory_space<vmem_shared>>) offsets(%dma_start3A_323 : memref<128xi32, #tpu.memory_space<vmem>>) semaphore(%arg22 : memref<!tpu.dma_semaphore, #tpu.memory_space<semaphore_mem>>) {add = true}
      %add3A_327 = arith.constant 4 : i32
      %add3A_328 = arith.addi %sub3A_317, %add3A_327 : i32
      %mul3A_329 = arith.constant 128 : i32
      %mul3A_330 = arith.muli %add3A_328, %mul3A_329 : i32
      %add3A_331 = arith.addi %mul3A_4, %mul3A_330 : i32
      %dma_start3A_332 = tpu.memref_slice %arg3[%add3A_331] : memref<327680xi32, #tpu.memory_space<hbm>> -> memref<128xi32, #tpu.memory_space<hbm>>
      %dma_start3A_333 = tpu.memref_slice %arg3[%add3A_331] : memref<327680xi32, #tpu.memory_space<hbm>> -> memref<128xi32, #tpu.memory_space<hbm>>
      tpu.enqueue_dma source(%dma_start3A_333 : memref<128xi32, #tpu.memory_space<hbm>>) target(%arg8 : memref<128xi32, #tpu.memory_space<vmem>>) target_semaphore(%arg16 : memref<!tpu.dma_semaphore, #tpu.memory_space<semaphore_mem>>)
      %sub3A_334 = arith.constant 2 : i32
      %sub3A_335 = arith.subi %add3A_315, %sub3A_334 : i32
      %dma_wait3A_336 = arith.constant 0 : i32
      %dma_wait3A_337 = tpu.memref_slice %arg7[%sub3A_335, %dma_wait3A_336] : memref<80x128xi32, #tpu.memory_space<vmem>> -> memref<1x128xi32, #tpu.memory_space<vmem>>
      %dma_wait3A_338 = tpu.memref_squeeze %dma_wait3A_337 : memref<1x128xi32, #tpu.memory_space<vmem>> -> memref<128xi32, #tpu.memory_space<vmem>>
      %dma_wait3A_339 = arith.constant 0 : i32
      %dma_wait3A_340 = arith.constant 0 : i32
      %dma_wait3A_341 = tpu.memref_slice %arg14[%dma_wait3A_339, %dma_wait3A_340] : memref<10008x128xf32, #tpu.memory_space<vmem_shared>> -> memref<10008x128xf32, #tpu.memory_space<vmem_shared>>
      tpu.wait_indirect_dma semaphore(%arg23 : memref<!tpu.dma_semaphore, #tpu.memory_space<semaphore_mem>>) src(%arg13 : memref<128x128xf32, #tpu.memory_space<vmem>>) dst(%dma_wait3A_341 : memref<10008x128xf32, #tpu.memory_space<vmem_shared>>)
      %mul3A_342 = arith.constant 128 : i32
      %mul3A_343 = arith.muli %add3A_315, %mul3A_342 : i32
      %add3A_344 = arith.addi %mul3A_4, %mul3A_343 : i32
      %dma_wait3A_345 = tpu.memref_slice %arg3[%add3A_344] : memref<327680xi32, #tpu.memory_space<hbm>> -> memref<128xi32, #tpu.memory_space<hbm>>
      %dma_wait3A_346 = tpu.memref_slice %arg3[%add3A_344] : memref<327680xi32, #tpu.memory_space<hbm>> -> memref<128xi32, #tpu.memory_space<hbm>>
      tpu.wait_dma2 semaphore(%arg17 : memref<!tpu.dma_semaphore, #tpu.memory_space<semaphore_mem>>) src(%dma_wait3A_346 : memref<128xi32, #tpu.memory_space<hbm>>) dst(%arg9 : memref<128xi32, #tpu.memory_space<vmem>>)
      %dma_start3A_347 = arith.constant 0 : i32
      %dma_start3A_348 = arith.constant 0 : i32
      %dma_start3A_349 = tpu.memref_slice %arg2[%dma_start3A_347, %dma_start3A_348] : memref<10000x128xf32, #tpu.memory_space<hbm>> -> memref<10000x128xf32, #tpu.memory_space<hbm>>
      tpu.enqueue_indirect_dma source(%dma_start3A_349 : memref<10000x128xf32, #tpu.memory_space<hbm>>) target(%arg13 : memref<128x128xf32, #tpu.memory_space<vmem>>) offsets(%arg9 : memref<128xi32, #tpu.memory_space<vmem>>) semaphore(%arg21 : memref<!tpu.dma_semaphore, #tpu.memory_space<semaphore_mem>>)
      %add3A_350 = arith.constant 2 : i32
      %add3A_351 = arith.addi %add3A_277, %add3A_350 : i32
      %sub3A_352 = arith.constant 1 : i32
      %sub3A_353 = arith.subi %add3A_351, %sub3A_352 : i32
      %dma_wait3A_354 = arith.constant 0 : i32
      %dma_wait3A_355 = arith.constant 0 : i32
      %dma_wait3A_356 = tpu.memref_slice %arg2[%dma_wait3A_354, %dma_wait3A_355] : memref<10000x128xf32, #tpu.memory_space<hbm>> -> memref<10000x128xf32, #tpu.memory_space<hbm>>
      tpu.wait_indirect_dma semaphore(%arg21 : memref<!tpu.dma_semaphore, #tpu.memory_space<semaphore_mem>>) src(%dma_wait3A_356 : memref<10000x128xf32, #tpu.memory_space<hbm>>) dst(%arg13 : memref<128x128xf32, #tpu.memory_space<vmem>>)
      %dma_start3A_357 = arith.constant 0 : i32
      %dma_start3A_358 = tpu.memref_slice %arg7[%sub3A_353, %dma_start3A_357] : memref<80x128xi32, #tpu.memory_space<vmem>> -> memref<1x128xi32, #tpu.memory_space<vmem>>
      %dma_start3A_359 = tpu.memref_squeeze %dma_start3A_358 : memref<1x128xi32, #tpu.memory_space<vmem>> -> memref<128xi32, #tpu.memory_space<vmem>>
      %dma_start3A_360 = arith.constant 0 : i32
      %dma_start3A_361 = arith.constant 0 : i32
      %dma_start3A_362 = tpu.memref_slice %arg14[%dma_start3A_360, %dma_start3A_361] : memref<10008x128xf32, #tpu.memory_space<vmem_shared>> -> memref<10008x128xf32, #tpu.memory_space<vmem_shared>>
      tpu.enqueue_indirect_dma source(%arg13 : memref<128x128xf32, #tpu.memory_space<vmem>>) target(%dma_start3A_362 : memref<10008x128xf32, #tpu.memory_space<vmem_shared>>) offsets(%dma_start3A_359 : memref<128xi32, #tpu.memory_space<vmem>>) semaphore(%arg23 : memref<!tpu.dma_semaphore, #tpu.memory_space<semaphore_mem>>) {add = true}
      %add3A_363 = arith.constant 4 : i32
      %add3A_364 = arith.addi %sub3A_353, %add3A_363 : i32
      %mul3A_365 = arith.constant 128 : i32
      %mul3A_366 = arith.muli %add3A_364, %mul3A_365 : i32
      %add3A_367 = arith.addi %mul3A_4, %mul3A_366 : i32
      %dma_start3A_368 = tpu.memref_slice %arg3[%add3A_367] : memref<327680xi32, #tpu.memory_space<hbm>> -> memref<128xi32, #tpu.memory_space<hbm>>
      %dma_start3A_369 = tpu.memref_slice %arg3[%add3A_367] : memref<327680xi32, #tpu.memory_space<hbm>> -> memref<128xi32, #tpu.memory_space<hbm>>
      tpu.enqueue_dma source(%dma_start3A_369 : memref<128xi32, #tpu.memory_space<hbm>>) target(%arg9 : memref<128xi32, #tpu.memory_space<vmem>>) target_semaphore(%arg17 : memref<!tpu.dma_semaphore, #tpu.memory_space<semaphore_mem>>)
      %sub3A_370 = arith.constant 2 : i32
      %sub3A_371 = arith.subi %add3A_351, %sub3A_370 : i32
      %dma_wait3A_372 = arith.constant 0 : i32
      %dma_wait3A_373 = tpu.memref_slice %arg7[%sub3A_371, %dma_wait3A_372] : memref<80x128xi32, #tpu.memory_space<vmem>> -> memref<1x128xi32, #tpu.memory_space<vmem>>
      %dma_wait3A_374 = tpu.memref_squeeze %dma_wait3A_373 : memref<1x128xi32, #tpu.memory_space<vmem>> -> memref<128xi32, #tpu.memory_space<vmem>>
      %dma_wait3A_375 = arith.constant 0 : i32
      %dma_wait3A_376 = arith.constant 0 : i32
      %dma_wait3A_377 = tpu.memref_slice %arg14[%dma_wait3A_375, %dma_wait3A_376] : memref<10008x128xf32, #tpu.memory_space<vmem_shared>> -> memref<10008x128xf32, #tpu.memory_space<vmem_shared>>
      tpu.wait_indirect_dma semaphore(%arg22 : memref<!tpu.dma_semaphore, #tpu.memory_space<semaphore_mem>>) src(%arg12 : memref<128x128xf32, #tpu.memory_space<vmem>>) dst(%dma_wait3A_377 : memref<10008x128xf32, #tpu.memory_space<vmem_shared>>)
      %mul3A_378 = arith.constant 128 : i32
      %mul3A_379 = arith.muli %add3A_351, %mul3A_378 : i32
      %add3A_380 = arith.addi %mul3A_4, %mul3A_379 : i32
      %dma_wait3A_381 = tpu.memref_slice %arg3[%add3A_380] : memref<327680xi32, #tpu.memory_space<hbm>> -> memref<128xi32, #tpu.memory_space<hbm>>
      %dma_wait3A_382 = tpu.memref_slice %arg3[%add3A_380] : memref<327680xi32, #tpu.memory_space<hbm>> -> memref<128xi32, #tpu.memory_space<hbm>>
      tpu.wait_dma2 semaphore(%arg18 : memref<!tpu.dma_semaphore, #tpu.memory_space<semaphore_mem>>) src(%dma_wait3A_382 : memref<128xi32, #tpu.memory_space<hbm>>) dst(%arg10 : memref<128xi32, #tpu.memory_space<vmem>>)
      %dma_start3A_383 = arith.constant 0 : i32
      %dma_start3A_384 = arith.constant 0 : i32
      %dma_start3A_385 = tpu.memref_slice %arg2[%dma_start3A_383, %dma_start3A_384] : memref<10000x128xf32, #tpu.memory_space<hbm>> -> memref<10000x128xf32, #tpu.memory_space<hbm>>
      tpu.enqueue_indirect_dma source(%dma_start3A_385 : memref<10000x128xf32, #tpu.memory_space<hbm>>) target(%arg12 : memref<128x128xf32, #tpu.memory_space<vmem>>) offsets(%arg10 : memref<128xi32, #tpu.memory_space<vmem>>) semaphore(%arg20 : memref<!tpu.dma_semaphore, #tpu.memory_space<semaphore_mem>>)
      %add3A_386 = arith.constant 3 : i32
      %add3A_387 = arith.addi %add3A_277, %add3A_386 : i32
      %sub3A_388 = arith.constant 1 : i32
      %sub3A_389 = arith.subi %add3A_387, %sub3A_388 : i32
      %dma_wait3A_390 = arith.constant 0 : i32
      %dma_wait3A_391 = arith.constant 0 : i32
      %dma_wait3A_392 = tpu.memref_slice %arg2[%dma_wait3A_390, %dma_wait3A_391] : memref<10000x128xf32, #tpu.memory_space<hbm>> -> memref<10000x128xf32, #tpu.memory_space<hbm>>
      tpu.wait_indirect_dma semaphore(%arg20 : memref<!tpu.dma_semaphore, #tpu.memory_space<semaphore_mem>>) src(%dma_wait3A_392 : memref<10000x128xf32, #tpu.memory_space<hbm>>) dst(%arg12 : memref<128x128xf32, #tpu.memory_space<vmem>>)
      %dma_start3A_393 = arith.constant 0 : i32
      %dma_start3A_394 = tpu.memref_slice %arg7[%sub3A_389, %dma_start3A_393] : memref<80x128xi32, #tpu.memory_space<vmem>> -> memref<1x128xi32, #tpu.memory_space<vmem>>
      %dma_start3A_395 = tpu.memref_squeeze %dma_start3A_394 : memref<1x128xi32, #tpu.memory_space<vmem>> -> memref<128xi32, #tpu.memory_space<vmem>>
      %dma_start3A_396 = arith.constant 0 : i32
      %dma_start3A_397 = arith.constant 0 : i32
      %dma_start3A_398 = tpu.memref_slice %arg14[%dma_start3A_396, %dma_start3A_397] : memref<10008x128xf32, #tpu.memory_space<vmem_shared>> -> memref<10008x128xf32, #tpu.memory_space<vmem_shared>>
      tpu.enqueue_indirect_dma source(%arg12 : memref<128x128xf32, #tpu.memory_space<vmem>>) target(%dma_start3A_398 : memref<10008x128xf32, #tpu.memory_space<vmem_shared>>) offsets(%dma_start3A_395 : memref<128xi32, #tpu.memory_space<vmem>>) semaphore(%arg22 : memref<!tpu.dma_semaphore, #tpu.memory_space<semaphore_mem>>) {add = true}
      %add3A_399 = arith.constant 4 : i32
      %add3A_400 = arith.addi %sub3A_389, %add3A_399 : i32
      %mul3A_401 = arith.constant 128 : i32
      %mul3A_402 = arith.muli %add3A_400, %mul3A_401 : i32
      %add3A_403 = arith.addi %mul3A_4, %mul3A_402 : i32
      %dma_start3A_404 = tpu.memref_slice %arg3[%add3A_403] : memref<327680xi32, #tpu.memory_space<hbm>> -> memref<128xi32, #tpu.memory_space<hbm>>
      %dma_start3A_405 = tpu.memref_slice %arg3[%add3A_403] : memref<327680xi32, #tpu.memory_space<hbm>> -> memref<128xi32, #tpu.memory_space<hbm>>
      tpu.enqueue_dma source(%dma_start3A_405 : memref<128xi32, #tpu.memory_space<hbm>>) target(%arg10 : memref<128xi32, #tpu.memory_space<vmem>>) target_semaphore(%arg18 : memref<!tpu.dma_semaphore, #tpu.memory_space<semaphore_mem>>)
      %sub3A_406 = arith.constant 2 : i32
      %sub3A_407 = arith.subi %add3A_387, %sub3A_406 : i32
      %dma_wait3A_408 = arith.constant 0 : i32
      %dma_wait3A_409 = tpu.memref_slice %arg7[%sub3A_407, %dma_wait3A_408] : memref<80x128xi32, #tpu.memory_space<vmem>> -> memref<1x128xi32, #tpu.memory_space<vmem>>
      %dma_wait3A_410 = tpu.memref_squeeze %dma_wait3A_409 : memref<1x128xi32, #tpu.memory_space<vmem>> -> memref<128xi32, #tpu.memory_space<vmem>>
      %dma_wait3A_411 = arith.constant 0 : i32
      %dma_wait3A_412 = arith.constant 0 : i32
      %dma_wait3A_413 = tpu.memref_slice %arg14[%dma_wait3A_411, %dma_wait3A_412] : memref<10008x128xf32, #tpu.memory_space<vmem_shared>> -> memref<10008x128xf32, #tpu.memory_space<vmem_shared>>
      tpu.wait_indirect_dma semaphore(%arg23 : memref<!tpu.dma_semaphore, #tpu.memory_space<semaphore_mem>>) src(%arg13 : memref<128x128xf32, #tpu.memory_space<vmem>>) dst(%dma_wait3A_413 : memref<10008x128xf32, #tpu.memory_space<vmem_shared>>)
      %mul3A_414 = arith.constant 128 : i32
      %mul3A_415 = arith.muli %add3A_387, %mul3A_414 : i32
      %add3A_416 = arith.addi %mul3A_4, %mul3A_415 : i32
      %dma_wait3A_417 = tpu.memref_slice %arg3[%add3A_416] : memref<327680xi32, #tpu.memory_space<hbm>> -> memref<128xi32, #tpu.memory_space<hbm>>
      %dma_wait3A_418 = tpu.memref_slice %arg3[%add3A_416] : memref<327680xi32, #tpu.memory_space<hbm>> -> memref<128xi32, #tpu.memory_space<hbm>>
      tpu.wait_dma2 semaphore(%arg19 : memref<!tpu.dma_semaphore, #tpu.memory_space<semaphore_mem>>) src(%dma_wait3A_418 : memref<128xi32, #tpu.memory_space<hbm>>) dst(%arg11 : memref<128xi32, #tpu.memory_space<vmem>>)
      %dma_start3A_419 = arith.constant 0 : i32
      %dma_start3A_420 = arith.constant 0 : i32
      %dma_start3A_421 = tpu.memref_slice %arg2[%dma_start3A_419, %dma_start3A_420] : memref<10000x128xf32, #tpu.memory_space<hbm>> -> memref<10000x128xf32, #tpu.memory_space<hbm>>
      tpu.enqueue_indirect_dma source(%dma_start3A_421 : memref<10000x128xf32, #tpu.memory_space<hbm>>) target(%arg13 : memref<128x128xf32, #tpu.memory_space<vmem>>) offsets(%arg11 : memref<128xi32, #tpu.memory_space<vmem>>) semaphore(%arg21 : memref<!tpu.dma_semaphore, #tpu.memory_space<semaphore_mem>>)
    }
    %scan3A_129 = arith.constant 18 : i32
    %dma_wait3A_130 = arith.constant 0 : i32
    %dma_wait3A_131 = arith.constant 0 : i32
    %dma_wait3A_132 = tpu.memref_slice %arg2[%dma_wait3A_130, %dma_wait3A_131] : memref<10000x128xf32, #tpu.memory_space<hbm>> -> memref<10000x128xf32, #tpu.memory_space<hbm>>
    tpu.wait_indirect_dma semaphore(%arg21 : memref<!tpu.dma_semaphore, #tpu.memory_space<semaphore_mem>>) src(%dma_wait3A_132 : memref<10000x128xf32, #tpu.memory_space<hbm>>) dst(%arg13 : memref<128x128xf32, #tpu.memory_space<vmem>>)
    %dma_start3A_133 = arith.constant 75 : i32
    %dma_start3A_134 = arith.constant 0 : i32
    %dma_start3A_135 = tpu.memref_slice %arg7[%dma_start3A_133, %dma_start3A_134] : memref<80x128xi32, #tpu.memory_space<vmem>> -> memref<1x128xi32, #tpu.memory_space<vmem>>
    %dma_start3A_136 = tpu.memref_squeeze %dma_start3A_135 : memref<1x128xi32, #tpu.memory_space<vmem>> -> memref<128xi32, #tpu.memory_space<vmem>>
    %dma_start3A_137 = arith.constant 0 : i32
    %dma_start3A_138 = arith.constant 0 : i32
    %dma_start3A_139 = tpu.memref_slice %arg14[%dma_start3A_137, %dma_start3A_138] : memref<10008x128xf32, #tpu.memory_space<vmem_shared>> -> memref<10008x128xf32, #tpu.memory_space<vmem_shared>>
    tpu.enqueue_indirect_dma source(%arg13 : memref<128x128xf32, #tpu.memory_space<vmem>>) target(%dma_start3A_139 : memref<10008x128xf32, #tpu.memory_space<vmem_shared>>) offsets(%dma_start3A_136 : memref<128xi32, #tpu.memory_space<vmem>>) semaphore(%arg23 : memref<!tpu.dma_semaphore, #tpu.memory_space<semaphore_mem>>) {add = true}
    %add3A_140 = arith.constant 10112 : i32
    %add3A_141 = arith.addi %mul3A_4, %add3A_140 : i32
    %dma_start3A_142 = tpu.memref_slice %arg3[%add3A_141] : memref<327680xi32, #tpu.memory_space<hbm>> -> memref<128xi32, #tpu.memory_space<hbm>>
    %dma_start3A_143 = tpu.memref_slice %arg3[%add3A_141] : memref<327680xi32, #tpu.memory_space<hbm>> -> memref<128xi32, #tpu.memory_space<hbm>>
    tpu.enqueue_dma source(%dma_start3A_143 : memref<128xi32, #tpu.memory_space<hbm>>) target(%arg11 : memref<128xi32, #tpu.memory_space<vmem>>) target_semaphore(%arg19 : memref<!tpu.dma_semaphore, #tpu.memory_space<semaphore_mem>>)
    %dma_wait3A_144 = arith.constant 74 : i32
    %dma_wait3A_145 = arith.constant 0 : i32
    %dma_wait3A_146 = tpu.memref_slice %arg7[%dma_wait3A_144, %dma_wait3A_145] : memref<80x128xi32, #tpu.memory_space<vmem>> -> memref<1x128xi32, #tpu.memory_space<vmem>>
    %dma_wait3A_147 = tpu.memref_squeeze %dma_wait3A_146 : memref<1x128xi32, #tpu.memory_space<vmem>> -> memref<128xi32, #tpu.memory_space<vmem>>
    %dma_wait3A_148 = arith.constant 0 : i32
    %dma_wait3A_149 = arith.constant 0 : i32
    %dma_wait3A_150 = tpu.memref_slice %arg14[%dma_wait3A_148, %dma_wait3A_149] : memref<10008x128xf32, #tpu.memory_space<vmem_shared>> -> memref<10008x128xf32, #tpu.memory_space<vmem_shared>>
    tpu.wait_indirect_dma semaphore(%arg22 : memref<!tpu.dma_semaphore, #tpu.memory_space<semaphore_mem>>) src(%arg12 : memref<128x128xf32, #tpu.memory_space<vmem>>) dst(%dma_wait3A_150 : memref<10008x128xf32, #tpu.memory_space<vmem_shared>>)
    %add3A_151 = arith.constant 9728 : i32
    %add3A_152 = arith.addi %mul3A_4, %add3A_151 : i32
    %dma_wait3A_153 = tpu.memref_slice %arg3[%add3A_152] : memref<327680xi32, #tpu.memory_space<hbm>> -> memref<128xi32, #tpu.memory_space<hbm>>
    %dma_wait3A_154 = tpu.memref_slice %arg3[%add3A_152] : memref<327680xi32, #tpu.memory_space<hbm>> -> memref<128xi32, #tpu.memory_space<hbm>>
    tpu.wait_dma2 semaphore(%arg16 : memref<!tpu.dma_semaphore, #tpu.memory_space<semaphore_mem>>) src(%dma_wait3A_154 : memref<128xi32, #tpu.memory_space<hbm>>) dst(%arg8 : memref<128xi32, #tpu.memory_space<vmem>>)
    %dma_start3A_155 = arith.constant 0 : i32
    %dma_start3A_156 = arith.constant 0 : i32
    %dma_start3A_157 = tpu.memref_slice %arg2[%dma_start3A_155, %dma_start3A_156] : memref<10000x128xf32, #tpu.memory_space<hbm>> -> memref<10000x128xf32, #tpu.memory_space<hbm>>
    tpu.enqueue_indirect_dma source(%dma_start3A_157 : memref<10000x128xf32, #tpu.memory_space<hbm>>) target(%arg12 : memref<128x128xf32, #tpu.memory_space<vmem>>) offsets(%arg8 : memref<128xi32, #tpu.memory_space<vmem>>) semaphore(%arg20 : memref<!tpu.dma_semaphore, #tpu.memory_space<semaphore_mem>>)
    %dma_wait3A_158 = arith.constant 0 : i32
    %dma_wait3A_159 = arith.constant 0 : i32
    %dma_wait3A_160 = tpu.memref_slice %arg2[%dma_wait3A_158, %dma_wait3A_159] : memref<10000x128xf32, #tpu.memory_space<hbm>> -> memref<10000x128xf32, #tpu.memory_space<hbm>>
    tpu.wait_indirect_dma semaphore(%arg20 : memref<!tpu.dma_semaphore, #tpu.memory_space<semaphore_mem>>) src(%dma_wait3A_160 : memref<10000x128xf32, #tpu.memory_space<hbm>>) dst(%arg12 : memref<128x128xf32, #tpu.memory_space<vmem>>)
    %dma_start3A_161 = arith.constant 76 : i32
    %dma_start3A_162 = arith.constant 0 : i32
    %dma_start3A_163 = tpu.memref_slice %arg7[%dma_start3A_161, %dma_start3A_162] : memref<80x128xi32, #tpu.memory_space<vmem>> -> memref<1x128xi32, #tpu.memory_space<vmem>>
    %dma_start3A_164 = tpu.memref_squeeze %dma_start3A_163 : memref<1x128xi32, #tpu.memory_space<vmem>> -> memref<128xi32, #tpu.memory_space<vmem>>
    %dma_start3A_165 = arith.constant 0 : i32
    %dma_start3A_166 = arith.constant 0 : i32
    %dma_start3A_167 = tpu.memref_slice %arg14[%dma_start3A_165, %dma_start3A_166] : memref<10008x128xf32, #tpu.memory_space<vmem_shared>> -> memref<10008x128xf32, #tpu.memory_space<vmem_shared>>
    tpu.enqueue_indirect_dma source(%arg12 : memref<128x128xf32, #tpu.memory_space<vmem>>) target(%dma_start3A_167 : memref<10008x128xf32, #tpu.memory_space<vmem_shared>>) offsets(%dma_start3A_164 : memref<128xi32, #tpu.memory_space<vmem>>) semaphore(%arg22 : memref<!tpu.dma_semaphore, #tpu.memory_space<semaphore_mem>>) {add = true}
    %dma_wait3A_168 = arith.constant 75 : i32
    %dma_wait3A_169 = arith.constant 0 : i32
    %dma_wait3A_170 = tpu.memref_slice %arg7[%dma_wait3A_168, %dma_wait3A_169] : memref<80x128xi32, #tpu.memory_space<vmem>> -> memref<1x128xi32, #tpu.memory_space<vmem>>
    %dma_wait3A_171 = tpu.memref_squeeze %dma_wait3A_170 : memref<1x128xi32, #tpu.memory_space<vmem>> -> memref<128xi32, #tpu.memory_space<vmem>>
    %dma_wait3A_172 = arith.constant 0 : i32
    %dma_wait3A_173 = arith.constant 0 : i32
    %dma_wait3A_174 = tpu.memref_slice %arg14[%dma_wait3A_172, %dma_wait3A_173] : memref<10008x128xf32, #tpu.memory_space<vmem_shared>> -> memref<10008x128xf32, #tpu.memory_space<vmem_shared>>
    tpu.wait_indirect_dma semaphore(%arg23 : memref<!tpu.dma_semaphore, #tpu.memory_space<semaphore_mem>>) src(%arg13 : memref<128x128xf32, #tpu.memory_space<vmem>>) dst(%dma_wait3A_174 : memref<10008x128xf32, #tpu.memory_space<vmem_shared>>)
    %add3A_175 = arith.constant 9856 : i32
    %add3A_176 = arith.addi %mul3A_4, %add3A_175 : i32
    %dma_wait3A_177 = tpu.memref_slice %arg3[%add3A_176] : memref<327680xi32, #tpu.memory_space<hbm>> -> memref<128xi32, #tpu.memory_space<hbm>>
    %dma_wait3A_178 = tpu.memref_slice %arg3[%add3A_176] : memref<327680xi32, #tpu.memory_space<hbm>> -> memref<128xi32, #tpu.memory_space<hbm>>
    tpu.wait_dma2 semaphore(%arg17 : memref<!tpu.dma_semaphore, #tpu.memory_space<semaphore_mem>>) src(%dma_wait3A_178 : memref<128xi32, #tpu.memory_space<hbm>>) dst(%arg9 : memref<128xi32, #tpu.memory_space<vmem>>)
    %dma_start3A_179 = arith.constant 0 : i32
    %dma_start3A_180 = arith.constant 0 : i32
    %dma_start3A_181 = tpu.memref_slice %arg2[%dma_start3A_179, %dma_start3A_180] : memref<10000x128xf32, #tpu.memory_space<hbm>> -> memref<10000x128xf32, #tpu.memory_space<hbm>>
    tpu.enqueue_indirect_dma source(%dma_start3A_181 : memref<10000x128xf32, #tpu.memory_space<hbm>>) target(%arg13 : memref<128x128xf32, #tpu.memory_space<vmem>>) offsets(%arg9 : memref<128xi32, #tpu.memory_space<vmem>>) semaphore(%arg21 : memref<!tpu.dma_semaphore, #tpu.memory_space<semaphore_mem>>)
    %dma_wait3A_182 = arith.constant 0 : i32
    %dma_wait3A_183 = arith.constant 0 : i32
    %dma_wait3A_184 = tpu.memref_slice %arg2[%dma_wait3A_182, %dma_wait3A_183] : memref<10000x128xf32, #tpu.memory_space<hbm>> -> memref<10000x128xf32, #tpu.memory_space<hbm>>
    tpu.wait_indirect_dma semaphore(%arg21 : memref<!tpu.dma_semaphore, #tpu.memory_space<semaphore_mem>>) src(%dma_wait3A_184 : memref<10000x128xf32, #tpu.memory_space<hbm>>) dst(%arg13 : memref<128x128xf32, #tpu.memory_space<vmem>>)
    %dma_start3A_185 = arith.constant 77 : i32
    %dma_start3A_186 = arith.constant 0 : i32
    %dma_start3A_187 = tpu.memref_slice %arg7[%dma_start3A_185, %dma_start3A_186] : memref<80x128xi32, #tpu.memory_space<vmem>> -> memref<1x128xi32, #tpu.memory_space<vmem>>
    %dma_start3A_188 = tpu.memref_squeeze %dma_start3A_187 : memref<1x128xi32, #tpu.memory_space<vmem>> -> memref<128xi32, #tpu.memory_space<vmem>>
    %dma_start3A_189 = arith.constant 0 : i32
    %dma_start3A_190 = arith.constant 0 : i32
    %dma_start3A_191 = tpu.memref_slice %arg14[%dma_start3A_189, %dma_start3A_190] : memref<10008x128xf32, #tpu.memory_space<vmem_shared>> -> memref<10008x128xf32, #tpu.memory_space<vmem_shared>>
    tpu.enqueue_indirect_dma source(%arg13 : memref<128x128xf32, #tpu.memory_space<vmem>>) target(%dma_start3A_191 : memref<10008x128xf32, #tpu.memory_space<vmem_shared>>) offsets(%dma_start3A_188 : memref<128xi32, #tpu.memory_space<vmem>>) semaphore(%arg23 : memref<!tpu.dma_semaphore, #tpu.memory_space<semaphore_mem>>) {add = true}
    %dma_wait3A_192 = arith.constant 76 : i32
    %dma_wait3A_193 = arith.constant 0 : i32
    %dma_wait3A_194 = tpu.memref_slice %arg7[%dma_wait3A_192, %dma_wait3A_193] : memref<80x128xi32, #tpu.memory_space<vmem>> -> memref<1x128xi32, #tpu.memory_space<vmem>>
    %dma_wait3A_195 = tpu.memref_squeeze %dma_wait3A_194 : memref<1x128xi32, #tpu.memory_space<vmem>> -> memref<128xi32, #tpu.memory_space<vmem>>
    %dma_wait3A_196 = arith.constant 0 : i32
    %dma_wait3A_197 = arith.constant 0 : i32
    %dma_wait3A_198 = tpu.memref_slice %arg14[%dma_wait3A_196, %dma_wait3A_197] : memref<10008x128xf32, #tpu.memory_space<vmem_shared>> -> memref<10008x128xf32, #tpu.memory_space<vmem_shared>>
    tpu.wait_indirect_dma semaphore(%arg22 : memref<!tpu.dma_semaphore, #tpu.memory_space<semaphore_mem>>) src(%arg12 : memref<128x128xf32, #tpu.memory_space<vmem>>) dst(%dma_wait3A_198 : memref<10008x128xf32, #tpu.memory_space<vmem_shared>>)
    %add3A_199 = arith.constant 9984 : i32
    %add3A_200 = arith.addi %mul3A_4, %add3A_199 : i32
    %dma_wait3A_201 = tpu.memref_slice %arg3[%add3A_200] : memref<327680xi32, #tpu.memory_space<hbm>> -> memref<128xi32, #tpu.memory_space<hbm>>
    %dma_wait3A_202 = tpu.memref_slice %arg3[%add3A_200] : memref<327680xi32, #tpu.memory_space<hbm>> -> memref<128xi32, #tpu.memory_space<hbm>>
    tpu.wait_dma2 semaphore(%arg18 : memref<!tpu.dma_semaphore, #tpu.memory_space<semaphore_mem>>) src(%dma_wait3A_202 : memref<128xi32, #tpu.memory_space<hbm>>) dst(%arg10 : memref<128xi32, #tpu.memory_space<vmem>>)
    %dma_start3A_203 = arith.constant 0 : i32
    %dma_start3A_204 = arith.constant 0 : i32
    %dma_start3A_205 = tpu.memref_slice %arg2[%dma_start3A_203, %dma_start3A_204] : memref<10000x128xf32, #tpu.memory_space<hbm>> -> memref<10000x128xf32, #tpu.memory_space<hbm>>
    tpu.enqueue_indirect_dma source(%dma_start3A_205 : memref<10000x128xf32, #tpu.memory_space<hbm>>) target(%arg12 : memref<128x128xf32, #tpu.memory_space<vmem>>) offsets(%arg10 : memref<128xi32, #tpu.memory_space<vmem>>) semaphore(%arg20 : memref<!tpu.dma_semaphore, #tpu.memory_space<semaphore_mem>>)
    %dma_wait3A_206 = arith.constant 0 : i32
    %dma_wait3A_207 = arith.constant 0 : i32
    %dma_wait3A_208 = tpu.memref_slice %arg2[%dma_wait3A_206, %dma_wait3A_207] : memref<10000x128xf32, #tpu.memory_space<hbm>> -> memref<10000x128xf32, #tpu.memory_space<hbm>>
    tpu.wait_indirect_dma semaphore(%arg20 : memref<!tpu.dma_semaphore, #tpu.memory_space<semaphore_mem>>) src(%dma_wait3A_208 : memref<10000x128xf32, #tpu.memory_space<hbm>>) dst(%arg12 : memref<128x128xf32, #tpu.memory_space<vmem>>)
    %dma_start3A_209 = arith.constant 78 : i32
    %dma_start3A_210 = arith.constant 0 : i32
    %dma_start3A_211 = tpu.memref_slice %arg7[%dma_start3A_209, %dma_start3A_210] : memref<80x128xi32, #tpu.memory_space<vmem>> -> memref<1x128xi32, #tpu.memory_space<vmem>>
    %dma_start3A_212 = tpu.memref_squeeze %dma_start3A_211 : memref<1x128xi32, #tpu.memory_space<vmem>> -> memref<128xi32, #tpu.memory_space<vmem>>
    %dma_start3A_213 = arith.constant 0 : i32
    %dma_start3A_214 = arith.constant 0 : i32
    %dma_start3A_215 = tpu.memref_slice %arg14[%dma_start3A_213, %dma_start3A_214] : memref<10008x128xf32, #tpu.memory_space<vmem_shared>> -> memref<10008x128xf32, #tpu.memory_space<vmem_shared>>
    tpu.enqueue_indirect_dma source(%arg12 : memref<128x128xf32, #tpu.memory_space<vmem>>) target(%dma_start3A_215 : memref<10008x128xf32, #tpu.memory_space<vmem_shared>>) offsets(%dma_start3A_212 : memref<128xi32, #tpu.memory_space<vmem>>) semaphore(%arg22 : memref<!tpu.dma_semaphore, #tpu.memory_space<semaphore_mem>>) {add = true}
    %dma_wait3A_216 = arith.constant 77 : i32
    %dma_wait3A_217 = arith.constant 0 : i32
    %dma_wait3A_218 = tpu.memref_slice %arg7[%dma_wait3A_216, %dma_wait3A_217] : memref<80x128xi32, #tpu.memory_space<vmem>> -> memref<1x128xi32, #tpu.memory_space<vmem>>
    %dma_wait3A_219 = tpu.memref_squeeze %dma_wait3A_218 : memref<1x128xi32, #tpu.memory_space<vmem>> -> memref<128xi32, #tpu.memory_space<vmem>>
    %dma_wait3A_220 = arith.constant 0 : i32
    %dma_wait3A_221 = arith.constant 0 : i32
    %dma_wait3A_222 = tpu.memref_slice %arg14[%dma_wait3A_220, %dma_wait3A_221] : memref<10008x128xf32, #tpu.memory_space<vmem_shared>> -> memref<10008x128xf32, #tpu.memory_space<vmem_shared>>
    tpu.wait_indirect_dma semaphore(%arg23 : memref<!tpu.dma_semaphore, #tpu.memory_space<semaphore_mem>>) src(%arg13 : memref<128x128xf32, #tpu.memory_space<vmem>>) dst(%dma_wait3A_222 : memref<10008x128xf32, #tpu.memory_space<vmem_shared>>)
    %add3A_223 = arith.constant 10112 : i32
    %add3A_224 = arith.addi %mul3A_4, %add3A_223 : i32
    %dma_wait3A_225 = tpu.memref_slice %arg3[%add3A_224] : memref<327680xi32, #tpu.memory_space<hbm>> -> memref<128xi32, #tpu.memory_space<hbm>>
    %dma_wait3A_226 = tpu.memref_slice %arg3[%add3A_224] : memref<327680xi32, #tpu.memory_space<hbm>> -> memref<128xi32, #tpu.memory_space<hbm>>
    tpu.wait_dma2 semaphore(%arg19 : memref<!tpu.dma_semaphore, #tpu.memory_space<semaphore_mem>>) src(%dma_wait3A_226 : memref<128xi32, #tpu.memory_space<hbm>>) dst(%arg11 : memref<128xi32, #tpu.memory_space<vmem>>)
    %dma_start3A_227 = arith.constant 0 : i32
    %dma_start3A_228 = arith.constant 0 : i32
    %dma_start3A_229 = tpu.memref_slice %arg2[%dma_start3A_227, %dma_start3A_228] : memref<10000x128xf32, #tpu.memory_space<hbm>> -> memref<10000x128xf32, #tpu.memory_space<hbm>>
    tpu.enqueue_indirect_dma source(%dma_start3A_229 : memref<10000x128xf32, #tpu.memory_space<hbm>>) target(%arg13 : memref<128x128xf32, #tpu.memory_space<vmem>>) offsets(%arg11 : memref<128xi32, #tpu.memory_space<vmem>>) semaphore(%arg21 : memref<!tpu.dma_semaphore, #tpu.memory_space<semaphore_mem>>)
    %dma_wait3A_230 = arith.constant 0 : i32
    %dma_wait3A_231 = arith.constant 0 : i32
    %dma_wait3A_232 = tpu.memref_slice %arg2[%dma_wait3A_230, %dma_wait3A_231] : memref<10000x128xf32, #tpu.memory_space<hbm>> -> memref<10000x128xf32, #tpu.memory_space<hbm>>
    tpu.wait_indirect_dma semaphore(%arg21 : memref<!tpu.dma_semaphore, #tpu.memory_space<semaphore_mem>>) src(%dma_wait3A_232 : memref<10000x128xf32, #tpu.memory_space<hbm>>) dst(%arg13 : memref<128x128xf32, #tpu.memory_space<vmem>>)
    %dma_start3A_233 = arith.constant 79 : i32
    %dma_start3A_234 = arith.constant 0 : i32
    %dma_start3A_235 = tpu.memref_slice %arg7[%dma_start3A_233, %dma_start3A_234] : memref<80x128xi32, #tpu.memory_space<vmem>> -> memref<1x128xi32, #tpu.memory_space<vmem>>
    %dma_start3A_236 = tpu.memref_squeeze %dma_start3A_235 : memref<1x128xi32, #tpu.memory_space<vmem>> -> memref<128xi32, #tpu.memory_space<vmem>>
    %dma_start3A_237 = arith.constant 0 : i32
    %dma_start3A_238 = arith.constant 0 : i32
    %dma_start3A_239 = tpu.memref_slice %arg14[%dma_start3A_237, %dma_start3A_238] : memref<10008x128xf32, #tpu.memory_space<vmem_shared>> -> memref<10008x128xf32, #tpu.memory_space<vmem_shared>>
    tpu.enqueue_indirect_dma source(%arg13 : memref<128x128xf32, #tpu.memory_space<vmem>>) target(%dma_start3A_239 : memref<10008x128xf32, #tpu.memory_space<vmem_shared>>) offsets(%dma_start3A_236 : memref<128xi32, #tpu.memory_space<vmem>>) semaphore(%arg23 : memref<!tpu.dma_semaphore, #tpu.memory_space<semaphore_mem>>) {add = true}
    %dma_wait3A_240 = arith.constant 78 : i32
    %dma_wait3A_241 = arith.constant 0 : i32
    %dma_wait3A_242 = tpu.memref_slice %arg7[%dma_wait3A_240, %dma_wait3A_241] : memref<80x128xi32, #tpu.memory_space<vmem>> -> memref<1x128xi32, #tpu.memory_space<vmem>>
    %dma_wait3A_243 = tpu.memref_squeeze %dma_wait3A_242 : memref<1x128xi32, #tpu.memory_space<vmem>> -> memref<128xi32, #tpu.memory_space<vmem>>
    %dma_wait3A_244 = arith.constant 0 : i32
    %dma_wait3A_245 = arith.constant 0 : i32
    %dma_wait3A_246 = tpu.memref_slice %arg14[%dma_wait3A_244, %dma_wait3A_245] : memref<10008x128xf32, #tpu.memory_space<vmem_shared>> -> memref<10008x128xf32, #tpu.memory_space<vmem_shared>>
    tpu.wait_indirect_dma semaphore(%arg22 : memref<!tpu.dma_semaphore, #tpu.memory_space<semaphore_mem>>) src(%arg12 : memref<128x128xf32, #tpu.memory_space<vmem>>) dst(%dma_wait3A_246 : memref<10008x128xf32, #tpu.memory_space<vmem_shared>>)
    %dma_wait3A_247 = arith.constant 79 : i32
    %dma_wait3A_248 = arith.constant 0 : i32
    %dma_wait3A_249 = tpu.memref_slice %arg7[%dma_wait3A_247, %dma_wait3A_248] : memref<80x128xi32, #tpu.memory_space<vmem>> -> memref<1x128xi32, #tpu.memory_space<vmem>>
    %dma_wait3A_250 = tpu.memref_squeeze %dma_wait3A_249 : memref<1x128xi32, #tpu.memory_space<vmem>> -> memref<128xi32, #tpu.memory_space<vmem>>
    %dma_wait3A_251 = arith.constant 0 : i32
    %dma_wait3A_252 = arith.constant 0 : i32
    %dma_wait3A_253 = tpu.memref_slice %arg14[%dma_wait3A_251, %dma_wait3A_252] : memref<10008x128xf32, #tpu.memory_space<vmem_shared>> -> memref<10008x128xf32, #tpu.memory_space<vmem_shared>>
    tpu.wait_indirect_dma semaphore(%arg23 : memref<!tpu.dma_semaphore, #tpu.memory_space<semaphore_mem>>) src(%arg13 : memref<128x128xf32, #tpu.memory_space<vmem>>) dst(%dma_wait3A_253 : memref<10008x128xf32, #tpu.memory_space<vmem_shared>>)
    %barrier3A_254 = arith.constant 0 : index
    tpu.barrier barrier_id(%barrier3A_254)
    %sub3A_255 = arith.constant 125 : i32
    %sub3A_256 = arith.subi %sub3A_255, %arg1 : i32
    %sub3A_257 = arith.constant 16 : i32
    %sub3A_258 = arith.constant 1 : i32
    %sub3A_259 = arith.subi %sub3A_257, %sub3A_258 : i32
    %add3A_260 = arith.addi %sub3A_256, %sub3A_259 : i32
    %div3A_261 = arith.constant 16 : i32
    %div3A_262 = arith.divsi %add3A_260, %div3A_261 : i32
    %while3A_263 = arith.constant 16 : i32
    %while3A_264 = arith.constant 0 : i32
    %while3A_265 = arith.subi %div3A_262, %while3A_264 : i32
    %while3A_266 = arith.addi %while3A_264, %while3A_265 : i32
    %while3A_267 = arith.constant 1 : i32
    %while3A_268 = arith.divsi %while3A_265, %while3A_267 : i32
    %while3A_269 = arith.muli %while3A_268, %while3A_267 : i32
    %while3A_270 = arith.addi %while3A_264, %while3A_269 : i32
    %while3A_271 = arith.constant 1 : i32
    scf.for %while3A_273 = %while3A_264 to %while3A_270 step %while3A_271  : i32 {
      %mul3A_274 = arith.muli %while3A_273, %while3A_263 : i32
      %add3A_275 = arith.addi %arg1, %mul3A_274 : i32
      %mul3A_276 = arith.constant 80 : i32
      %mul3A_277 = arith.muli %add3A_275, %mul3A_276 : i32
      %mul3A_278 = arith.constant 80 : i32
      %mul3A_279 = arith.muli %add3A_275, %mul3A_278 : i32
      "tpu.region"() ({
        %run_scoped3A = tpu.sem_alloc : memref<!tpu.dma_semaphore, #tpu.memory_space<semaphore_mem>>
        %dma_start3A_280 = arith.constant 0 : i32
        %dma_start3A_281 = tpu.memref_slice %arg6[%arg0, %mul3A_279, %dma_start3A_280] : memref<2x10000x128xf32, #tpu.memory_space<hbm>> -> memref<1x80x128xf32, #tpu.memory_space<hbm>>
        %dma_start3A_282 = tpu.memref_squeeze %dma_start3A_281 : memref<1x80x128xf32, #tpu.memory_space<hbm>> -> memref<80x128xf32, #tpu.memory_space<hbm>>
        %dma_start3A_283 = arith.constant 0 : i32
        %dma_start3A_284 = tpu.memref_slice %arg14[%mul3A_277, %dma_start3A_283] : memref<10008x128xf32, #tpu.memory_space<vmem_shared>> -> memref<80x128xf32, #tpu.memory_space<vmem_shared>>
        tpu.enqueue_dma source(%dma_start3A_284 : memref<80x128xf32, #tpu.memory_space<vmem_shared>>) target(%dma_start3A_282 : memref<80x128xf32, #tpu.memory_space<hbm>>) target_semaphore(%run_scoped3A : memref<!tpu.dma_semaphore, #tpu.memory_space<semaphore_mem>>)
        %dma_wait3A_285 = arith.constant 0 : i32
        %dma_wait3A_286 = tpu.memref_slice %arg6[%arg0, %mul3A_279, %dma_wait3A_285] : memref<2x10000x128xf32, #tpu.memory_space<hbm>> -> memref<1x80x128xf32, #tpu.memory_space<hbm>>
        %dma_wait3A_287 = tpu.memref_squeeze %dma_wait3A_286 : memref<1x80x128xf32, #tpu.memory_space<hbm>> -> memref<80x128xf32, #tpu.memory_space<hbm>>
        %dma_wait3A_288 = arith.constant 0 : i32
        %dma_wait3A_289 = tpu.memref_slice %arg14[%mul3A_277, %dma_wait3A_288] : memref<10008x128xf32, #tpu.memory_space<vmem_shared>> -> memref<80x128xf32, #tpu.memory_space<vmem_shared>>
        tpu.wait_dma2 semaphore(%run_scoped3A : memref<!tpu.dma_semaphore, #tpu.memory_space<semaphore_mem>>) src(%dma_wait3A_289 : memref<80x128xf32, #tpu.memory_space<vmem_shared>>) dst(%dma_wait3A_287 : memref<80x128xf32, #tpu.memory_space<hbm>>)
        tpu.yield
      }) : () -> ()
    }
    %while3A_272 = arith.constant 1 : i32
    scf.for %while3A_273 = %while3A_270 to %while3A_266 step %while3A_272  : i32 {
      %mul3A_274 = arith.muli %while3A_273, %while3A_263 : i32
      %add3A_275 = arith.addi %arg1, %mul3A_274 : i32
      %mul3A_276 = arith.constant 80 : i32
      %mul3A_277 = arith.muli %add3A_275, %mul3A_276 : i32
      %mul3A_278 = arith.constant 80 : i32
      %mul3A_279 = arith.muli %add3A_275, %mul3A_278 : i32
      "tpu.region"() ({
        %run_scoped3A = tpu.sem_alloc : memref<!tpu.dma_semaphore, #tpu.memory_space<semaphore_mem>>
        %dma_start3A_280 = arith.constant 0 : i32
        %dma_start3A_281 = tpu.memref_slice %arg6[%arg0, %mul3A_279, %dma_start3A_280] : memref<2x10000x128xf32, #tpu.memory_space<hbm>> -> memref<1x80x128xf32, #tpu.memory_space<hbm>>
        %dma_start3A_282 = tpu.memref_squeeze %dma_start3A_281 : memref<1x80x128xf32, #tpu.memory_space<hbm>> -> memref<80x128xf32, #tpu.memory_space<hbm>>
        %dma_start3A_283 = arith.constant 0 : i32
        %dma_start3A_284 = tpu.memref_slice %arg14[%mul3A_277, %dma_start3A_283] : memref<10008x128xf32, #tpu.memory_space<vmem_shared>> -> memref<80x128xf32, #tpu.memory_space<vmem_shared>>
        tpu.enqueue_dma source(%dma_start3A_284 : memref<80x128xf32, #tpu.memory_space<vmem_shared>>) target(%dma_start3A_282 : memref<80x128xf32, #tpu.memory_space<hbm>>) target_semaphore(%run_scoped3A : memref<!tpu.dma_semaphore, #tpu.memory_space<semaphore_mem>>)
        %dma_wait3A_285 = arith.constant 0 : i32
        %dma_wait3A_286 = tpu.memref_slice %arg6[%arg0, %mul3A_279, %dma_wait3A_285] : memref<2x10000x128xf32, #tpu.memory_space<hbm>> -> memref<1x80x128xf32, #tpu.memory_space<hbm>>
        %dma_wait3A_287 = tpu.memref_squeeze %dma_wait3A_286 : memref<1x80x128xf32, #tpu.memory_space<hbm>> -> memref<80x128xf32, #tpu.memory_space<hbm>>
        %dma_wait3A_288 = arith.constant 0 : i32
        %dma_wait3A_289 = tpu.memref_slice %arg14[%mul3A_277, %dma_wait3A_288] : memref<10008x128xf32, #tpu.memory_space<vmem_shared>> -> memref<80x128xf32, #tpu.memory_space<vmem_shared>>
        tpu.wait_dma2 semaphore(%run_scoped3A : memref<!tpu.dma_semaphore, #tpu.memory_space<semaphore_mem>>) src(%dma_wait3A_289 : memref<80x128xf32, #tpu.memory_space<vmem_shared>>) dst(%dma_wait3A_287 : memref<80x128xf32, #tpu.memory_space<hbm>>)
        tpu.yield
      }) : () -> ()
    }
    return
  }
}

module attributes {stable_mosaic.version = 14 : i64} {
  func.func @_mm_body(%arg0: i32, %arg1: memref<1000x128xf32, #tpu.memory_space<vmem>>, %arg2: memref<128x128xf32, #tpu.memory_space<vmem>>, %arg3: memref<1000x128xf32, #tpu.memory_space<vmem>>) attributes {dimension_semantics = [#tpu.dimension_semantics<arbitrary>], iteration_bounds = array<i64: 10>, scalar_prefetch = 0 : i64, scratch_operands = 0 : i64, tpu.core_type = #tpu.core_type<tc>, window_params = [{transform_indices = @transform_0, window_bounds = array<i64: 1000, 128>}, {pipeline_mode = #tpu.pipeline_mode<synchronous>, transform_indices = @transform_1, window_bounds = array<i64: 128, 128>}, {transform_indices = @transform_2, window_bounds = array<i64: 1000, 128>}]} {
    %get3A = arith.constant 0 : index
    %get3A_0 = arith.constant 0 : index
    %get3A_1 = vector.load %arg1[%get3A, %get3A_0] : memref<1000x128xf32, #tpu.memory_space<vmem>>, vector<1000x128xf32>
    %get3A_2 = arith.constant 0 : index
    %get3A_3 = arith.constant 0 : index
    %get3A_4 = vector.load %arg2[%get3A_2, %get3A_3] : memref<128x128xf32, #tpu.memory_space<vmem>>, vector<128x128xf32>
    %dot_general3A = arith.constant dense<0.000000e+00> : vector<1000x128xf32>
    %dot_general3A_5 = tpu.matmul %get3A_1, %get3A_4, %dot_general3A {dimension_numbers = #tpu.dot_dimension_numbers<[1], [1], [0], [0], [0, 0, 1, 0], [], []>, transpose_lhs_hint = false} : vector<1000x128xf32>, vector<128x128xf32>, vector<1000x128xf32> -> vector<1000x128xf32>
    %swap3A = arith.constant 0 : index
    %swap3A_6 = arith.constant 0 : index
    %swap3A_7 = vector.load %arg3[%swap3A, %swap3A_6] : memref<1000x128xf32, #tpu.memory_space<vmem>>, vector<1000x128xf32>
    tpu.vector_store %arg3[%swap3A, %swap3A_6], %dot_general3A_5 {strides = array<i32>} : memref<1000x128xf32, #tpu.memory_space<vmem>>, vector<1000x128xf32>,
    return
  }
  func.func @transform_0(%arg0: i32) -> (i32, i32) {
    %c0_i32 = arith.constant 0 : i32
    %c0_i32_0 = arith.constant 0 : i32
    return %arg0, %c0_i32 : i32, i32
  }
  func.func @transform_1(%arg0: i32) -> (i32, i32) {
    %c0_i32 = arith.constant 0 : i32
    %c0_i32_0 = arith.constant 0 : i32
    %c0_i32_1 = arith.constant 0 : i32
    return %c0_i32, %c0_i32_0 : i32, i32
  }
  func.func @transform_2(%arg0: i32) -> (i32, i32) {
    %c0_i32 = arith.constant 0 : i32
    %c0_i32_0 = arith.constant 0 : i32
    return %arg0, %c0_i32 : i32, i32
  }
}

module attributes {stable_mosaic.version = 14 : i64} {
  func.func @_scale_body(%arg0: i32, %arg1: memref<2x1000x128xf32, #tpu.memory_space<vmem>>, %arg2: memref<1000x128xf32, #tpu.memory_space<vmem>>, %arg3: memref<1000x128xf32, #tpu.memory_space<vmem>>, %arg4: memref<1000x1xf32, #tpu.memory_space<vmem>>, %arg5: memref<1000x1xf32, #tpu.memory_space<vmem>>) attributes {dimension_semantics = [#tpu.dimension_semantics<arbitrary>], iteration_bounds = array<i64: 10>, scalar_prefetch = 0 : i64, scratch_operands = 0 : i64, tpu.core_type = #tpu.core_type<tc>, window_params = [{transform_indices = @transform_0, window_bounds = array<i64: 2, 1000, 128>}, {transform_indices = @transform_1, window_bounds = array<i64: 1000, 128>}, {transform_indices = @transform_2, window_bounds = array<i64: 1000, 128>}, {transform_indices = @transform_3, window_bounds = array<i64: 1000, 1>}, {transform_indices = @transform_4, window_bounds = array<i64: 1000, 1>}]} {
    %get3A = arith.constant 0 : index
    %get3A_0 = arith.constant 0 : index
    %get3A_1 = arith.constant 0 : index
    %get3A_2 = vector.load %arg1[%get3A, %get3A_0, %get3A_1] : memref<2x1000x128xf32, #tpu.memory_space<vmem>>, vector<1x1000x128xf32>
    %get3A_3 = vector.shape_cast %get3A_2 : vector<1x1000x128xf32> to vector<1000x128xf32>
    %slice3A = vector.extract_strided_slice %get3A_3 {offsets = [0, 0], sizes = [1000, 1], strides = [1, 1]} : vector<1000x128xf32> to vector<1000x1xf32>
    %get3A_4 = arith.constant 1 : index
    %get3A_5 = arith.constant 0 : index
    %get3A_6 = arith.constant 0 : index
    %get3A_7 = vector.load %arg1[%get3A_4, %get3A_5, %get3A_6] : memref<2x1000x128xf32, #tpu.memory_space<vmem>>, vector<1x1000x128xf32>
    %get3A_8 = vector.shape_cast %get3A_7 : vector<1x1000x128xf32> to vector<1000x128xf32>
    %slice3A_9 = vector.extract_strided_slice %get3A_8 {offsets = [0, 0], sizes = [1000, 1], strides = [1, 1]} : vector<1000x128xf32> to vector<1000x1xf32>
    %add3A = arith.addf %slice3A, %slice3A_9 : vector<1000x1xf32>
    %add3A_10 = arith.constant 1.000000e+00 : f32
    %add3A_11 = vector.broadcast %add3A_10 : f32 to vector<1000x1xf32>
    %add3A_12 = arith.addf %add3A, %add3A_11 : vector<1000x1xf32>
    %rsqrt3A = math.rsqrt %add3A_12 : vector<1000x1xf32>
    %get3A_13 = arith.constant 0 : index
    %get3A_14 = arith.constant 0 : index
    %get3A_15 = vector.load %arg2[%get3A_13, %get3A_14] : memref<1000x128xf32, #tpu.memory_space<vmem>>, vector<1000x128xf32>
    %mul3A = vector.broadcast %rsqrt3A : vector<1000x1xf32> to vector<1000x128xf32>
    %mul3A_16 = arith.mulf %get3A_15, %mul3A : vector<1000x128xf32>
    %swap3A = arith.constant 0 : index
    %swap3A_17 = arith.constant 0 : index
    %swap3A_18 = vector.load %arg3[%swap3A, %swap3A_17] : memref<1000x128xf32, #tpu.memory_space<vmem>>, vector<1000x128xf32>
    tpu.vector_store %arg3[%swap3A, %swap3A_17], %mul3A_16 {strides = array<i32>} : memref<1000x128xf32, #tpu.memory_space<vmem>>, vector<1000x128xf32>,
    %swap3A_19 = arith.constant 0 : index
    %swap3A_20 = arith.constant 0 : index
    %swap3A_21 = vector.load %arg4[%swap3A_19, %swap3A_20] : memref<1000x1xf32, #tpu.memory_space<vmem>>, vector<1000x1xf32>
    tpu.vector_store %arg4[%swap3A_19, %swap3A_20], %rsqrt3A {strides = array<i32>} : memref<1000x1xf32, #tpu.memory_space<vmem>>, vector<1000x1xf32>,
    %div3A = arith.constant 1.000000e+00 : f32
    %div3A_22 = vector.broadcast %div3A : f32 to vector<1000x1xf32>
    %div3A_23 = arith.divf %div3A_22, %add3A_12 : vector<1000x1xf32>
    %swap3A_24 = arith.constant 0 : index
    %swap3A_25 = arith.constant 0 : index
    %swap3A_26 = vector.load %arg5[%swap3A_24, %swap3A_25] : memref<1000x1xf32, #tpu.memory_space<vmem>>, vector<1000x1xf32>
    tpu.vector_store %arg5[%swap3A_24, %swap3A_25], %div3A_23 {strides = array<i32>} : memref<1000x1xf32, #tpu.memory_space<vmem>>, vector<1000x1xf32>,
    return
  }
  func.func @transform_0(%arg0: i32) -> (i32, i32, i32) {
    %c0_i32 = arith.constant 0 : i32
    %c0_i32_0 = arith.constant 0 : i32
    %c0_i32_1 = arith.constant 0 : i32
    return %c0_i32, %arg0, %c0_i32_0 : i32, i32, i32
  }
  func.func @transform_1(%arg0: i32) -> (i32, i32) {
    %c0_i32 = arith.constant 0 : i32
    %c0_i32_0 = arith.constant 0 : i32
    return %arg0, %c0_i32 : i32, i32
  }
  func.func @transform_2(%arg0: i32) -> (i32, i32) {
    %c0_i32 = arith.constant 0 : i32
    %c0_i32_0 = arith.constant 0 : i32
    return %arg0, %c0_i32 : i32, i32
  }
  func.func @transform_3(%arg0: i32) -> (i32, i32) {
    %c0_i32 = arith.constant 0 : i32
    %c0_i32_0 = arith.constant 0 : i32
    return %arg0, %c0_i32 : i32, i32
  }
  func.func @transform_4(%arg0: i32) -> (i32, i32) {
    %c0_i32 = arith.constant 0 : i32
    %c0_i32_0 = arith.constant 0 : i32
    return %arg0, %c0_i32 : i32, i32
  }
}

module attributes {stable_mosaic.version = 14 : i64} {
  func.func @_combine_body(%arg0: i32, %arg1: memref<2x1000x128xf32, #tpu.memory_space<vmem>>, %arg2: memref<1000x128xf32, #tpu.memory_space<vmem>>, %arg3: memref<1000x1xf32, #tpu.memory_space<vmem>>, %arg4: memref<1000x128xf32, #tpu.memory_space<vmem>>) attributes {dimension_semantics = [#tpu.dimension_semantics<arbitrary>], iteration_bounds = array<i64: 10>, scalar_prefetch = 0 : i64, scratch_operands = 0 : i64, tpu.core_type = #tpu.core_type<tc>, window_params = [{transform_indices = @transform_0, window_bounds = array<i64: 2, 1000, 128>}, {transform_indices = @transform_1, window_bounds = array<i64: 1000, 128>}, {transform_indices = @transform_2, window_bounds = array<i64: 1000, 1>}, {transform_indices = @transform_3, window_bounds = array<i64: 1000, 128>}]} {
    %get3A = arith.constant 0 : index
    %get3A_0 = arith.constant 0 : index
    %get3A_1 = arith.constant 0 : index
    %get3A_2 = vector.load %arg1[%get3A, %get3A_0, %get3A_1] : memref<2x1000x128xf32, #tpu.memory_space<vmem>>, vector<1x1000x128xf32>
    %get3A_3 = vector.shape_cast %get3A_2 : vector<1x1000x128xf32> to vector<1000x128xf32>
    %get3A_4 = arith.constant 1 : index
    %get3A_5 = arith.constant 0 : index
    %get3A_6 = arith.constant 0 : index
    %get3A_7 = vector.load %arg1[%get3A_4, %get3A_5, %get3A_6] : memref<2x1000x128xf32, #tpu.memory_space<vmem>>, vector<1x1000x128xf32>
    %get3A_8 = vector.shape_cast %get3A_7 : vector<1x1000x128xf32> to vector<1000x128xf32>
    %add3A = arith.addf %get3A_3, %get3A_8 : vector<1000x128xf32>
    %get3A_9 = arith.constant 0 : index
    %get3A_10 = arith.constant 0 : index
    %get3A_11 = vector.load %arg2[%get3A_9, %get3A_10] : memref<1000x128xf32, #tpu.memory_space<vmem>>, vector<1000x128xf32>
    %add3A_12 = arith.addf %add3A, %get3A_11 : vector<1000x128xf32>
    %get3A_13 = arith.constant 0 : index
    %get3A_14 = arith.constant 0 : index
    %get3A_15 = vector.load %arg3[%get3A_13, %get3A_14] : memref<1000x1xf32, #tpu.memory_space<vmem>>, vector<1000x1xf32>
    %mul3A = vector.broadcast %get3A_15 : vector<1000x1xf32> to vector<1000x128xf32>
    %mul3A_16 = arith.mulf %add3A_12, %mul3A : vector<1000x128xf32>
    %swap3A = arith.constant 0 : index
    %swap3A_17 = arith.constant 0 : index
    %swap3A_18 = vector.load %arg4[%swap3A, %swap3A_17] : memref<1000x128xf32, #tpu.memory_space<vmem>>, vector<1000x128xf32>
    tpu.vector_store %arg4[%swap3A, %swap3A_17], %mul3A_16 {strides = array<i32>} : memref<1000x128xf32, #tpu.memory_space<vmem>>, vector<1000x128xf32>,
    return
  }
  func.func @transform_0(%arg0: i32) -> (i32, i32, i32) {
    %c0_i32 = arith.constant 0 : i32
    %c0_i32_0 = arith.constant 0 : i32
    %c0_i32_1 = arith.constant 0 : i32
    return %c0_i32, %arg0, %c0_i32_0 : i32, i32, i32
  }
  func.func @transform_1(%arg0: i32) -> (i32, i32) {
    %c0_i32 = arith.constant 0 : i32
    %c0_i32_0 = arith.constant 0 : i32
    return %arg0, %c0_i32 : i32, i32
  }
  func.func @transform_2(%arg0: i32) -> (i32, i32) {
    %c0_i32 = arith.constant 0 : i32
    %c0_i32_0 = arith.constant 0 : i32
    return %arg0, %c0_i32 : i32, i32
  }
  func.func @transform_3(%arg0: i32) -> (i32, i32) {
    %c0_i32 = arith.constant 0 : i32
    %c0_i32_0 = arith.constant 0 : i32
    return %arg0, %c0_i32 : i32, i32
  }
}

module attributes {stable_mosaic.version = 14 : i64} {
  func.func @_final_body(%arg0: i32, %arg1: memref<2x1000x128xf32, #tpu.memory_space<vmem>>, %arg2: memref<1000x128xf32, #tpu.memory_space<vmem>>, %arg3: memref<1000x1xf32, #tpu.memory_space<vmem>>, %arg4: memref<1x128xf32, #tpu.memory_space<vmem>>, %arg5: memref<1000x128xf32, #tpu.memory_space<vmem>>) attributes {dimension_semantics = [#tpu.dimension_semantics<arbitrary>], iteration_bounds = array<i64: 10>, scalar_prefetch = 0 : i64, scratch_operands = 0 : i64, tpu.core_type = #tpu.core_type<tc>, window_params = [{transform_indices = @transform_0, window_bounds = array<i64: 2, 1000, 128>}, {transform_indices = @transform_1, window_bounds = array<i64: 1000, 128>}, {transform_indices = @transform_2, window_bounds = array<i64: 1000, 1>}, {pipeline_mode = #tpu.pipeline_mode<synchronous>, transform_indices = @transform_3, window_bounds = array<i64: 1, 128>}, {transform_indices = @transform_4, window_bounds = array<i64: 1000, 128>}]} {
    %get3A = arith.constant 0 : index
    %get3A_0 = arith.constant 0 : index
    %get3A_1 = arith.constant 0 : index
    %get3A_2 = vector.load %arg1[%get3A, %get3A_0, %get3A_1] : memref<2x1000x128xf32, #tpu.memory_space<vmem>>, vector<1x1000x128xf32>
    %get3A_3 = vector.shape_cast %get3A_2 : vector<1x1000x128xf32> to vector<1000x128xf32>
    %get3A_4 = arith.constant 1 : index
    %get3A_5 = arith.constant 0 : index
    %get3A_6 = arith.constant 0 : index
    %get3A_7 = vector.load %arg1[%get3A_4, %get3A_5, %get3A_6] : memref<2x1000x128xf32, #tpu.memory_space<vmem>>, vector<1x1000x128xf32>
    %get3A_8 = vector.shape_cast %get3A_7 : vector<1x1000x128xf32> to vector<1000x128xf32>
    %add3A = arith.addf %get3A_3, %get3A_8 : vector<1000x128xf32>
    %get3A_9 = arith.constant 0 : index
    %get3A_10 = arith.constant 0 : index
    %get3A_11 = vector.load %arg2[%get3A_9, %get3A_10] : memref<1000x128xf32, #tpu.memory_space<vmem>>, vector<1000x128xf32>
    %add3A_12 = arith.addf %add3A, %get3A_11 : vector<1000x128xf32>
    %get3A_13 = arith.constant 0 : index
    %get3A_14 = arith.constant 0 : index
    %get3A_15 = vector.load %arg3[%get3A_13, %get3A_14] : memref<1000x1xf32, #tpu.memory_space<vmem>>, vector<1000x1xf32>
    %mul3A = vector.broadcast %get3A_15 : vector<1000x1xf32> to vector<1000x128xf32>
    %mul3A_16 = arith.mulf %add3A_12, %mul3A : vector<1000x128xf32>
    %get3A_17 = arith.constant 0 : index
    %get3A_18 = arith.constant 0 : index
    %get3A_19 = vector.load %arg4[%get3A_17, %get3A_18] : memref<1x128xf32, #tpu.memory_space<vmem>>, vector<1x128xf32>
    %add3A_20 = vector.broadcast %get3A_19 : vector<1x128xf32> to vector<1000x128xf32>
    %add3A_21 = arith.addf %mul3A_16, %add3A_20 : vector<1000x128xf32>
    %max3A = arith.constant 0.000000e+00 : f32
    %max3A_22 = vector.broadcast %max3A : f32 to vector<1000x128xf32>
    %max3A_23 = arith.maximumf %add3A_21, %max3A_22 : vector<1000x128xf32>
    %swap3A = arith.constant 0 : index
    %swap3A_24 = arith.constant 0 : index
    %swap3A_25 = vector.load %arg5[%swap3A, %swap3A_24] : memref<1000x128xf32, #tpu.memory_space<vmem>>, vector<1000x128xf32>
    tpu.vector_store %arg5[%swap3A, %swap3A_24], %max3A_23 {strides = array<i32>} : memref<1000x128xf32, #tpu.memory_space<vmem>>, vector<1000x128xf32>,
    return
  }
  func.func @transform_0(%arg0: i32) -> (i32, i32, i32) {
    %c0_i32 = arith.constant 0 : i32
    %c0_i32_0 = arith.constant 0 : i32
    %c0_i32_1 = arith.constant 0 : i32
    return %c0_i32, %arg0, %c0_i32_0 : i32, i32, i32
  }
  func.func @transform_1(%arg0: i32) -> (i32, i32) {
    %c0_i32 = arith.constant 0 : i32
    %c0_i32_0 = arith.constant 0 : i32
    return %arg0, %c0_i32 : i32, i32
  }
  func.func @transform_2(%arg0: i32) -> (i32, i32) {
    %c0_i32 = arith.constant 0 : i32
    %c0_i32_0 = arith.constant 0 : i32
    return %arg0, %c0_i32 : i32, i32
  }
  func.func @transform_3(%arg0: i32) -> (i32, i32) {
    %c0_i32 = arith.constant 0 : i32
    %c0_i32_0 = arith.constant 0 : i32
    %c0_i32_1 = arith.constant 0 : i32
    return %c0_i32, %c0_i32_0 : i32, i32
  }
  func.func @transform_4(%arg0: i32) -> (i32, i32) {
    %c0_i32 = arith.constant 0 : i32
    %c0_i32_0 = arith.constant 0 : i32
    return %arg0, %c0_i32 : i32, i32
  }
}

</mosaic_0001>

<sc_bundles>
// kernel: kernel.12.cloned.1.call-start
scs
__scs_entry_jumppad:
0x0: {  	(pc) =	sbr.rel $0x88, $3  }
0x1: {  	(tag) =	ssettag $0x0;
	lr =	simm.s32 $0x1  }
0x2: {  	[smem:$0x3F9D] =	sst lr;
	_ =	strace $0xD0000000  }
0x3: {  	_ = 	snop  }
0x4: {  	_ = 	snop  }
0x5: {  	_ = 	snop  }
0x6: {  	_ = 	snop  }
0x7: {  	_ = 	snop  }
__scs_overlays_trampoline_lowered:
0x8: {  	[smem:$0x3FAC] =	sst s0  }
0x9: {  	[smem:$0x3FAD] =	sst s1  }
0xa: {  	[smem:$0x3FAE] =	sst s2  }
0xb: {  	[smem:$0x3FAF] =	sst s3  }
0xc: {  	[smem:$0x3FB0] =	sst s4  }
0xd: {  	[smem:$0x3FB1] =	sst s5  }
0xe: {  	[smem:$0x3FB2] =	sst s6  }
0xf: {  	[smem:$0x3FB3] =	sst s7  }
0x10: {  	[smem:$0x3FB4] =	sst s8  }
0x11: {  	[smem:$0x3FB5] =	sst s9;
	s0 =	simm.s32 @!p0 $0x0  }
0x12: {  	s1 =	sld [smem:$0x3F9B];
	s0 =	simm.s32 @p0 $0x1  }
0x13: {  	[smem:$0x3FB6] =	sst s0;
	s0 =	simm.s32 @!p1 $0x0  }
0x14: {  	s2 =	sld [smem:$0x3F9A];
	s0 =	simm.s32 @p1 $0x1  }
0x15: {  	[smem:$0x3FB7] =	sst s0;
	s0 =	simm.s32 @!p2 $0x0  }
0x16: {  	s3 =	sld [smem:$0x3FDB];
	s0 =	simm.s32 @p2 $0x1  }
0x17: {  	s4 =	simm.s32 $0x1BF5;
	[smem:$0x3FB9] =	sst s0  }
0x18: {  	s0 =	sld [smem:$0x3F9C];
	_ =	swait.ge [sflag:s4], $0x0  }
0x19: {  	s7 =	sld [smem:$0x3F9D]  }
0x1a: {  	s8 =	sadd.s32 $0xFFFFE003, lr  }
0x1b: {  	s9 =	sadd.s32 $0xFFFFFEF7, lr;
	s5 =	simm.s32 $0xFFFFFFFF;
	p2 =	slt.u32 s8, $0xFFFFF086  }
0x1c: {  	p1 =	slt.u32 s9, $0xF7A;
	s5 =	simm.s32 @!p2 $0x0  }
0x1d: {  	s5 =	simm.s32 @p1 $0x1;
	p0 =	seq.s32 s7, s2  }
0x1e: {  	s7 =	smul.u32 @!p0 $0xF7A, s2;
	p2 =	seq.s32 @!p0 s5, $0x0  }
0x1f: {  	s9 =	smul.u32 $0xF7A, s1;
	s8 =	simm.s32 @!p0 $0x1BF5;
	p2 =	por !p2, p0  }
0x20: {  	[sflag:s8] =	ssyncset.s32 @!p0 $0xFFFFF086;
	s6 =	sadd.s32 @!p0 s3, s7;
	s7 =	simm.s32 @!p0 $0x108  }
0x21: {  	s3 =	sadd.s32 s3, s9;
	s6 =	sadd.s32 @!p0 $0x88, s6;
	s7 =	simm.s32 @p2 $0x1082  }
0x22: {  	[simem:s7], [sflag:s8] =	dma.local @!p0 [hbm:s6], $0xF7A  }
0x23: {  	s9 =	sor.u32 $0xD0000000, s2;
	s6 =	simm.s32 $0x108;
	_ =	swait.ge @!p0 [sflag:s8], $0x0  }
0x24: {  	s3 =	sadd.s32 $0x88, s3;
	s6 =	simm.s32 @!p1 $0x1082;
	[sflag:s4] =	ssyncset.s32 $0xFFFFF086  }
0x25: {  	[simem:s6], [sflag:s4] =	dma.local [hbm:s3], $0xF7A  }
0x26: {  	[smem:$0x3F9D] =	sst s1;
	(tag) =	ssettag s2;
	_ =	strace s9  }
0x27: {  	s1 =	sld [smem:$0x3FAD]  }
0x28: {  	s2 =	sld [smem:$0x3FAE]  }
0x29: {  	s4 =	sld [smem:$0x3FB0]  }
0x2a: {  	p0 =	seq.s32 s5, $0x0;
	s5 =	sld [smem:$0x3FB1]  }
0x2b: {  	s6 =	sld [smem:$0x3FB2]  }
0x2c: {  	s7 =	sld [smem:$0x3FB3]  }
0x2d: {  	s3 =	simm.s32 $0x108;
	s8 =	sld [smem:$0x3FB4]  }
0x2e: {  	s3 =	simm.s32 @!p0 $0x1082;
	s9 =	sld [smem:$0x3FB5]  }
0x2f: {  	lr =	sadd.s32 s0, s3;
	s0 =	sld [smem:$0x3FAC]  }
0x30: {  	s3 =	sld [smem:$0x3FAF]  }
0x31: {  	[smem:$0x3FB8] =	sst s10  }
0x32: {  	s10 =	sld [smem:$0x3FB6];
	_ =	sdelay $0x3  }
0x33: {  	p0 =	seq.s32 s10, $0x1;
	s10 =	sld [smem:$0x3FB8];
	_ =	sdelay $0x3  }
0x34: {  	[smem:$0x3FB8] =	sst s10  }
0x35: {  	s10 =	sld [smem:$0x3FB7];
	_ =	sdelay $0x3  }
0x36: {  	p1 =	seq.s32 s10, $0x1;
	s10 =	sld [smem:$0x3FB8];
	_ =	sdelay $0x3  }
0x37: {  	[smem:$0x3FB8] =	sst s10  }
0x38: {  	s10 =	sld [smem:$0x3FB9]  }
0x39: {  	_ = 	snop;
	(pc) =	sbr.ind lr, $3  }
0x3a: {  	_ = 	snop  }
0x3b: {  	_ = 	snop  }
0x3c: {  	p2 =	seq.s32 s10, $0x1;
	s10 =	sld [smem:$0x3FB8]  }
0x3d: {  	_ =	shalt  }
0x3e: {  	_ =	shalt  }
0x3f: {  	_ =	shalt  }
0x40: {  	_ =	shalt  }
0x41: {  	_ =	shalt  }
0x42: {  	_ =	shalt  }
0x43: {  	_ =	shalt  }
0x44: {  	_ =	shalt  }
0x45: {  	_ =	shalt  }
0x46: {  	_ =	shalt  }
0x47: {  	_ =	shalt  }
0x48: {  	_ =	shalt  }
0x49: {  	_ =	shalt  }
0x4a: {  	_ =	shalt  }
0x4b: {  	_ =	shalt  }
0x4c: {  	_ =	shalt  }
0x4d: {  	_ =	shalt  }
0x4e: {  	_ =	shalt  }
0x4f: {  	_ =	shalt  }
0x50: {  	_ =	shalt  }
0x51: {  	_ =	shalt  }
0x52: {  	_ =	shalt  }
0x53: {  	_ =	shalt  }
0x54: {  	_ =	shalt  }
0x55: {  	_ =	shalt  }
0x56: {  	_ =	shalt  }
0x57: {  	_ =	shalt  }
0x58: {  	_ =	shalt  }
0x59: {  	_ =	shalt  }
0x5a: {  	_ =	shalt  }
0x5b: {  	_ =	shalt  }
0x5c: {  	_ =	shalt  }
0x5d: {  	_ =	shalt  }
0x5e: {  	_ =	shalt  }
0x5f: {  	_ =	shalt  }
0x60: {  	_ =	shalt  }
0x61: {  	_ =	shalt  }
0x62: {  	_ =	shalt  }
0x63: {  	_ =	shalt  }
0x64: {  	_ =	shalt  }
0x65: {  	_ =	shalt  }
0x66: {  	_ =	shalt  }
0x67: {  	_ =	shalt  }
0x68: {  	_ =	shalt  }
0x69: {  	_ =	shalt  }
0x6a: {  	_ =	shalt  }
0x6b: {  	_ =	shalt  }
0x6c: {  	_ =	shalt  }
0x6d: {  	_ =	shalt  }
0x6e: {  	_ =	shalt  }
0x6f: {  	_ =	shalt  }
0x70: {  	_ =	shalt  }
0x71: {  	_ =	shalt  }
0x72: {  	_ =	shalt  }
0x73: {  	_ =	shalt  }
0x74: {  	_ =	shalt  }
0x75: {  	_ =	shalt  }
0x76: {  	_ =	shalt  }
0x77: {  	_ =	shalt  }
0x78: {  	_ =	shalt  }
0x79: {  	_ =	shalt  }
0x7a: {  	_ =	shalt  }
0x7b: {  	_ =	shalt  }
0x7c: {  	_ =	shalt  }
0x7d: {  	_ =	shalt  }
0x7e: {  	_ =	shalt  }
0x7f: {  	_ =	shalt  }
0x80: {  	_ =	shalt  }
0x81: {  	_ =	shalt  }
0x82: {  	_ =	shalt  }
0x83: {  	_ =	shalt  }
0x84: {  	_ =	shalt  }
0x85: {  	_ =	shalt  }
0x86: {  	_ =	shalt  }
0x87: {  	_ =	shalt  }
.Lfunc_end0:
.L_simem_size_0:
called_computation.1_lowered:
.L_overlay_start_0:
0x88: {  	s2 =	sld [smem:$0x3FD9]  }
0x89: {  	s3 =	sld [smem:$0x3FFE];
	_ =	sdelay $0x1  }
0x8a: {  	s1 =	srdreg.scid  }
0x8b: {  	s0 =	sand.u32 $0x1, s1  }
0x8c: {  	s17 =	sshll.u32 s0, $0xA;
	s2 =	sadd.s32 s3, s2  }
0x8d: {  	s2 =	sadd.s32 s2, s17  }
0x8e: {  	[smem:$0x3FC4] =	sst s2  }
0x8f: {  	_ = 	snop  }
0x90: {  	s2 =	sld [smem:$0x3FD0];
	(tm) =	ssettm $0x1  }
0x91: {  	s18 =	sld [smem:$0x3FFB];
	_ =	sdelay $0x3  }
0x92: {  	_ =	strace s18  }
0x93: {  	s3 =	sld [smem:$0x3FFC];
	_ =	sdelay $0x3  }
0x94: {  	_ =	strace s3  }
0x95: {  	s3 =	sld [smem:$0x3FFD];
	_ =	sdelay $0x3  }
0x96: {  	_ =	strace s3  }
0x97: {  	_ =	strace $0x8FFFFFFF  }
0x98: {  	s19 =	sld [smem:$0x3FDB];
	_ =	sdelay $0x1  }
0x99: {  	s4 =	simm.s32 $_scs_section_size  }
0x9a: {  	s5 =	simm.s32 $_size__tile_overlayer_lowered;
	s6 =	simm.s32 $_tile_overlayer_lowered  }
0x9b: {  	s22 =	simm.s32 $0x1BFF;
	s21 =	sshll.u32 s6, $0x1;
	s3 =	sadd.s32 s4, s19  }
0x9c: {  	s7 =	simm.s32 $0x0;
	s20 =	sshll.u32 s5, $0x1;
	s5 =	sadd.s32 s21, s3  }
0x9d: {  	[timem:s7], [sflag:s22] =	dma.local [hbm:s5], s20  }
0x9e: {  	_ =	swait.ge [sflag:s22], s20  }
0x9f: {  	s4 =	ssub.s32 $0x0, s20;
	[sflag:s22] =	ssyncset.done $0x0  }
0xa0: {  	[sflag:s22] =	ssyncadd.s32 s4;
	_ =	sdelay $0x1  }
0xa1: {  	s23 =	simm.s32 $0x1B8B  }
0xa2: {  	_ =	swait.ge [sflag:s23], $0x1  }
0xa3: {  	[sflag:s23] =	ssyncset.done $0x0  }
0xa4: {  	s25 =	simm.s32 $0x1B8E;
	s24 =	sld [smem:$0x3FFE];
	[sflag:s23] =	ssyncadd.s32 $0xFFFFFFFF  }
0xa5: {  	s26 =	simm.s32 $execute0_lowered;
	[smem:$0x3FD2] =	sst s25  }
0xa6: {  	s5 =	sshll.u32 s26, $0x1;
	_ =	strace $0x80000049;
	[dreg:$0x1] =	wrdreg $0xFFFFFFFF  }
0xa7: {  	s28 =	simm.s32 $_size_execute0_lowered;
	s3 =	sadd.s32 s3, s5;
	[dreg:$0x0] =	wrdreg $0x0  }
0xa8: {  	s5 =	sshll.u32 s28, $0x1;
	[dreg:$0x2] =	wrdreg s3  }
0xa9: {  	[dreg:$0x3] =	wrdreg s5  }
0xaa: {  	[dreg:$0x4] =	wrdreg $0xC0  }
0xab: {  	_ =	task [dreg:s7], $0x5FFFF  }
0xac: {  	[dreg:$0x1] =	wrdreg $0xFFFFFFFF  }
0xad: {  	[dreg:$0x0] =	wrdreg $0x60  }
0xae: {  	[dreg:$0x2] =	wrdreg s24  }
0xaf: {  	[dreg:$0x3] =	wrdreg s2  }
0xb0: {  	[dreg:$0x4] =	wrdreg $0xAA000  }
0xb1: {  	[dreg:$0x5] =	wrdreg $0x9  }
0xb2: {  	_ =	task.clear_ibuf [dreg:s7], $0x6FFFF;
	_ =	strace $0x90000049  }
0xb3: {  	s29 =	simm.s32 $0x9;
	_ =	strace $0x8000004B  }
0xb4: {  	_ =	swait.ge [sflag:s29], $0x1  }
0xb5: {  	[sflag:s29] =	ssyncadd.s32 $0xFFFFFFFF  }
0xb6: {  	_ =	strace $0x9000004B  }
0xb7: {  	_ =	sfence  }
0xb8: {  	s30 =	sld [smem:$0x0];
	_ =	sdelay $0x2  }
0xb9: {  	s31 =	sshll.u32 s1, $0xD;
	s1 =	sshrl.u32 s1, $0x2  }
0xba: {  	s3 =	sand.u32 $0x4000, s31;
	s1 =	sadd.s32 s1, s30  }
0xbb: {  	s0 =	sor.u32 s3, s0;
	s1 =	sshll.u32 s1, $0x11  }
0xbc: {  	s0 =	sor.u32 s1, s0  }
0xbd: {  	s0 =	sadd.s32 $0x8F2B, s0  }
0xbe: {  	[sflag:s0] =	ssyncadd.remote.s32 $0x1  }
0xbf: {  	_ =	sfence.sel $0xFFFF  }
0xc0: {  	[dreg:$0x0] =	wrdreg $0xFFFFFFFF;
	(pc) =	sbr.abs _section_cstart, $3  }
0xc1: {  	[dreg:$0x1] =	wrdreg $0xFFFFFFFF  }
0xc2: {  	_ =	task.clear_ibuf [dreg:s7], $0x2FFFF;
	_ =	strace $0x9FFFFFFF  }
0xc3: {  	(tm) =	ssettm $0x7FFFFFFF  }
tec
execute0_lowered:
.L_overlay_start_1:
0x0: {  	(tag) =	ssettag $0x1  }
0x1: {  	s0 =	rddreg [dreg:$0x0]  }
0x2: {  	s2 =	rddreg [dreg:$0x1]  }
0x3: {  	s1 =	rddreg [dreg:$0x2]  }
0x4: {  	s4 =	srdreg.scid;
	s3 =	simm.s32 $0x0;
	s12 =	stileid.u32  }
0x5: {  	s28 =	simm.s32 $0xA;
	s30 =	simm.s32 $0x2;
	s8 =	smul.u32 $0x2800, s12  }
0x6: {  	s31 =	simm.s32 $0x80;
	s5 =	sand.u32 $0x1, s4;
	s17 =	smul.u32 $0x500, s12  }
0x7: {  	[smem:$0x7FF] =	sst s3;
	s11 =	sadd.s32 $0x5AC00, s0;
	s19 =	smul.u32 $0xA000, s12  }
0x8: {  	s4 =	sshll.u32 s5, $0x4;
	s6 =	smul.u32 $0x138800, s5;
	_ =	strace $0x8000004A  }
0x9: {  	s10 =	ssub.s32 $0x2, s5;
	s5 =	smul.u32 $0x28000, s5;
	s7 =	sor.u32 s12, s4  }
0xa: {  	s4 =	sadd.s32 $0xC200, s0;
	s29 =	sshrl.u32 s10, $0x1;
	s2 =	sadd.s32 s17, s2  }
0xb: {  	s22 =	sshrl.u32 s19, $0x2;
	s9 =	smul.u32 $0x500, s7;
	s6 =	sadd.s32 s8, s6  }
0xc: {  	s7 =	smul.u32 $0x2800, s7;
	s5 =	sadd.s32 s8, s5;
	[dreg:$0xe] =	wrdreg s2  }
0xd: {  	s17 =	sadd.s32 s22, s1;
	s8 =	simm.s32 $0x7;
	s6 =	sshrl.u32 s6, $0x3  }
0xe: {  	s21 =	sor.u32 $0x500, s5;
	s24 =	sor.u32 $0x480, s5;
	s25 =	sor.u32 $0x400, s5  }
0xf: {  	s5 =	sor.u32 $0x380, s5;
	s9 =	sadd.s32 s9, s0;
	s0 =	sadd.s32 s6, s0  }
0x10: {  	s7 =	sshrl.u32 s7, $0x3;
	s6 =	ssub.s32 s10, s29;
	s9 =	sadd.s32 $0x2200, s9  }
0x11: {  	s10 =	ssub.s32 $0x8C, s12;
	s13 =	sadd.s32 s11, s7;
	[dreg:$0x4] =	wrdreg s9  }
0x12: {  	s2 =	sshrl.u32 s24, $0x3;
	s6 =	smax.u32 s6, $0x1;
	[dreg:$0x5] =	wrdreg s13  }
0x13: {  	s5 =	sshrl.u32 s5, $0x3;
	s2 =	sadd.s32 s2, s11;
	[dreg:$0xd] =	wrdreg s6  }
0x14: {  	s26 =	sshrl.u32 s25, $0x3;
	s29 =	sadd.s32 s5, s11;
	[dreg:$0x10] =	wrdreg s2  }
0x15: {  	s24 =	simm.s32 $0x2880;
	s0 =	sadd.s32 $0x64C00, s0;
	[dreg:$0x12] =	wrdreg s29  }
0x16: {  	s25 =	simm.s32 $0x2900;
	s7 =	sadd.s32 $0x10, s13;
	[dreg:$0x13] =	wrdreg s0  }
0x17: {  	s12 =	simm.s32 $0x9;
	s9 =	sadd.s32 $0x20, s13;
	[dreg:$0x6] =	wrdreg s7  }
0x18: {  	s10 =	sshrl.u32 s10, $0x4;
	s14 =	sadd.s32 $0x30, s13;
	[dreg:$0x7] =	wrdreg s9  }
0x19: {  	s5 =	simm.s32 $0x3;
	s15 =	sadd.s32 $0x40, s13;
	[dreg:$0x8] =	wrdreg s14  }
0x1a: {  	s16 =	sadd.s32 $0x50, s13;
	s18 =	sadd.s32 $0x60, s13;
	[dreg:$0x9] =	wrdreg s15  }
0x1b: {  	s20 =	sadd.s32 $0x4F0, s13;
	s6 =	sshrl.u32 s21, $0x3;
	[dreg:$0xa] =	wrdreg s16  }
0x1c: {  	s2 =	sadd.s32 s26, s11;
	s26 =	simm.s32 $0x2980;
	[dreg:$0xb] =	wrdreg s18  }
0x1d: {  	s0 =	simm.s32 $0x2A00;
	s13 =	simm.s32 $0x5;
	[dreg:$0xc] =	wrdreg s20  }
0x1e: {  	s23 =	sadd.s32 s6, s11;
	[dreg:$0x11] =	wrdreg s2;
	s2 =	simm.s32 $0x6  }
0x1f: {  	s7 =	simm.s32 $0x6A00;
	s9 =	simm.s32 $0x8;
	s11 =	simm.s32 $0x4  }
0x20: {  	s14 =	simm.s32 $0x0;
	[dreg:$0xf] =	wrdreg s23;
	s23 =	simm.s32 $0x2800  }
.LBB2_1:
0x21: {  	s6 =	rddreg [dreg:$0x4]  }
0x22: {  	s19 =	rddreg [dreg:$0x5]  }
0x23: {  	[tilespmem:s3], [sflag:$0x1] =	stream.linear.gather [hbm4b:s6+s3], $0x2800, $0x38;
	[tilespmem:$0x1E2C0] =	vst v63  }
0x24: {  	s20 =	rddreg [dreg:$0x6]  }
0x25: {  	[tilespmem:s23], [sflag:$0x2] =	stream.linear.gather [hbm4b:s19+s3], $0x80, $0x38;
	[tilespmem:$0x1E2C0] =	vst v63  }
0x26: {  	s21 =	rddreg [dreg:$0x7]  }
0x27: {  	[tilespmem:s24], [sflag:$0x3] =	stream.linear.gather [hbm4b:s20+s3], $0x80, $0x38;
	[tilespmem:$0x1E2C0] =	vst v63  }
0x28: {  	s22 =	rddreg [dreg:$0x8];
	s29 =	stileid.u32;
	p0 =	sne.s32 s10, $0x1  }
0x29: {  	[tilespmem:s25], [sflag:$0x4] =	stream.linear.gather [hbm4b:s21+s3], $0x80, $0x38;
	[tilespmem:$0x1E2C0] =	vst v63  }
.Ltmp0:
0x2a: {  	s18 =	sadd.s32 $0xFFFFFFFF, s10;
	s16 =	sshll.u32 s29, $0x6;
	(pc) =	sbr.rel @!p0 .LBB2_3-.Ltmp0, $4  }
0x2b: {  	s6 =	sshrl.u32 s17, $0x3;
	s15 =	sor.u32 $0x1C0A, s16;
	s19 =	rddreg [dreg:$0xe]  }
0x2c: {  	[tilespmem:s26], [sflag:$0x5] =	stream.linear.gather [hbm4b:s22+s3], $0x80, $0x38;
	[tilespmem:$0x1E2C0] =	vst v63  }
0x2d: {  	[spmem:s6], [sflag:s15] =	dma.local [hbm:s19], $0x500  }
0x2e: {  	s20 =	smov.u32 s17;
	s19 =	sadd.s32 $0x5000, s19;
	_ =	swait.ge [sflag:s28], $0x500  }
.LBB2_2:
0x2f: {  	[sflag:s28] =	ssyncset.done $0x0  }
0x30: {  	s20 =	sadd.s32 $0x28000, s20;
	s15 =	sor.u32 $0x1C0A, s16;
	p1 =	sne.s32 s18, $0x1  }
.Ltmp1:
0x31: {  	s21 =	sshrl.u32 s20, $0x3;
	[sflag:s28] =	ssyncadd.s32 $0xFFFFFB00;
	(pc) =	sbr.rel @p1 .LBB2_2-.Ltmp1, $3  }
0x32: {  	[spmem:s21], [sflag:s15] =	dma.local [hbm:s19], $0x500  }
0x33: {  	s18 =	sadd.s32 $0xFFFFFFFF, s18;
	_ =	sdelay $0x1  }
0x34: {  	s19 =	sadd.s32 $0x5000, s19;
	_ =	swait.ge [sflag:s28], $0x500  }
.LBB2_3:
0x35: {  	[sflag:s28] =	ssyncset.done $0x0  }
0x36: {  	s16 =	simm.s32 $0x1;
	[sflag:s28] =	ssyncadd.s32 $0xFFFFFB00  }
0x37: {  	_ =	swait.ge [sflag:s16], $0x2800  }
0x38: {  	[sflag:s16] =	ssyncset.done $0x0  }
0x39: {  	[sflag:s16] =	ssyncadd.s32 $0xFFFFD800  }
0x3a: {  	[bflag:$0x0] =	sbarrier.arrive $0xFFFF  }
0x3b: {  	_ =	swait.ge [sflag:s30], $0x80  }
0x3c: {  	[sflag:s30] =	ssyncset.done $0x0  }
0x3d: {  	[sflag:s30] =	ssyncadd.s32 $0xFFFFFF80  }
0x3e: {  	[tilespmem:s0], [sflag:$0x6] =	stream.indirect.gather [hbm4b:s4+s31], $0x80, s23, s31, $0xb8;
	[tilespmem:$0x1E2C0] =	vst v63  }
0x3f: {  	_ =	swait.ge [sflag:s2], $0x4000  }
0x40: {  	[sflag:s2] =	ssyncset.done $0x0  }
0x41: {  	s19 =	simm.s32 $0x0;
	[sflag:s2] =	ssyncadd.s32 $0xFFFFC000  }
0x42: {  	[spmem:s1] =	stream.indirect.scatter.add.f32 [tilespmem:s0], [sflag:$0x8], $0x80, s19, s31, $0xb8;
	[tilespmem:$0x1E2C0] =	vst v63  }
0x43: {  	s18 =	rddreg [dreg:$0x9]  }
0x44: {  	[tilespmem:s23], [sflag:$0x2] =	stream.linear.gather [hbm4b:s18+s19], $0x80, $0x38;
	[tilespmem:$0x1E2C0] =	vst v63  }
0x45: {  	_ =	swait.ge [sflag:s5], $0x80  }
0x46: {  	[sflag:s5] =	ssyncset.done $0x0  }
0x47: {  	[sflag:s5] =	ssyncadd.s32 $0xFFFFFF80  }
0x48: {  	[tilespmem:s7], [sflag:$0x7] =	stream.indirect.gather [hbm4b:s4+s31], $0x80, s24, s31, $0xb8;
	[tilespmem:$0x1E2C0] =	vst v63  }
0x49: {  	_ =	swait.ge [sflag:s8], $0x4000  }
0x4a: {  	[sflag:s8] =	ssyncset.done $0x0  }
0x4b: {  	[sflag:s8] =	ssyncadd.s32 $0xFFFFC000  }
0x4c: {  	[spmem:s1] =	stream.indirect.scatter.add.f32 [tilespmem:s7], [sflag:$0x9], $0x80, s31, s31, $0xb8;
	[tilespmem:$0x1E2C0] =	vst v63  }
0x4d: {  	s20 =	rddreg [dreg:$0xa]  }
0x4e: {  	[tilespmem:s24], [sflag:$0x3] =	stream.linear.gather [hbm4b:s20+s19], $0x80, $0x38;
	[tilespmem:$0x1E2C0] =	vst v63  }
0x4f: {  	_ =	swait.ge [sflag:s9], $0x4000  }
0x50: {  	[sflag:s9] =	ssyncset.done $0x0  }
0x51: {  	[sflag:s9] =	ssyncadd.s32 $0xFFFFC000  }
0x52: {  	_ =	swait.ge [sflag:s11], $0x80  }
0x53: {  	[sflag:s11] =	ssyncset.done $0x0  }
0x54: {  	[sflag:s11] =	ssyncadd.s32 $0xFFFFFF80  }
0x55: {  	[tilespmem:s0], [sflag:$0x6] =	stream.indirect.gather [hbm4b:s4+s31], $0x80, s25, s31, $0xb8;
	[tilespmem:$0x1E2C0] =	vst v63  }
0x56: {  	_ =	swait.ge [sflag:s2], $0x4000  }
0x57: {  	[sflag:s2] =	ssyncset.done $0x0  }
0x58: {  	s21 =	simm.s32 $0x100;
	[sflag:s2] =	ssyncadd.s32 $0xFFFFC000  }
0x59: {  	[spmem:s1] =	stream.indirect.scatter.add.f32 [tilespmem:s0], [sflag:$0x8], $0x80, s21, s31, $0xb8;
	[tilespmem:$0x1E2C0] =	vst v63  }
0x5a: {  	s22 =	rddreg [dreg:$0xb]  }
0x5b: {  	[tilespmem:s25], [sflag:$0x4] =	stream.linear.gather [hbm4b:s22+s19], $0x80, $0x38;
	[tilespmem:$0x1E2C0] =	vst v63  }
0x5c: {  	_ =	swait.ge [sflag:s12], $0x4000  }
0x5d: {  	[sflag:s12] =	ssyncset.done $0x0  }
0x5e: {  	[sflag:s12] =	ssyncadd.s32 $0xFFFFC000  }
0x5f: {  	_ =	swait.ge [sflag:s13], $0x80  }
0x60: {  	[sflag:s13] =	ssyncset.done $0x0  }
0x61: {  	[sflag:s13] =	ssyncadd.s32 $0xFFFFFF80  }
0x62: {  	[tilespmem:s7], [sflag:$0x7] =	stream.indirect.gather [hbm4b:s4+s31], $0x80, s26, s31, $0xb8;
	[tilespmem:$0x1E2C0] =	vst v63  }
0x63: {  	_ =	swait.ge [sflag:s8], $0x4000  }
0x64: {  	[sflag:s8] =	ssyncset.done $0x0  }
0x65: {  	s18 =	simm.s32 $0x180;
	[sflag:s8] =	ssyncadd.s32 $0xFFFFC000  }
0x66: {  	[spmem:s1] =	stream.indirect.scatter.add.f32 [tilespmem:s7], [sflag:$0x9], $0x80, s18, s31, $0xb8;
	[tilespmem:$0x1E2C0] =	vst v63  }
0x67: {  	s21 =	rddreg [dreg:$0x12]  }
0x68: {  	[tilespmem:s26], [sflag:$0x5] =	stream.linear.gather [hbm4b:s21+s3], $0x80, $0x38;
	[tilespmem:$0x1E2C0] =	vst v63  }
0x69: {  	_ =	swait.ge [sflag:s9], $0x4000  }
0x6a: {  	[sflag:s9] =	ssyncset.done $0x0  }
0x6b: {  	[sflag:s9] =	ssyncadd.s32 $0xFFFFC000  }
0x6c: {  	_ =	swait.ge [sflag:s30], $0x80  }
0x6d: {  	[sflag:s30] =	ssyncset.done $0x0  }
0x6e: {  	[sflag:s30] =	ssyncadd.s32 $0xFFFFFF80  }
0x6f: {  	[tilespmem:s0], [sflag:$0x6] =	stream.indirect.gather [hbm4b:s4+s31], $0x80, s23, s31, $0xb8;
	[tilespmem:$0x1E2C0] =	vst v63  }
0x70: {  	_ =	swait.ge [sflag:s2], $0x4000  }
0x71: {  	[sflag:s2] =	ssyncset.done $0x0  }
0x72: {  	s19 =	simm.s32 $0x200;
	[sflag:s2] =	ssyncadd.s32 $0xFFFFC000  }
0x73: {  	[spmem:s1] =	stream.indirect.scatter.add.f32 [tilespmem:s0], [sflag:$0x8], $0x80, s19, s31, $0xb8;
	[tilespmem:$0x1E2C0] =	vst v63  }
0x74: {  	s18 =	rddreg [dreg:$0x11]  }
0x75: {  	[tilespmem:s23], [sflag:$0x2] =	stream.linear.gather [hbm4b:s18+s3], $0x80, $0x38;
	[tilespmem:$0x1E2C0] =	vst v63  }
0x76: {  	_ =	swait.ge [sflag:s12], $0x4000  }
0x77: {  	[sflag:s12] =	ssyncset.done $0x0  }
0x78: {  	[sflag:s12] =	ssyncadd.s32 $0xFFFFC000  }
0x79: {  	_ =	swait.ge [sflag:s5], $0x80  }
0x7a: {  	[sflag:s5] =	ssyncset.done $0x0  }
0x7b: {  	[sflag:s5] =	ssyncadd.s32 $0xFFFFFF80  }
0x7c: {  	[tilespmem:s7], [sflag:$0x7] =	stream.indirect.gather [hbm4b:s4+s31], $0x80, s24, s31, $0xb8;
	[tilespmem:$0x1E2C0] =	vst v63  }
0x7d: {  	_ =	swait.ge [sflag:s8], $0x4000  }
0x7e: {  	[sflag:s8] =	ssyncset.done $0x0  }
0x7f: {  	s20 =	simm.s32 $0x280;
	[sflag:s8] =	ssyncadd.s32 $0xFFFFC000  }
0x80: {  	[spmem:s1] =	stream.indirect.scatter.add.f32 [tilespmem:s7], [sflag:$0x9], $0x80, s20, s31, $0xb8;
	[tilespmem:$0x1E2C0] =	vst v63  }
0x81: {  	s20 =	rddreg [dreg:$0x10]  }
0x82: {  	[tilespmem:s24], [sflag:$0x3] =	stream.linear.gather [hbm4b:s20+s3], $0x80, $0x38;
	[tilespmem:$0x1E2C0] =	vst v63  }
0x83: {  	_ =	swait.ge [sflag:s9], $0x4000  }
0x84: {  	[sflag:s9] =	ssyncset.done $0x0  }
0x85: {  	[sflag:s9] =	ssyncadd.s32 $0xFFFFC000  }
0x86: {  	_ =	swait.ge [sflag:s11], $0x80  }
0x87: {  	[sflag:s11] =	ssyncset.done $0x0  }
0x88: {  	[sflag:s11] =	ssyncadd.s32 $0xFFFFFF80  }
0x89: {  	[tilespmem:s0], [sflag:$0x6] =	stream.indirect.gather [hbm4b:s4+s31], $0x80, s25, s31, $0xb8;
	[tilespmem:$0x1E2C0] =	vst v63  }
0x8a: {  	_ =	swait.ge [sflag:s2], $0x4000  }
0x8b: {  	[sflag:s2] =	ssyncset.done $0x0  }
0x8c: {  	s22 =	simm.s32 $0x300;
	[sflag:s2] =	ssyncadd.s32 $0xFFFFC000  }
0x8d: {  	[spmem:s1] =	stream.indirect.scatter.add.f32 [tilespmem:s0], [sflag:$0x8], $0x80, s22, s31, $0xb8;
	[tilespmem:$0x1E2C0] =	vst v63  }
0x8e: {  	s19 =	rddreg [dreg:$0xf]  }
0x8f: {  	[tilespmem:s25], [sflag:$0x4] =	stream.linear.gather [hbm4b:s19+s3], $0x80, $0x38;
	[tilespmem:$0x1E2C0] =	vst v63  }
0x90: {  	_ =	swait.ge [sflag:s12], $0x4000  }
0x91: {  	[sflag:s12] =	ssyncset.done $0x0  }
0x92: {  	[sflag:s12] =	ssyncadd.s32 $0xFFFFC000  }
0x93: {  	s29 =	simm.s32 $0x800;
	_ =	swait.ge [sflag:s13], $0x80  }
0x94: {  	s16 =	sadd.s32 $0x40, s18;
	s18 =	sadd.s32 $0x40, s21;
	[sflag:s13] =	ssyncset.done $0x0  }
0x95: {  	s20 =	sadd.s32 $0x40, s20;
	s19 =	sadd.s32 $0x40, s19;
	[sflag:s13] =	ssyncadd.s32 $0xFFFFFF80  }
.LBB2_4:
0x96: {  	[tilespmem:s7], [sflag:$0x7] =	stream.indirect.gather [hbm4b:s4+s31], $0x80, s26, s31, $0xb8;
	[tilespmem:$0x1E2C0] =	vst v63  }
0x97: {  	s21 =	smov.u32 s29  }
0x98: {  	p1 =	sne.s32 s29, $0x8800;
	s29 =	sadd.s32 $0x800, s29;
	_ =	swait.ge [sflag:s8], $0x4000  }
0x99: {  	s21 =	sshra.s32 s21, $0x2;
	[sflag:s8] =	ssyncset.done $0x0  }
0x9a: {  	s22 =	sadd.s32 $0x180, s21;
	[sflag:s8] =	ssyncadd.s32 $0xFFFFC000  }
0x9b: {  	[spmem:s1] =	stream.indirect.scatter.add.f32 [tilespmem:s7], [sflag:$0x9], $0x80, s22, s31, $0xb8;
	[tilespmem:$0x1E2C0] =	vst v63  }
0x9c: {  	_ = 	snop  }
0x9d: {  	[tilespmem:s26], [sflag:$0x5] =	stream.linear.gather [hbm4b:s18+s3], $0x80, $0x38;
	[tilespmem:$0x1E2C0] =	vst v63  }
0x9e: {  	_ =	swait.ge [sflag:s9], $0x4000  }
0x9f: {  	[sflag:s9] =	ssyncset.done $0x0  }
0xa0: {  	[sflag:s9] =	ssyncadd.s32 $0xFFFFC000  }
0xa1: {  	_ =	swait.ge [sflag:s30], $0x80  }
0xa2: {  	[sflag:s30] =	ssyncset.done $0x0  }
0xa3: {  	[sflag:s30] =	ssyncadd.s32 $0xFFFFFF80  }
0xa4: {  	[tilespmem:s0], [sflag:$0x6] =	stream.indirect.gather [hbm4b:s4+s31], $0x80, s23, s31, $0xb8;
	[tilespmem:$0x1E2C0] =	vst v63  }
0xa5: {  	_ =	swait.ge [sflag:s2], $0x4000  }
0xa6: {  	[sflag:s2] =	ssyncset.done $0x0  }
0xa7: {  	s22 =	sadd.s32 $0x200, s21;
	[sflag:s2] =	ssyncadd.s32 $0xFFFFC000  }
0xa8: {  	[spmem:s1] =	stream.indirect.scatter.add.f32 [tilespmem:s0], [sflag:$0x8], $0x80, s22, s31, $0xb8;
	[tilespmem:$0x1E2C0] =	vst v63  }
0xa9: {  	_ = 	snop  }
0xaa: {  	[tilespmem:s23], [sflag:$0x2] =	stream.linear.gather [hbm4b:s16+s3], $0x80, $0x38;
	[tilespmem:$0x1E2C0] =	vst v63  }
0xab: {  	_ =	swait.ge [sflag:s12], $0x4000  }
0xac: {  	[sflag:s12] =	ssyncset.done $0x0  }
0xad: {  	[sflag:s12] =	ssyncadd.s32 $0xFFFFC000  }
0xae: {  	_ =	swait.ge [sflag:s5], $0x80  }
0xaf: {  	[sflag:s5] =	ssyncset.done $0x0  }
0xb0: {  	[sflag:s5] =	ssyncadd.s32 $0xFFFFFF80  }
0xb1: {  	[tilespmem:s7], [sflag:$0x7] =	stream.indirect.gather [hbm4b:s4+s31], $0x80, s24, s31, $0xb8;
	[tilespmem:$0x1E2C0] =	vst v63  }
0xb2: {  	_ =	swait.ge [sflag:s8], $0x4000  }
0xb3: {  	[sflag:s8] =	ssyncset.done $0x0  }
0xb4: {  	s22 =	sadd.s32 $0x280, s21;
	[sflag:s8] =	ssyncadd.s32 $0xFFFFC000  }
0xb5: {  	[spmem:s1] =	stream.indirect.scatter.add.f32 [tilespmem:s7], [sflag:$0x9], $0x80, s22, s31, $0xb8;
	[tilespmem:$0x1E2C0] =	vst v63  }
0xb6: {  	_ = 	snop  }
0xb7: {  	[tilespmem:s24], [sflag:$0x3] =	stream.linear.gather [hbm4b:s20+s3], $0x80, $0x38;
	[tilespmem:$0x1E2C0] =	vst v63  }
0xb8: {  	_ =	swait.ge [sflag:s9], $0x4000  }
0xb9: {  	[sflag:s9] =	ssyncset.done $0x0  }
0xba: {  	[sflag:s9] =	ssyncadd.s32 $0xFFFFC000  }
0xbb: {  	_ =	swait.ge [sflag:s11], $0x80  }
0xbc: {  	[sflag:s11] =	ssyncset.done $0x0  }
0xbd: {  	[sflag:s11] =	ssyncadd.s32 $0xFFFFFF80  }
0xbe: {  	[tilespmem:s0], [sflag:$0x6] =	stream.indirect.gather [hbm4b:s4+s31], $0x80, s25, s31, $0xb8;
	[tilespmem:$0x1E2C0] =	vst v63  }
0xbf: {  	_ =	swait.ge [sflag:s2], $0x4000  }
0xc0: {  	[sflag:s2] =	ssyncset.done $0x0  }
0xc1: {  	s21 =	sadd.s32 $0x300, s21;
	[sflag:s2] =	ssyncadd.s32 $0xFFFFC000  }
0xc2: {  	[spmem:s1] =	stream.indirect.scatter.add.f32 [tilespmem:s0], [sflag:$0x8], $0x80, s21, s31, $0xb8;
	[tilespmem:$0x1E2C0] =	vst v63  }
0xc3: {  	_ = 	snop  }
0xc4: {  	[tilespmem:s25], [sflag:$0x4] =	stream.linear.gather [hbm4b:s19+s3], $0x80, $0x38;
	[tilespmem:$0x1E2C0] =	vst v63  }
0xc5: {  	_ =	swait.ge [sflag:s12], $0x4000  }
.Ltmp2:
0xc6: {  	[sflag:s12] =	ssyncset.done $0x0;
	(pc) =	sbr.rel @p1 .LBB2_4-.Ltmp2, $4  }
0xc7: {  	[sflag:s12] =	ssyncadd.s32 $0xFFFFC000  }
0xc8: {  	_ =	swait.ge [sflag:s13], $0x80  }
0xc9: {  	s18 =	sadd.s32 $0x40, s18;
	s16 =	sadd.s32 $0x40, s16;
	[sflag:s13] =	ssyncset.done $0x0  }
0xca: {  	s20 =	sadd.s32 $0x40, s20;
	s19 =	sadd.s32 $0x40, s19;
	[sflag:s13] =	ssyncadd.s32 $0xFFFFFF80  }
0xcb: {  	[tilespmem:s7], [sflag:$0x7] =	stream.indirect.gather [hbm4b:s4+s31], $0x80, s26, s31, $0xb8;
	[tilespmem:$0x1E2C0] =	vst v63  }
0xcc: {  	_ =	swait.ge [sflag:s8], $0x4000  }
0xcd: {  	[sflag:s8] =	ssyncset.done $0x0  }
0xce: {  	s16 =	simm.s32 $0x2580;
	[sflag:s8] =	ssyncadd.s32 $0xFFFFC000  }
0xcf: {  	[spmem:s1] =	stream.indirect.scatter.add.f32 [tilespmem:s7], [sflag:$0x9], $0x80, s16, s31, $0xb8;
	[tilespmem:$0x1E2C0] =	vst v63  }
0xd0: {  	s19 =	rddreg [dreg:$0xc]  }
0xd1: {  	[tilespmem:s26], [sflag:$0x5] =	stream.linear.gather [hbm4b:s19+s3], $0x80, $0x38;
	[tilespmem:$0x1E2C0] =	vst v63  }
0xd2: {  	_ =	swait.ge [sflag:s9], $0x4000  }
0xd3: {  	[sflag:s9] =	ssyncset.done $0x0  }
0xd4: {  	[sflag:s9] =	ssyncadd.s32 $0xFFFFC000  }
0xd5: {  	_ =	swait.ge [sflag:s30], $0x80  }
0xd6: {  	[sflag:s30] =	ssyncset.done $0x0  }
0xd7: {  	[sflag:s30] =	ssyncadd.s32 $0xFFFFFF80  }
0xd8: {  	[tilespmem:s0], [sflag:$0x6] =	stream.indirect.gather [hbm4b:s4+s31], $0x80, s23, s31, $0xb8;
	[tilespmem:$0x1E2C0] =	vst v63  }
0xd9: {  	_ =	swait.ge [sflag:s2], $0x4000  }
0xda: {  	[sflag:s2] =	ssyncset.done $0x0  }
0xdb: {  	s20 =	simm.s32 $0x2600;
	[sflag:s2] =	ssyncadd.s32 $0xFFFFC000  }
0xdc: {  	[spmem:s1] =	stream.indirect.scatter.add.f32 [tilespmem:s0], [sflag:$0x8], $0x80, s20, s31, $0xb8;
	[tilespmem:$0x1E2C0] =	vst v63  }
0xdd: {  	_ =	swait.ge [sflag:s12], $0x4000  }
0xde: {  	[sflag:s12] =	ssyncset.done $0x0  }
0xdf: {  	[sflag:s12] =	ssyncadd.s32 $0xFFFFC000  }
0xe0: {  	_ =	swait.ge [sflag:s5], $0x80  }
0xe1: {  	[sflag:s5] =	ssyncset.done $0x0  }
0xe2: {  	[sflag:s5] =	ssyncadd.s32 $0xFFFFFF80  }
0xe3: {  	[tilespmem:s7], [sflag:$0x7] =	stream.indirect.gather [hbm4b:s4+s31], $0x80, s24, s31, $0xb8;
	[tilespmem:$0x1E2C0] =	vst v63  }
0xe4: {  	_ =	swait.ge [sflag:s8], $0x4000  }
0xe5: {  	[sflag:s8] =	ssyncset.done $0x0  }
0xe6: {  	s21 =	simm.s32 $0x2680;
	[sflag:s8] =	ssyncadd.s32 $0xFFFFC000  }
0xe7: {  	[spmem:s1] =	stream.indirect.scatter.add.f32 [tilespmem:s7], [sflag:$0x9], $0x80, s21, s31, $0xb8;
	[tilespmem:$0x1E2C0] =	vst v63  }
0xe8: {  	_ =	swait.ge [sflag:s9], $0x4000  }
0xe9: {  	[sflag:s9] =	ssyncset.done $0x0  }
0xea: {  	[sflag:s9] =	ssyncadd.s32 $0xFFFFC000  }
0xeb: {  	_ =	swait.ge [sflag:s11], $0x80  }
0xec: {  	[sflag:s11] =	ssyncset.done $0x0  }
0xed: {  	[sflag:s11] =	ssyncadd.s32 $0xFFFFFF80  }
0xee: {  	[tilespmem:s0], [sflag:$0x6] =	stream.indirect.gather [hbm4b:s4+s31], $0x80, s25, s31, $0xb8;
	[tilespmem:$0x1E2C0] =	vst v63  }
0xef: {  	_ =	swait.ge [sflag:s2], $0x4000  }
0xf0: {  	[sflag:s2] =	ssyncset.done $0x0  }
0xf1: {  	s22 =	simm.s32 $0x2700;
	[sflag:s2] =	ssyncadd.s32 $0xFFFFC000  }
0xf2: {  	[spmem:s1] =	stream.indirect.scatter.add.f32 [tilespmem:s0], [sflag:$0x8], $0x80, s22, s31, $0xb8;
	[tilespmem:$0x1E2C0] =	vst v63  }
0xf3: {  	_ =	swait.ge [sflag:s12], $0x4000  }
0xf4: {  	[sflag:s12] =	ssyncset.done $0x0  }
0xf5: {  	[sflag:s12] =	ssyncadd.s32 $0xFFFFC000  }
0xf6: {  	_ =	swait.ge [sflag:s13], $0x80  }
0xf7: {  	[sflag:s13] =	ssyncset.done $0x0  }
0xf8: {  	[sflag:s13] =	ssyncadd.s32 $0xFFFFFF80  }
0xf9: {  	[tilespmem:s7], [sflag:$0x7] =	stream.indirect.gather [hbm4b:s4+s31], $0x80, s26, s31, $0xb8;
	[tilespmem:$0x1E2C0] =	vst v63  }
0xfa: {  	_ =	swait.ge [sflag:s8], $0x4000  }
0xfb: {  	[sflag:s8] =	ssyncset.done $0x0  }
0xfc: {  	s29 =	simm.s32 $0x2780;
	[sflag:s8] =	ssyncadd.s32 $0xFFFFC000  }
0xfd: {  	[spmem:s1] =	stream.indirect.scatter.add.f32 [tilespmem:s7], [sflag:$0x9], $0x80, s29, s31, $0xb8;
	[tilespmem:$0x1E2C0] =	vst v63  }
0xfe: {  	_ =	swait.ge [sflag:s9], $0x4000  }
0xff: {  	[sflag:s9] =	ssyncset.done $0x0  }
0x100: {  	[sflag:s9] =	ssyncadd.s32 $0xFFFFC000  }
0x101: {  	_ =	swait.ge [sflag:s12], $0x4000  }
0x102: {  	[sflag:s12] =	ssyncset.done $0x0  }
0x103: {  	[sflag:s12] =	ssyncadd.s32 $0xFFFFC000  }
.Ltmp3:
0x104: {  	[bflag:$0x0] =	sbarrier.arrive $0xFFFF;
	(pc) =	sbr.rel @!p0 .LBB2_7-.Ltmp3, $4  }
0x105: {  	s18 =	rddreg [dreg:$0x13]  }
0x106: {  	[hbm:s18], [sflag:s15] =	dma.local [spmem:s6], $0x500  }
0x107: {  	_ =	swait.ge [sflag:s28], $0x500  }
0x108: {  	s16 =	sadd.s32 $0x28000, s17;
	s6 =	sadd.s32 $0xFFFFFFFF, s10;
	[sflag:s28] =	ssyncset.done $0x0  }
.LBB2_6:
0x109: {  	s19 =	sshrl.u32 s16, $0x3  }
0x10a: {  	[sflag:s28] =	ssyncadd.s32 $0xFFFFFB00;
	s18 =	sadd.s32 $0x5000, s18;
	p0 =	sne.s32 s6, $0x1  }
0x10b: {  	[hbm:s18], [sflag:s15] =	dma.local [spmem:s19], $0x500  }
.Ltmp4:
0x10c: {  	_ = 	snop;
	(pc) =	sbr.rel @p0 .LBB2_6-.Ltmp4, $4  }
0x10d: {  	_ = 	snop  }
0x10e: {  	s6 =	sadd.s32 $0xFFFFFFFF, s6  }
0x10f: {  	_ =	swait.ge [sflag:s28], $0x500  }
0x110: {  	s16 =	sadd.s32 $0x28000, s16;
	[sflag:s28] =	ssyncset.done $0x0  }
.LBB2_7:
0x111: {  	s14 =	sadd.s32 $0x1, s14;
	s6 =	rddreg [dreg:$0xd]  }
0x112: {  	p0 =	sne.s32 s14, s6  }
.Ltmp5:
0x113: {  	_ = 	snop;
	(pc) =	sbr.rel @p0 .LBB2_1-.Ltmp5, $2  }
0x114: {  	_ =	sdelay $0x2  }
0x115: {  	[sflag:s28] =	ssyncadd.s32 $0xFFFFFB00  }
0x116: {  	_ =	sfence.sel $0x180000  }
0x117: {  	[bflag:$0x0] =	sbarrier.arrive $0xFFFF  }
0x118: {  	_ =	strace $0x9000004A  }
0x119: {  	s0 =	stileid.u32;
	[bflag:$0x2] =	sbarrier.arrive $0xFFFF  }
0x11a: {  	p0 =	sne.s32 s0, $0x0;
	s0 =	rddreg [dreg:$0x3]  }
0x11b: {  	s0 =	sadd.s32 @!p0 $0x100000, s0  }
0x11c: {  	[sflag:s0] =	ssyncadd.tile.s32 @!p0 $0x1;
	_ =	shalt  }
.Lfunc_end2:
_tile_overlayer_lowered:
.L_overlay_start_2:
0x11d: {  	(tag) =	ssettag $0x2  }
0x11e: {  	s0 =	rddreg [dreg:$0x0];
	s2 =	stileid.u32  }
0x11f: {  	s1 =	rddreg [dreg:$0x1];
	p0 =	sne.s32 s2, $0x0  }
0x120: {  	s3 =	rddreg [dreg:$0x2];
	[bflag:$0x3] =	sbarrier.arrive $0xFFFF;
	s2 =	simm.s32 @!p0 $0x1C0A  }
0x121: {  	[timem:s3], [sflag:s2] =	dma.local @!p0 [hbm:s0], s1  }
0x122: {  	s0 =	simm.s32 @!p0 $0xA  }
0x123: {  	_ =	swait.ge @!p0 [sflag:s0], s1  }
0x124: {  	s1 =	ssub.s32 @!p0 $0x0, s1;
	[sflag:s0] =	ssyncset.done @!p0 $0x0  }
0x125: {  	[sflag:s0] =	ssyncadd.s32 @!p0 s1  }
0x126: {  	[bflag:$0x3] =	sbarrier.arrive $0xFFFF  }
0x127: {  	_ =	shalt  }

// kernel: kernel.15.cloned.1.call-start
scs
__scs_entry_jumppad:
0x0: {  	(pc) =	sbr.rel $0x88, $3  }
0x1: {  	(tag) =	ssettag $0x0;
	lr =	simm.s32 $0x1  }
0x2: {  	[smem:$0x3F9D] =	sst lr;
	_ =	strace $0xD0000000  }
0x3: {  	_ = 	snop  }
0x4: {  	_ = 	snop  }
0x5: {  	_ = 	snop  }
0x6: {  	_ = 	snop  }
0x7: {  	_ = 	snop  }
__scs_overlays_trampoline_lowered:
0x8: {  	[smem:$0x3FAC] =	sst s0  }
0x9: {  	[smem:$0x3FAD] =	sst s1  }
0xa: {  	[smem:$0x3FAE] =	sst s2  }
0xb: {  	[smem:$0x3FAF] =	sst s3  }
0xc: {  	[smem:$0x3FB0] =	sst s4  }
0xd: {  	[smem:$0x3FB1] =	sst s5  }
0xe: {  	[smem:$0x3FB2] =	sst s6  }
0xf: {  	[smem:$0x3FB3] =	sst s7  }
0x10: {  	[smem:$0x3FB4] =	sst s8  }
0x11: {  	[smem:$0x3FB5] =	sst s9;
	s0 =	simm.s32 @!p0 $0x0  }
0x12: {  	s1 =	sld [smem:$0x3F9B];
	s0 =	simm.s32 @p0 $0x1  }
0x13: {  	[smem:$0x3FB6] =	sst s0;
	s0 =	simm.s32 @!p1 $0x0  }
0x14: {  	s2 =	sld [smem:$0x3F9A];
	s0 =	simm.s32 @p1 $0x1  }
0x15: {  	[smem:$0x3FB7] =	sst s0;
	s0 =	simm.s32 @!p2 $0x0  }
0x16: {  	s3 =	sld [smem:$0x3FDB];
	s0 =	simm.s32 @p2 $0x1  }
0x17: {  	s4 =	simm.s32 $0x1BF5;
	[smem:$0x3FB9] =	sst s0  }
0x18: {  	s0 =	sld [smem:$0x3F9C];
	_ =	swait.ge [sflag:s4], $0x0  }
0x19: {  	s7 =	sld [smem:$0x3F9D]  }
0x1a: {  	s8 =	sadd.s32 $0xFFFFE003, lr  }
0x1b: {  	s9 =	sadd.s32 $0xFFFFFEF7, lr;
	s5 =	simm.s32 $0xFFFFFFFF;
	p2 =	slt.u32 s8, $0xFFFFF086  }
0x1c: {  	p1 =	slt.u32 s9, $0xF7A;
	s5 =	simm.s32 @!p2 $0x0  }
0x1d: {  	s5 =	simm.s32 @p1 $0x1;
	p0 =	seq.s32 s7, s2  }
0x1e: {  	s7 =	smul.u32 @!p0 $0xF7A, s2;
	p2 =	seq.s32 @!p0 s5, $0x0  }
0x1f: {  	s9 =	smul.u32 $0xF7A, s1;
	s8 =	simm.s32 @!p0 $0x1BF5;
	p2 =	por !p2, p0  }
0x20: {  	[sflag:s8] =	ssyncset.s32 @!p0 $0xFFFFF086;
	s6 =	sadd.s32 @!p0 s3, s7;
	s7 =	simm.s32 @!p0 $0x108  }
0x21: {  	s3 =	sadd.s32 s3, s9;
	s6 =	sadd.s32 @!p0 $0x88, s6;
	s7 =	simm.s32 @p2 $0x1082  }
0x22: {  	[simem:s7], [sflag:s8] =	dma.local @!p0 [hbm:s6], $0xF7A  }
0x23: {  	s9 =	sor.u32 $0xD0000000, s2;
	s6 =	simm.s32 $0x108;
	_ =	swait.ge @!p0 [sflag:s8], $0x0  }
0x24: {  	s3 =	sadd.s32 $0x88, s3;
	s6 =	simm.s32 @!p1 $0x1082;
	[sflag:s4] =	ssyncset.s32 $0xFFFFF086  }
0x25: {  	[simem:s6], [sflag:s4] =	dma.local [hbm:s3], $0xF7A  }
0x26: {  	[smem:$0x3F9D] =	sst s1;
	(tag) =	ssettag s2;
	_ =	strace s9  }
0x27: {  	s1 =	sld [smem:$0x3FAD]  }
0x28: {  	s2 =	sld [smem:$0x3FAE]  }
0x29: {  	s4 =	sld [smem:$0x3FB0]  }
0x2a: {  	p0 =	seq.s32 s5, $0x0;
	s5 =	sld [smem:$0x3FB1]  }
0x2b: {  	s6 =	sld [smem:$0x3FB2]  }
0x2c: {  	s7 =	sld [smem:$0x3FB3]  }
0x2d: {  	s3 =	simm.s32 $0x108;
	s8 =	sld [smem:$0x3FB4]  }
0x2e: {  	s3 =	simm.s32 @!p0 $0x1082;
	s9 =	sld [smem:$0x3FB5]  }
0x2f: {  	lr =	sadd.s32 s0, s3;
	s0 =	sld [smem:$0x3FAC]  }
0x30: {  	s3 =	sld [smem:$0x3FAF]  }
0x31: {  	[smem:$0x3FB8] =	sst s10  }
0x32: {  	s10 =	sld [smem:$0x3FB6];
	_ =	sdelay $0x3  }
0x33: {  	p0 =	seq.s32 s10, $0x1;
	s10 =	sld [smem:$0x3FB8];
	_ =	sdelay $0x3  }
0x34: {  	[smem:$0x3FB8] =	sst s10  }
0x35: {  	s10 =	sld [smem:$0x3FB7];
	_ =	sdelay $0x3  }
0x36: {  	p1 =	seq.s32 s10, $0x1;
	s10 =	sld [smem:$0x3FB8];
	_ =	sdelay $0x3  }
0x37: {  	[smem:$0x3FB8] =	sst s10  }
0x38: {  	s10 =	sld [smem:$0x3FB9]  }
0x39: {  	_ = 	snop;
	(pc) =	sbr.ind lr, $3  }
0x3a: {  	_ = 	snop  }
0x3b: {  	_ = 	snop  }
0x3c: {  	p2 =	seq.s32 s10, $0x1;
	s10 =	sld [smem:$0x3FB8]  }
0x3d: {  	_ =	shalt  }
0x3e: {  	_ =	shalt  }
0x3f: {  	_ =	shalt  }
0x40: {  	_ =	shalt  }
0x41: {  	_ =	shalt  }
0x42: {  	_ =	shalt  }
0x43: {  	_ =	shalt  }
0x44: {  	_ =	shalt  }
0x45: {  	_ =	shalt  }
0x46: {  	_ =	shalt  }
0x47: {  	_ =	shalt  }
0x48: {  	_ =	shalt  }
0x49: {  	_ =	shalt  }
0x4a: {  	_ =	shalt  }
0x4b: {  	_ =	shalt  }
0x4c: {  	_ =	shalt  }
0x4d: {  	_ =	shalt  }
0x4e: {  	_ =	shalt  }
0x4f: {  	_ =	shalt  }
0x50: {  	_ =	shalt  }
0x51: {  	_ =	shalt  }
0x52: {  	_ =	shalt  }
0x53: {  	_ =	shalt  }
0x54: {  	_ =	shalt  }
0x55: {  	_ =	shalt  }
0x56: {  	_ =	shalt  }
0x57: {  	_ =	shalt  }
0x58: {  	_ =	shalt  }
0x59: {  	_ =	shalt  }
0x5a: {  	_ =	shalt  }
0x5b: {  	_ =	shalt  }
0x5c: {  	_ =	shalt  }
0x5d: {  	_ =	shalt  }
0x5e: {  	_ =	shalt  }
0x5f: {  	_ =	shalt  }
0x60: {  	_ =	shalt  }
0x61: {  	_ =	shalt  }
0x62: {  	_ =	shalt  }
0x63: {  	_ =	shalt  }
0x64: {  	_ =	shalt  }
0x65: {  	_ =	shalt  }
0x66: {  	_ =	shalt  }
0x67: {  	_ =	shalt  }
0x68: {  	_ =	shalt  }
0x69: {  	_ =	shalt  }
0x6a: {  	_ =	shalt  }
0x6b: {  	_ =	shalt  }
0x6c: {  	_ =	shalt  }
0x6d: {  	_ =	shalt  }
0x6e: {  	_ =	shalt  }
0x6f: {  	_ =	shalt  }
0x70: {  	_ =	shalt  }
0x71: {  	_ =	shalt  }
0x72: {  	_ =	shalt  }
0x73: {  	_ =	shalt  }
0x74: {  	_ =	shalt  }
0x75: {  	_ =	shalt  }
0x76: {  	_ =	shalt  }
0x77: {  	_ =	shalt  }
0x78: {  	_ =	shalt  }
0x79: {  	_ =	shalt  }
0x7a: {  	_ =	shalt  }
0x7b: {  	_ =	shalt  }
0x7c: {  	_ =	shalt  }
0x7d: {  	_ =	shalt  }
0x7e: {  	_ =	shalt  }
0x7f: {  	_ =	shalt  }
0x80: {  	_ =	shalt  }
0x81: {  	_ =	shalt  }
0x82: {  	_ =	shalt  }
0x83: {  	_ =	shalt  }
0x84: {  	_ =	shalt  }
0x85: {  	_ =	shalt  }
0x86: {  	_ =	shalt  }
0x87: {  	_ =	shalt  }
.Lfunc_end0:
.L_simem_size_0:
called_computation.2_lowered:
.L_overlay_start_0:
0x88: {  	s2 =	sld [smem:$0x3FD9]  }
0x89: {  	s3 =	sld [smem:$0x3FFE];
	_ =	sdelay $0x1  }
0x8a: {  	s1 =	srdreg.scid  }
0x8b: {  	s0 =	sand.u32 $0x1, s1  }
0x8c: {  	s17 =	sshll.u32 s0, $0xA;
	s2 =	sadd.s32 s3, s2  }
0x8d: {  	s2 =	sadd.s32 s2, s17  }
0x8e: {  	[smem:$0x3FC4] =	sst s2  }
0x8f: {  	_ = 	snop  }
0x90: {  	s2 =	sld [smem:$0x3FD0];
	(tm) =	ssettm $0x1  }
0x91: {  	s18 =	sld [smem:$0x3FFB];
	_ =	sdelay $0x3  }
0x92: {  	_ =	strace s18  }
0x93: {  	s3 =	sld [smem:$0x3FFC];
	_ =	sdelay $0x3  }
0x94: {  	_ =	strace s3  }
0x95: {  	s3 =	sld [smem:$0x3FFD];
	_ =	sdelay $0x3  }
0x96: {  	_ =	strace s3  }
0x97: {  	_ =	strace $0x8FFFFFFF  }
0x98: {  	s19 =	sld [smem:$0x3FDB];
	_ =	sdelay $0x1  }
0x99: {  	s4 =	simm.s32 $_scs_section_size  }
0x9a: {  	s5 =	simm.s32 $_size__tile_overlayer_lowered;
	s6 =	simm.s32 $_tile_overlayer_lowered  }
0x9b: {  	s22 =	simm.s32 $0x1BFF;
	s21 =	sshll.u32 s6, $0x1;
	s3 =	sadd.s32 s4, s19  }
0x9c: {  	s7 =	simm.s32 $0x0;
	s20 =	sshll.u32 s5, $0x1;
	s5 =	sadd.s32 s21, s3  }
0x9d: {  	[timem:s7], [sflag:s22] =	dma.local [hbm:s5], s20  }
0x9e: {  	_ =	swait.ge [sflag:s22], s20  }
0x9f: {  	s4 =	ssub.s32 $0x0, s20;
	[sflag:s22] =	ssyncset.done $0x0  }
0xa0: {  	[sflag:s22] =	ssyncadd.s32 s4;
	_ =	sdelay $0x1  }
0xa1: {  	s23 =	simm.s32 $0x1B8B  }
0xa2: {  	_ =	swait.ge [sflag:s23], $0x1  }
0xa3: {  	[sflag:s23] =	ssyncset.done $0x0  }
0xa4: {  	s25 =	simm.s32 $0x1B8E;
	s24 =	sld [smem:$0x3FFE];
	[sflag:s23] =	ssyncadd.s32 $0xFFFFFFFF  }
0xa5: {  	s26 =	simm.s32 $execute0_lowered;
	[smem:$0x3FD2] =	sst s25  }
0xa6: {  	s5 =	sshll.u32 s26, $0x1;
	_ =	strace $0x8000004C;
	[dreg:$0x1] =	wrdreg $0xFFFFFFFF  }
0xa7: {  	s28 =	simm.s32 $_size_execute0_lowered;
	s3 =	sadd.s32 s3, s5;
	[dreg:$0x0] =	wrdreg $0x0  }
0xa8: {  	s5 =	sshll.u32 s28, $0x1;
	[dreg:$0x2] =	wrdreg s3  }
0xa9: {  	[dreg:$0x3] =	wrdreg s5  }
0xaa: {  	[dreg:$0x4] =	wrdreg $0xC0  }
0xab: {  	_ =	task [dreg:s7], $0x5FFFF  }
0xac: {  	[dreg:$0x1] =	wrdreg $0xFFFFFFFF  }
0xad: {  	[dreg:$0x0] =	wrdreg $0x60  }
0xae: {  	[dreg:$0x2] =	wrdreg s24  }
0xaf: {  	[dreg:$0x3] =	wrdreg s2  }
0xb0: {  	[dreg:$0x4] =	wrdreg $0xAA000  }
0xb1: {  	[dreg:$0x5] =	wrdreg $0x9  }
0xb2: {  	_ =	task.clear_ibuf [dreg:s7], $0x6FFFF;
	_ =	strace $0x9000004C  }
0xb3: {  	s29 =	simm.s32 $0x9;
	_ =	strace $0x8000004E  }
0xb4: {  	_ =	swait.ge [sflag:s29], $0x1  }
0xb5: {  	[sflag:s29] =	ssyncadd.s32 $0xFFFFFFFF  }
0xb6: {  	_ =	strace $0x9000004E  }
0xb7: {  	_ =	sfence  }
0xb8: {  	s30 =	sld [smem:$0x0];
	_ =	sdelay $0x2  }
0xb9: {  	s31 =	sshll.u32 s1, $0xD;
	s1 =	sshrl.u32 s1, $0x2  }
0xba: {  	s3 =	sand.u32 $0x4000, s31;
	s1 =	sadd.s32 s1, s30  }
0xbb: {  	s0 =	sor.u32 s3, s0;
	s1 =	sshll.u32 s1, $0x11  }
0xbc: {  	s0 =	sor.u32 s1, s0  }
0xbd: {  	s0 =	sadd.s32 $0x8F2B, s0  }
0xbe: {  	[sflag:s0] =	ssyncadd.remote.s32 $0x1  }
0xbf: {  	_ =	sfence.sel $0xFFFF  }
0xc0: {  	[dreg:$0x0] =	wrdreg $0xFFFFFFFF;
	(pc) =	sbr.abs _section_cstart, $3  }
0xc1: {  	[dreg:$0x1] =	wrdreg $0xFFFFFFFF  }
0xc2: {  	_ =	task.clear_ibuf [dreg:s7], $0x2FFFF;
	_ =	strace $0x9FFFFFFF  }
0xc3: {  	(tm) =	ssettm $0x7FFFFFFF  }
tec
execute0_lowered:
.L_overlay_start_1:
0x0: {  	(tag) =	ssettag $0x1  }
0x1: {  	s0 =	rddreg [dreg:$0x0]  }
0x2: {  	s2 =	rddreg [dreg:$0x1]  }
0x3: {  	s1 =	rddreg [dreg:$0x2]  }
0x4: {  	s4 =	srdreg.scid;
	s3 =	simm.s32 $0x0;
	s12 =	stileid.u32  }
0x5: {  	s28 =	simm.s32 $0xA;
	s30 =	simm.s32 $0x2;
	s8 =	smul.u32 $0x2800, s12  }
0x6: {  	s31 =	simm.s32 $0x80;
	s5 =	sand.u32 $0x1, s4;
	s17 =	smul.u32 $0x500, s12  }
0x7: {  	[smem:$0x7FF] =	sst s3;
	s11 =	sadd.s32 $0x5AC00, s0;
	s19 =	smul.u32 $0xA000, s12  }
0x8: {  	s4 =	sshll.u32 s5, $0x4;
	s6 =	smul.u32 $0x138800, s5;
	_ =	strace $0x8000004D  }
0x9: {  	s10 =	ssub.s32 $0x2, s5;
	s5 =	smul.u32 $0x28000, s5;
	s7 =	sor.u32 s12, s4  }
0xa: {  	s4 =	sadd.s32 $0xC200, s0;
	s29 =	sshrl.u32 s10, $0x1;
	s2 =	sadd.s32 s17, s2  }
0xb: {  	s22 =	sshrl.u32 s19, $0x2;
	s9 =	smul.u32 $0x500, s7;
	s6 =	sadd.s32 s8, s6  }
0xc: {  	s7 =	smul.u32 $0x2800, s7;
	s5 =	sadd.s32 s8, s5;
	[dreg:$0xe] =	wrdreg s2  }
0xd: {  	s17 =	sadd.s32 s22, s1;
	s8 =	simm.s32 $0x7;
	s6 =	sshrl.u32 s6, $0x3  }
0xe: {  	s21 =	sor.u32 $0x500, s5;
	s24 =	sor.u32 $0x480, s5;
	s25 =	sor.u32 $0x400, s5  }
0xf: {  	s5 =	sor.u32 $0x380, s5;
	s9 =	sadd.s32 s9, s0;
	s0 =	sadd.s32 s6, s0  }
0x10: {  	s7 =	sshrl.u32 s7, $0x3;
	s6 =	ssub.s32 s10, s29;
	s9 =	sadd.s32 $0x2200, s9  }
0x11: {  	s10 =	ssub.s32 $0x8C, s12;
	s13 =	sadd.s32 s11, s7;
	[dreg:$0x4] =	wrdreg s9  }
0x12: {  	s2 =	sshrl.u32 s24, $0x3;
	s6 =	smax.u32 s6, $0x1;
	[dreg:$0x5] =	wrdreg s13  }
0x13: {  	s5 =	sshrl.u32 s5, $0x3;
	s2 =	sadd.s32 s2, s11;
	[dreg:$0xd] =	wrdreg s6  }
0x14: {  	s26 =	sshrl.u32 s25, $0x3;
	s29 =	sadd.s32 s5, s11;
	[dreg:$0x10] =	wrdreg s2  }
0x15: {  	s24 =	simm.s32 $0x2880;
	s0 =	sadd.s32 $0x64C00, s0;
	[dreg:$0x12] =	wrdreg s29  }
0x16: {  	s25 =	simm.s32 $0x2900;
	s7 =	sadd.s32 $0x10, s13;
	[dreg:$0x13] =	wrdreg s0  }
0x17: {  	s12 =	simm.s32 $0x9;
	s9 =	sadd.s32 $0x20, s13;
	[dreg:$0x6] =	wrdreg s7  }
0x18: {  	s10 =	sshrl.u32 s10, $0x4;
	s14 =	sadd.s32 $0x30, s13;
	[dreg:$0x7] =	wrdreg s9  }
0x19: {  	s5 =	simm.s32 $0x3;
	s15 =	sadd.s32 $0x40, s13;
	[dreg:$0x8] =	wrdreg s14  }
0x1a: {  	s16 =	sadd.s32 $0x50, s13;
	s18 =	sadd.s32 $0x60, s13;
	[dreg:$0x9] =	wrdreg s15  }
0x1b: {  	s20 =	sadd.s32 $0x4F0, s13;
	s6 =	sshrl.u32 s21, $0x3;
	[dreg:$0xa] =	wrdreg s16  }
0x1c: {  	s2 =	sadd.s32 s26, s11;
	s26 =	simm.s32 $0x2980;
	[dreg:$0xb] =	wrdreg s18  }
0x1d: {  	s0 =	simm.s32 $0x2A00;
	s13 =	simm.s32 $0x5;
	[dreg:$0xc] =	wrdreg s20  }
0x1e: {  	s23 =	sadd.s32 s6, s11;
	[dreg:$0x11] =	wrdreg s2;
	s2 =	simm.s32 $0x6  }
0x1f: {  	s7 =	simm.s32 $0x6A00;
	s9 =	simm.s32 $0x8;
	s11 =	simm.s32 $0x4  }
0x20: {  	s14 =	simm.s32 $0x0;
	[dreg:$0xf] =	wrdreg s23;
	s23 =	simm.s32 $0x2800  }
.LBB2_1:
0x21: {  	s6 =	rddreg [dreg:$0x4]  }
0x22: {  	s19 =	rddreg [dreg:$0x5]  }
0x23: {  	[tilespmem:s3], [sflag:$0x1] =	stream.linear.gather [hbm4b:s6+s3], $0x2800, $0x38;
	[tilespmem:$0x1E2C0] =	vst v63  }
0x24: {  	s20 =	rddreg [dreg:$0x6]  }
0x25: {  	[tilespmem:s23], [sflag:$0x2] =	stream.linear.gather [hbm4b:s19+s3], $0x80, $0x38;
	[tilespmem:$0x1E2C0] =	vst v63  }
0x26: {  	s21 =	rddreg [dreg:$0x7]  }
0x27: {  	[tilespmem:s24], [sflag:$0x3] =	stream.linear.gather [hbm4b:s20+s3], $0x80, $0x38;
	[tilespmem:$0x1E2C0] =	vst v63  }
0x28: {  	s22 =	rddreg [dreg:$0x8];
	s29 =	stileid.u32;
	p0 =	sne.s32 s10, $0x1  }
0x29: {  	[tilespmem:s25], [sflag:$0x4] =	stream.linear.gather [hbm4b:s21+s3], $0x80, $0x38;
	[tilespmem:$0x1E2C0] =	vst v63  }
.Ltmp0:
0x2a: {  	s18 =	sadd.s32 $0xFFFFFFFF, s10;
	s16 =	sshll.u32 s29, $0x6;
	(pc) =	sbr.rel @!p0 .LBB2_3-.Ltmp0, $4  }
0x2b: {  	s6 =	sshrl.u32 s17, $0x3;
	s15 =	sor.u32 $0x1C0A, s16;
	s19 =	rddreg [dreg:$0xe]  }
0x2c: {  	[tilespmem:s26], [sflag:$0x5] =	stream.linear.gather [hbm4b:s22+s3], $0x80, $0x38;
	[tilespmem:$0x1E2C0] =	vst v63  }
0x2d: {  	[spmem:s6], [sflag:s15] =	dma.local [hbm:s19], $0x500  }
0x2e: {  	s20 =	smov.u32 s17;
	s19 =	sadd.s32 $0x5000, s19;
	_ =	swait.ge [sflag:s28], $0x500  }
.LBB2_2:
0x2f: {  	[sflag:s28] =	ssyncset.done $0x0  }
0x30: {  	s20 =	sadd.s32 $0x28000, s20;
	s15 =	sor.u32 $0x1C0A, s16;
	p1 =	sne.s32 s18, $0x1  }
.Ltmp1:
0x31: {  	s21 =	sshrl.u32 s20, $0x3;
	[sflag:s28] =	ssyncadd.s32 $0xFFFFFB00;
	(pc) =	sbr.rel @p1 .LBB2_2-.Ltmp1, $3  }
0x32: {  	[spmem:s21], [sflag:s15] =	dma.local [hbm:s19], $0x500  }
0x33: {  	s18 =	sadd.s32 $0xFFFFFFFF, s18;
	_ =	sdelay $0x1  }
0x34: {  	s19 =	sadd.s32 $0x5000, s19;
	_ =	swait.ge [sflag:s28], $0x500  }
.LBB2_3:
0x35: {  	[sflag:s28] =	ssyncset.done $0x0  }
0x36: {  	s16 =	simm.s32 $0x1;
	[sflag:s28] =	ssyncadd.s32 $0xFFFFFB00  }
0x37: {  	_ =	swait.ge [sflag:s16], $0x2800  }
0x38: {  	[sflag:s16] =	ssyncset.done $0x0  }
0x39: {  	[sflag:s16] =	ssyncadd.s32 $0xFFFFD800  }
0x3a: {  	[bflag:$0x0] =	sbarrier.arrive $0xFFFF  }
0x3b: {  	_ =	swait.ge [sflag:s30], $0x80  }
0x3c: {  	[sflag:s30] =	ssyncset.done $0x0  }
0x3d: {  	[sflag:s30] =	ssyncadd.s32 $0xFFFFFF80  }
0x3e: {  	[tilespmem:s0], [sflag:$0x6] =	stream.indirect.gather [hbm4b:s4+s31], $0x80, s23, s31, $0xb8;
	[tilespmem:$0x1E2C0] =	vst v63  }
0x3f: {  	_ =	swait.ge [sflag:s2], $0x4000  }
0x40: {  	[sflag:s2] =	ssyncset.done $0x0  }
0x41: {  	s19 =	simm.s32 $0x0;
	[sflag:s2] =	ssyncadd.s32 $0xFFFFC000  }
0x42: {  	[spmem:s1] =	stream.indirect.scatter.add.f32 [tilespmem:s0], [sflag:$0x8], $0x80, s19, s31, $0xb8;
	[tilespmem:$0x1E2C0] =	vst v63  }
0x43: {  	s18 =	rddreg [dreg:$0x9]  }
0x44: {  	[tilespmem:s23], [sflag:$0x2] =	stream.linear.gather [hbm4b:s18+s19], $0x80, $0x38;
	[tilespmem:$0x1E2C0] =	vst v63  }
0x45: {  	_ =	swait.ge [sflag:s5], $0x80  }
0x46: {  	[sflag:s5] =	ssyncset.done $0x0  }
0x47: {  	[sflag:s5] =	ssyncadd.s32 $0xFFFFFF80  }
0x48: {  	[tilespmem:s7], [sflag:$0x7] =	stream.indirect.gather [hbm4b:s4+s31], $0x80, s24, s31, $0xb8;
	[tilespmem:$0x1E2C0] =	vst v63  }
0x49: {  	_ =	swait.ge [sflag:s8], $0x4000  }
0x4a: {  	[sflag:s8] =	ssyncset.done $0x0  }
0x4b: {  	[sflag:s8] =	ssyncadd.s32 $0xFFFFC000  }
0x4c: {  	[spmem:s1] =	stream.indirect.scatter.add.f32 [tilespmem:s7], [sflag:$0x9], $0x80, s31, s31, $0xb8;
	[tilespmem:$0x1E2C0] =	vst v63  }
0x4d: {  	s20 =	rddreg [dreg:$0xa]  }
0x4e: {  	[tilespmem:s24], [sflag:$0x3] =	stream.linear.gather [hbm4b:s20+s19], $0x80, $0x38;
	[tilespmem:$0x1E2C0] =	vst v63  }
0x4f: {  	_ =	swait.ge [sflag:s9], $0x4000  }
0x50: {  	[sflag:s9] =	ssyncset.done $0x0  }
0x51: {  	[sflag:s9] =	ssyncadd.s32 $0xFFFFC000  }
0x52: {  	_ =	swait.ge [sflag:s11], $0x80  }
0x53: {  	[sflag:s11] =	ssyncset.done $0x0  }
0x54: {  	[sflag:s11] =	ssyncadd.s32 $0xFFFFFF80  }
0x55: {  	[tilespmem:s0], [sflag:$0x6] =	stream.indirect.gather [hbm4b:s4+s31], $0x80, s25, s31, $0xb8;
	[tilespmem:$0x1E2C0] =	vst v63  }
0x56: {  	_ =	swait.ge [sflag:s2], $0x4000  }
0x57: {  	[sflag:s2] =	ssyncset.done $0x0  }
0x58: {  	s21 =	simm.s32 $0x100;
	[sflag:s2] =	ssyncadd.s32 $0xFFFFC000  }
0x59: {  	[spmem:s1] =	stream.indirect.scatter.add.f32 [tilespmem:s0], [sflag:$0x8], $0x80, s21, s31, $0xb8;
	[tilespmem:$0x1E2C0] =	vst v63  }
0x5a: {  	s22 =	rddreg [dreg:$0xb]  }
0x5b: {  	[tilespmem:s25], [sflag:$0x4] =	stream.linear.gather [hbm4b:s22+s19], $0x80, $0x38;
	[tilespmem:$0x1E2C0] =	vst v63  }
0x5c: {  	_ =	swait.ge [sflag:s12], $0x4000  }
0x5d: {  	[sflag:s12] =	ssyncset.done $0x0  }
0x5e: {  	[sflag:s12] =	ssyncadd.s32 $0xFFFFC000  }
0x5f: {  	_ =	swait.ge [sflag:s13], $0x80  }
0x60: {  	[sflag:s13] =	ssyncset.done $0x0  }
0x61: {  	[sflag:s13] =	ssyncadd.s32 $0xFFFFFF80  }
0x62: {  	[tilespmem:s7], [sflag:$0x7] =	stream.indirect.gather [hbm4b:s4+s31], $0x80, s26, s31, $0xb8;
	[tilespmem:$0x1E2C0] =	vst v63  }
0x63: {  	_ =	swait.ge [sflag:s8], $0x4000  }
0x64: {  	[sflag:s8] =	ssyncset.done $0x0  }
0x65: {  	s18 =	simm.s32 $0x180;
	[sflag:s8] =	ssyncadd.s32 $0xFFFFC000  }
0x66: {  	[spmem:s1] =	stream.indirect.scatter.add.f32 [tilespmem:s7], [sflag:$0x9], $0x80, s18, s31, $0xb8;
	[tilespmem:$0x1E2C0] =	vst v63  }
0x67: {  	s21 =	rddreg [dreg:$0x12]  }
0x68: {  	[tilespmem:s26], [sflag:$0x5] =	stream.linear.gather [hbm4b:s21+s3], $0x80, $0x38;
	[tilespmem:$0x1E2C0] =	vst v63  }
0x69: {  	_ =	swait.ge [sflag:s9], $0x4000  }
0x6a: {  	[sflag:s9] =	ssyncset.done $0x0  }
0x6b: {  	[sflag:s9] =	ssyncadd.s32 $0xFFFFC000  }
0x6c: {  	_ =	swait.ge [sflag:s30], $0x80  }
0x6d: {  	[sflag:s30] =	ssyncset.done $0x0  }
0x6e: {  	[sflag:s30] =	ssyncadd.s32 $0xFFFFFF80  }
0x6f: {  	[tilespmem:s0], [sflag:$0x6] =	stream.indirect.gather [hbm4b:s4+s31], $0x80, s23, s31, $0xb8;
	[tilespmem:$0x1E2C0] =	vst v63  }
0x70: {  	_ =	swait.ge [sflag:s2], $0x4000  }
0x71: {  	[sflag:s2] =	ssyncset.done $0x0  }
0x72: {  	s19 =	simm.s32 $0x200;
	[sflag:s2] =	ssyncadd.s32 $0xFFFFC000  }
0x73: {  	[spmem:s1] =	stream.indirect.scatter.add.f32 [tilespmem:s0], [sflag:$0x8], $0x80, s19, s31, $0xb8;
	[tilespmem:$0x1E2C0] =	vst v63  }
0x74: {  	s18 =	rddreg [dreg:$0x11]  }
0x75: {  	[tilespmem:s23], [sflag:$0x2] =	stream.linear.gather [hbm4b:s18+s3], $0x80, $0x38;
	[tilespmem:$0x1E2C0] =	vst v63  }
0x76: {  	_ =	swait.ge [sflag:s12], $0x4000  }
0x77: {  	[sflag:s12] =	ssyncset.done $0x0  }
0x78: {  	[sflag:s12] =	ssyncadd.s32 $0xFFFFC000  }
0x79: {  	_ =	swait.ge [sflag:s5], $0x80  }
0x7a: {  	[sflag:s5] =	ssyncset.done $0x0  }
0x7b: {  	[sflag:s5] =	ssyncadd.s32 $0xFFFFFF80  }
0x7c: {  	[tilespmem:s7], [sflag:$0x7] =	stream.indirect.gather [hbm4b:s4+s31], $0x80, s24, s31, $0xb8;
	[tilespmem:$0x1E2C0] =	vst v63  }
0x7d: {  	_ =	swait.ge [sflag:s8], $0x4000  }
0x7e: {  	[sflag:s8] =	ssyncset.done $0x0  }
0x7f: {  	s20 =	simm.s32 $0x280;
	[sflag:s8] =	ssyncadd.s32 $0xFFFFC000  }
0x80: {  	[spmem:s1] =	stream.indirect.scatter.add.f32 [tilespmem:s7], [sflag:$0x9], $0x80, s20, s31, $0xb8;
	[tilespmem:$0x1E2C0] =	vst v63  }
0x81: {  	s20 =	rddreg [dreg:$0x10]  }
0x82: {  	[tilespmem:s24], [sflag:$0x3] =	stream.linear.gather [hbm4b:s20+s3], $0x80, $0x38;
	[tilespmem:$0x1E2C0] =	vst v63  }
0x83: {  	_ =	swait.ge [sflag:s9], $0x4000  }
0x84: {  	[sflag:s9] =	ssyncset.done $0x0  }
0x85: {  	[sflag:s9] =	ssyncadd.s32 $0xFFFFC000  }
0x86: {  	_ =	swait.ge [sflag:s11], $0x80  }
0x87: {  	[sflag:s11] =	ssyncset.done $0x0  }
0x88: {  	[sflag:s11] =	ssyncadd.s32 $0xFFFFFF80  }
0x89: {  	[tilespmem:s0], [sflag:$0x6] =	stream.indirect.gather [hbm4b:s4+s31], $0x80, s25, s31, $0xb8;
	[tilespmem:$0x1E2C0] =	vst v63  }
0x8a: {  	_ =	swait.ge [sflag:s2], $0x4000  }
0x8b: {  	[sflag:s2] =	ssyncset.done $0x0  }
0x8c: {  	s22 =	simm.s32 $0x300;
	[sflag:s2] =	ssyncadd.s32 $0xFFFFC000  }
0x8d: {  	[spmem:s1] =	stream.indirect.scatter.add.f32 [tilespmem:s0], [sflag:$0x8], $0x80, s22, s31, $0xb8;
	[tilespmem:$0x1E2C0] =	vst v63  }
0x8e: {  	s19 =	rddreg [dreg:$0xf]  }
0x8f: {  	[tilespmem:s25], [sflag:$0x4] =	stream.linear.gather [hbm4b:s19+s3], $0x80, $0x38;
	[tilespmem:$0x1E2C0] =	vst v63  }
0x90: {  	_ =	swait.ge [sflag:s12], $0x4000  }
0x91: {  	[sflag:s12] =	ssyncset.done $0x0  }
0x92: {  	[sflag:s12] =	ssyncadd.s32 $0xFFFFC000  }
0x93: {  	s29 =	simm.s32 $0x800;
	_ =	swait.ge [sflag:s13], $0x80  }
0x94: {  	s16 =	sadd.s32 $0x40, s18;
	s18 =	sadd.s32 $0x40, s21;
	[sflag:s13] =	ssyncset.done $0x0  }
0x95: {  	s20 =	sadd.s32 $0x40, s20;
	s19 =	sadd.s32 $0x40, s19;
	[sflag:s13] =	ssyncadd.s32 $0xFFFFFF80  }
.LBB2_4:
0x96: {  	[tilespmem:s7], [sflag:$0x7] =	stream.indirect.gather [hbm4b:s4+s31], $0x80, s26, s31, $0xb8;
	[tilespmem:$0x1E2C0] =	vst v63  }
0x97: {  	s21 =	smov.u32 s29  }
0x98: {  	p1 =	sne.s32 s29, $0x8800;
	s29 =	sadd.s32 $0x800, s29;
	_ =	swait.ge [sflag:s8], $0x4000  }
0x99: {  	s21 =	sshra.s32 s21, $0x2;
	[sflag:s8] =	ssyncset.done $0x0  }
0x9a: {  	s22 =	sadd.s32 $0x180, s21;
	[sflag:s8] =	ssyncadd.s32 $0xFFFFC000  }
0x9b: {  	[spmem:s1] =	stream.indirect.scatter.add.f32 [tilespmem:s7], [sflag:$0x9], $0x80, s22, s31, $0xb8;
	[tilespmem:$0x1E2C0] =	vst v63  }
0x9c: {  	_ = 	snop  }
0x9d: {  	[tilespmem:s26], [sflag:$0x5] =	stream.linear.gather [hbm4b:s18+s3], $0x80, $0x38;
	[tilespmem:$0x1E2C0] =	vst v63  }
0x9e: {  	_ =	swait.ge [sflag:s9], $0x4000  }
0x9f: {  	[sflag:s9] =	ssyncset.done $0x0  }
0xa0: {  	[sflag:s9] =	ssyncadd.s32 $0xFFFFC000  }
0xa1: {  	_ =	swait.ge [sflag:s30], $0x80  }
0xa2: {  	[sflag:s30] =	ssyncset.done $0x0  }
0xa3: {  	[sflag:s30] =	ssyncadd.s32 $0xFFFFFF80  }
0xa4: {  	[tilespmem:s0], [sflag:$0x6] =	stream.indirect.gather [hbm4b:s4+s31], $0x80, s23, s31, $0xb8;
	[tilespmem:$0x1E2C0] =	vst v63  }
0xa5: {  	_ =	swait.ge [sflag:s2], $0x4000  }
0xa6: {  	[sflag:s2] =	ssyncset.done $0x0  }
0xa7: {  	s22 =	sadd.s32 $0x200, s21;
	[sflag:s2] =	ssyncadd.s32 $0xFFFFC000  }
0xa8: {  	[spmem:s1] =	stream.indirect.scatter.add.f32 [tilespmem:s0], [sflag:$0x8], $0x80, s22, s31, $0xb8;
	[tilespmem:$0x1E2C0] =	vst v63  }
0xa9: {  	_ = 	snop  }
0xaa: {  	[tilespmem:s23], [sflag:$0x2] =	stream.linear.gather [hbm4b:s16+s3], $0x80, $0x38;
	[tilespmem:$0x1E2C0] =	vst v63  }
0xab: {  	_ =	swait.ge [sflag:s12], $0x4000  }
0xac: {  	[sflag:s12] =	ssyncset.done $0x0  }
0xad: {  	[sflag:s12] =	ssyncadd.s32 $0xFFFFC000  }
0xae: {  	_ =	swait.ge [sflag:s5], $0x80  }
0xaf: {  	[sflag:s5] =	ssyncset.done $0x0  }
0xb0: {  	[sflag:s5] =	ssyncadd.s32 $0xFFFFFF80  }
0xb1: {  	[tilespmem:s7], [sflag:$0x7] =	stream.indirect.gather [hbm4b:s4+s31], $0x80, s24, s31, $0xb8;
	[tilespmem:$0x1E2C0] =	vst v63  }
0xb2: {  	_ =	swait.ge [sflag:s8], $0x4000  }
0xb3: {  	[sflag:s8] =	ssyncset.done $0x0  }
0xb4: {  	s22 =	sadd.s32 $0x280, s21;
	[sflag:s8] =	ssyncadd.s32 $0xFFFFC000  }
0xb5: {  	[spmem:s1] =	stream.indirect.scatter.add.f32 [tilespmem:s7], [sflag:$0x9], $0x80, s22, s31, $0xb8;
	[tilespmem:$0x1E2C0] =	vst v63  }
0xb6: {  	_ = 	snop  }
0xb7: {  	[tilespmem:s24], [sflag:$0x3] =	stream.linear.gather [hbm4b:s20+s3], $0x80, $0x38;
	[tilespmem:$0x1E2C0] =	vst v63  }
0xb8: {  	_ =	swait.ge [sflag:s9], $0x4000  }
0xb9: {  	[sflag:s9] =	ssyncset.done $0x0  }
0xba: {  	[sflag:s9] =	ssyncadd.s32 $0xFFFFC000  }
0xbb: {  	_ =	swait.ge [sflag:s11], $0x80  }
0xbc: {  	[sflag:s11] =	ssyncset.done $0x0  }
0xbd: {  	[sflag:s11] =	ssyncadd.s32 $0xFFFFFF80  }
0xbe: {  	[tilespmem:s0], [sflag:$0x6] =	stream.indirect.gather [hbm4b:s4+s31], $0x80, s25, s31, $0xb8;
	[tilespmem:$0x1E2C0] =	vst v63  }
0xbf: {  	_ =	swait.ge [sflag:s2], $0x4000  }
0xc0: {  	[sflag:s2] =	ssyncset.done $0x0  }
0xc1: {  	s21 =	sadd.s32 $0x300, s21;
	[sflag:s2] =	ssyncadd.s32 $0xFFFFC000  }
0xc2: {  	[spmem:s1] =	stream.indirect.scatter.add.f32 [tilespmem:s0], [sflag:$0x8], $0x80, s21, s31, $0xb8;
	[tilespmem:$0x1E2C0] =	vst v63  }
0xc3: {  	_ = 	snop  }
0xc4: {  	[tilespmem:s25], [sflag:$0x4] =	stream.linear.gather [hbm4b:s19+s3], $0x80, $0x38;
	[tilespmem:$0x1E2C0] =	vst v63  }
0xc5: {  	_ =	swait.ge [sflag:s12], $0x4000  }
.Ltmp2:
0xc6: {  	[sflag:s12] =	ssyncset.done $0x0;
	(pc) =	sbr.rel @p1 .LBB2_4-.Ltmp2, $4  }
0xc7: {  	[sflag:s12] =	ssyncadd.s32 $0xFFFFC000  }
0xc8: {  	_ =	swait.ge [sflag:s13], $0x80  }
0xc9: {  	s18 =	sadd.s32 $0x40, s18;
	s16 =	sadd.s32 $0x40, s16;
	[sflag:s13] =	ssyncset.done $0x0  }
0xca: {  	s20 =	sadd.s32 $0x40, s20;
	s19 =	sadd.s32 $0x40, s19;
	[sflag:s13] =	ssyncadd.s32 $0xFFFFFF80  }
0xcb: {  	[tilespmem:s7], [sflag:$0x7] =	stream.indirect.gather [hbm4b:s4+s31], $0x80, s26, s31, $0xb8;
	[tilespmem:$0x1E2C0] =	vst v63  }
0xcc: {  	_ =	swait.ge [sflag:s8], $0x4000  }
0xcd: {  	[sflag:s8] =	ssyncset.done $0x0  }
0xce: {  	s16 =	simm.s32 $0x2580;
	[sflag:s8] =	ssyncadd.s32 $0xFFFFC000  }
0xcf: {  	[spmem:s1] =	stream.indirect.scatter.add.f32 [tilespmem:s7], [sflag:$0x9], $0x80, s16, s31, $0xb8;
	[tilespmem:$0x1E2C0] =	vst v63  }
0xd0: {  	s19 =	rddreg [dreg:$0xc]  }
0xd1: {  	[tilespmem:s26], [sflag:$0x5] =	stream.linear.gather [hbm4b:s19+s3], $0x80, $0x38;
	[tilespmem:$0x1E2C0] =	vst v63  }
0xd2: {  	_ =	swait.ge [sflag:s9], $0x4000  }
0xd3: {  	[sflag:s9] =	ssyncset.done $0x0  }
0xd4: {  	[sflag:s9] =	ssyncadd.s32 $0xFFFFC000  }
0xd5: {  	_ =	swait.ge [sflag:s30], $0x80  }
0xd6: {  	[sflag:s30] =	ssyncset.done $0x0  }
0xd7: {  	[sflag:s30] =	ssyncadd.s32 $0xFFFFFF80  }
0xd8: {  	[tilespmem:s0], [sflag:$0x6] =	stream.indirect.gather [hbm4b:s4+s31], $0x80, s23, s31, $0xb8;
	[tilespmem:$0x1E2C0] =	vst v63  }
0xd9: {  	_ =	swait.ge [sflag:s2], $0x4000  }
0xda: {  	[sflag:s2] =	ssyncset.done $0x0  }
0xdb: {  	s20 =	simm.s32 $0x2600;
	[sflag:s2] =	ssyncadd.s32 $0xFFFFC000  }
0xdc: {  	[spmem:s1] =	stream.indirect.scatter.add.f32 [tilespmem:s0], [sflag:$0x8], $0x80, s20, s31, $0xb8;
	[tilespmem:$0x1E2C0] =	vst v63  }
0xdd: {  	_ =	swait.ge [sflag:s12], $0x4000  }
0xde: {  	[sflag:s12] =	ssyncset.done $0x0  }
0xdf: {  	[sflag:s12] =	ssyncadd.s32 $0xFFFFC000  }
0xe0: {  	_ =	swait.ge [sflag:s5], $0x80  }
0xe1: {  	[sflag:s5] =	ssyncset.done $0x0  }
0xe2: {  	[sflag:s5] =	ssyncadd.s32 $0xFFFFFF80  }
0xe3: {  	[tilespmem:s7], [sflag:$0x7] =	stream.indirect.gather [hbm4b:s4+s31], $0x80, s24, s31, $0xb8;
	[tilespmem:$0x1E2C0] =	vst v63  }
0xe4: {  	_ =	swait.ge [sflag:s8], $0x4000  }
0xe5: {  	[sflag:s8] =	ssyncset.done $0x0  }
0xe6: {  	s21 =	simm.s32 $0x2680;
	[sflag:s8] =	ssyncadd.s32 $0xFFFFC000  }
0xe7: {  	[spmem:s1] =	stream.indirect.scatter.add.f32 [tilespmem:s7], [sflag:$0x9], $0x80, s21, s31, $0xb8;
	[tilespmem:$0x1E2C0] =	vst v63  }
0xe8: {  	_ =	swait.ge [sflag:s9], $0x4000  }
0xe9: {  	[sflag:s9] =	ssyncset.done $0x0  }
0xea: {  	[sflag:s9] =	ssyncadd.s32 $0xFFFFC000  }
0xeb: {  	_ =	swait.ge [sflag:s11], $0x80  }
0xec: {  	[sflag:s11] =	ssyncset.done $0x0  }
0xed: {  	[sflag:s11] =	ssyncadd.s32 $0xFFFFFF80  }
0xee: {  	[tilespmem:s0], [sflag:$0x6] =	stream.indirect.gather [hbm4b:s4+s31], $0x80, s25, s31, $0xb8;
	[tilespmem:$0x1E2C0] =	vst v63  }
0xef: {  	_ =	swait.ge [sflag:s2], $0x4000  }
0xf0: {  	[sflag:s2] =	ssyncset.done $0x0  }
0xf1: {  	s22 =	simm.s32 $0x2700;
	[sflag:s2] =	ssyncadd.s32 $0xFFFFC000  }
0xf2: {  	[spmem:s1] =	stream.indirect.scatter.add.f32 [tilespmem:s0], [sflag:$0x8], $0x80, s22, s31, $0xb8;
	[tilespmem:$0x1E2C0] =	vst v63  }
0xf3: {  	_ =	swait.ge [sflag:s12], $0x4000  }
0xf4: {  	[sflag:s12] =	ssyncset.done $0x0  }
0xf5: {  	[sflag:s12] =	ssyncadd.s32 $0xFFFFC000  }
0xf6: {  	_ =	swait.ge [sflag:s13], $0x80  }
0xf7: {  	[sflag:s13] =	ssyncset.done $0x0  }
0xf8: {  	[sflag:s13] =	ssyncadd.s32 $0xFFFFFF80  }
0xf9: {  	[tilespmem:s7], [sflag:$0x7] =	stream.indirect.gather [hbm4b:s4+s31], $0x80, s26, s31, $0xb8;
	[tilespmem:$0x1E2C0] =	vst v63  }
0xfa: {  	_ =	swait.ge [sflag:s8], $0x4000  }
0xfb: {  	[sflag:s8] =	ssyncset.done $0x0  }
0xfc: {  	s29 =	simm.s32 $0x2780;
	[sflag:s8] =	ssyncadd.s32 $0xFFFFC000  }
0xfd: {  	[spmem:s1] =	stream.indirect.scatter.add.f32 [tilespmem:s7], [sflag:$0x9], $0x80, s29, s31, $0xb8;
	[tilespmem:$0x1E2C0] =	vst v63  }
0xfe: {  	_ =	swait.ge [sflag:s9], $0x4000  }
0xff: {  	[sflag:s9] =	ssyncset.done $0x0  }
0x100: {  	[sflag:s9] =	ssyncadd.s32 $0xFFFFC000  }
0x101: {  	_ =	swait.ge [sflag:s12], $0x4000  }
0x102: {  	[sflag:s12] =	ssyncset.done $0x0  }
0x103: {  	[sflag:s12] =	ssyncadd.s32 $0xFFFFC000  }
.Ltmp3:
0x104: {  	[bflag:$0x0] =	sbarrier.arrive $0xFFFF;
	(pc) =	sbr.rel @!p0 .LBB2_7-.Ltmp3, $4  }
0x105: {  	s18 =	rddreg [dreg:$0x13]  }
0x106: {  	[hbm:s18], [sflag:s15] =	dma.local [spmem:s6], $0x500  }
0x107: {  	_ =	swait.ge [sflag:s28], $0x500  }
0x108: {  	s16 =	sadd.s32 $0x28000, s17;
	s6 =	sadd.s32 $0xFFFFFFFF, s10;
	[sflag:s28] =	ssyncset.done $0x0  }
.LBB2_6:
0x109: {  	s19 =	sshrl.u32 s16, $0x3  }
0x10a: {  	[sflag:s28] =	ssyncadd.s32 $0xFFFFFB00;
	s18 =	sadd.s32 $0x5000, s18;
	p0 =	sne.s32 s6, $0x1  }
0x10b: {  	[hbm:s18], [sflag:s15] =	dma.local [spmem:s19], $0x500  }
.Ltmp4:
0x10c: {  	_ = 	snop;
	(pc) =	sbr.rel @p0 .LBB2_6-.Ltmp4, $4  }
0x10d: {  	_ = 	snop  }
0x10e: {  	s6 =	sadd.s32 $0xFFFFFFFF, s6  }
0x10f: {  	_ =	swait.ge [sflag:s28], $0x500  }
0x110: {  	s16 =	sadd.s32 $0x28000, s16;
	[sflag:s28] =	ssyncset.done $0x0  }
.LBB2_7:
0x111: {  	s14 =	sadd.s32 $0x1, s14;
	s6 =	rddreg [dreg:$0xd]  }
0x112: {  	p0 =	sne.s32 s14, s6  }
.Ltmp5:
0x113: {  	_ = 	snop;
	(pc) =	sbr.rel @p0 .LBB2_1-.Ltmp5, $2  }
0x114: {  	_ =	sdelay $0x2  }
0x115: {  	[sflag:s28] =	ssyncadd.s32 $0xFFFFFB00  }
0x116: {  	_ =	sfence.sel $0x180000  }
0x117: {  	[bflag:$0x0] =	sbarrier.arrive $0xFFFF  }
0x118: {  	_ =	strace $0x9000004D  }
0x119: {  	s0 =	stileid.u32;
	[bflag:$0x2] =	sbarrier.arrive $0xFFFF  }
0x11a: {  	p0 =	sne.s32 s0, $0x0;
	s0 =	rddreg [dreg:$0x3]  }
0x11b: {  	s0 =	sadd.s32 @!p0 $0x100000, s0  }
0x11c: {  	[sflag:s0] =	ssyncadd.tile.s32 @!p0 $0x1;
	_ =	shalt  }
.Lfunc_end2:
_tile_overlayer_lowered:
.L_overlay_start_2:
0x11d: {  	(tag) =	ssettag $0x2  }
0x11e: {  	s0 =	rddreg [dreg:$0x0];
	s2 =	stileid.u32  }
0x11f: {  	s1 =	rddreg [dreg:$0x1];
	p0 =	sne.s32 s2, $0x0  }
0x120: {  	s3 =	rddreg [dreg:$0x2];
	[bflag:$0x3] =	sbarrier.arrive $0xFFFF;
	s2 =	simm.s32 @!p0 $0x1C0A  }
0x121: {  	[timem:s3], [sflag:s2] =	dma.local @!p0 [hbm:s0], s1  }
0x122: {  	s0 =	simm.s32 @!p0 $0xA  }
0x123: {  	_ =	swait.ge @!p0 [sflag:s0], s1  }
0x124: {  	s1 =	ssub.s32 @!p0 $0x0, s1;
	[sflag:s0] =	ssyncset.done @!p0 $0x0  }
0x125: {  	[sflag:s0] =	ssyncadd.s32 @!p0 s1  }
0x126: {  	[bflag:$0x3] =	sbarrier.arrive $0xFFFF  }
0x127: {  	_ =	shalt  }

// kernel: kernel.9.cloned.1.call-start
scs
__scs_entry_jumppad:
0x0: {  	(pc) =	sbr.rel $0x88, $3  }
0x1: {  	(tag) =	ssettag $0x0;
	lr =	simm.s32 $0x1  }
0x2: {  	[smem:$0x3F9D] =	sst lr;
	_ =	strace $0xD0000000  }
0x3: {  	_ = 	snop  }
0x4: {  	_ = 	snop  }
0x5: {  	_ = 	snop  }
0x6: {  	_ = 	snop  }
0x7: {  	_ = 	snop  }
__scs_overlays_trampoline_lowered:
0x8: {  	[smem:$0x3FAC] =	sst s0  }
0x9: {  	[smem:$0x3FAD] =	sst s1  }
0xa: {  	[smem:$0x3FAE] =	sst s2  }
0xb: {  	[smem:$0x3FAF] =	sst s3  }
0xc: {  	[smem:$0x3FB0] =	sst s4  }
0xd: {  	[smem:$0x3FB1] =	sst s5  }
0xe: {  	[smem:$0x3FB2] =	sst s6  }
0xf: {  	[smem:$0x3FB3] =	sst s7  }
0x10: {  	[smem:$0x3FB4] =	sst s8  }
0x11: {  	[smem:$0x3FB5] =	sst s9;
	s0 =	simm.s32 @!p0 $0x0  }
0x12: {  	s1 =	sld [smem:$0x3F9B];
	s0 =	simm.s32 @p0 $0x1  }
0x13: {  	[smem:$0x3FB6] =	sst s0;
	s0 =	simm.s32 @!p1 $0x0  }
0x14: {  	s2 =	sld [smem:$0x3F9A];
	s0 =	simm.s32 @p1 $0x1  }
0x15: {  	[smem:$0x3FB7] =	sst s0;
	s0 =	simm.s32 @!p2 $0x0  }
0x16: {  	s3 =	sld [smem:$0x3FDB];
	s0 =	simm.s32 @p2 $0x1  }
0x17: {  	s4 =	simm.s32 $0x1BF5;
	[smem:$0x3FB9] =	sst s0  }
0x18: {  	s0 =	sld [smem:$0x3F9C];
	_ =	swait.ge [sflag:s4], $0x0  }
0x19: {  	s7 =	sld [smem:$0x3F9D]  }
0x1a: {  	s8 =	sadd.s32 $0xFFFFE003, lr  }
0x1b: {  	s9 =	sadd.s32 $0xFFFFFEF7, lr;
	s5 =	simm.s32 $0xFFFFFFFF;
	p2 =	slt.u32 s8, $0xFFFFF086  }
0x1c: {  	p1 =	slt.u32 s9, $0xF7A;
	s5 =	simm.s32 @!p2 $0x0  }
0x1d: {  	s5 =	simm.s32 @p1 $0x1;
	p0 =	seq.s32 s7, s2  }
0x1e: {  	s7 =	smul.u32 @!p0 $0xF7A, s2;
	p2 =	seq.s32 @!p0 s5, $0x0  }
0x1f: {  	s9 =	smul.u32 $0xF7A, s1;
	s8 =	simm.s32 @!p0 $0x1BF5;
	p2 =	por !p2, p0  }
0x20: {  	[sflag:s8] =	ssyncset.s32 @!p0 $0xFFFFF086;
	s6 =	sadd.s32 @!p0 s3, s7;
	s7 =	simm.s32 @!p0 $0x108  }
0x21: {  	s3 =	sadd.s32 s3, s9;
	s6 =	sadd.s32 @!p0 $0x88, s6;
	s7 =	simm.s32 @p2 $0x1082  }
0x22: {  	[simem:s7], [sflag:s8] =	dma.local @!p0 [hbm:s6], $0xF7A  }
0x23: {  	s9 =	sor.u32 $0xD0000000, s2;
	s6 =	simm.s32 $0x108;
	_ =	swait.ge @!p0 [sflag:s8], $0x0  }
0x24: {  	s3 =	sadd.s32 $0x88, s3;
	s6 =	simm.s32 @!p1 $0x1082;
	[sflag:s4] =	ssyncset.s32 $0xFFFFF086  }
0x25: {  	[simem:s6], [sflag:s4] =	dma.local [hbm:s3], $0xF7A  }
0x26: {  	[smem:$0x3F9D] =	sst s1;
	(tag) =	ssettag s2;
	_ =	strace s9  }
0x27: {  	s1 =	sld [smem:$0x3FAD]  }
0x28: {  	s2 =	sld [smem:$0x3FAE]  }
0x29: {  	s4 =	sld [smem:$0x3FB0]  }
0x2a: {  	p0 =	seq.s32 s5, $0x0;
	s5 =	sld [smem:$0x3FB1]  }
0x2b: {  	s6 =	sld [smem:$0x3FB2]  }
0x2c: {  	s7 =	sld [smem:$0x3FB3]  }
0x2d: {  	s3 =	simm.s32 $0x108;
	s8 =	sld [smem:$0x3FB4]  }
0x2e: {  	s3 =	simm.s32 @!p0 $0x1082;
	s9 =	sld [smem:$0x3FB5]  }
0x2f: {  	lr =	sadd.s32 s0, s3;
	s0 =	sld [smem:$0x3FAC]  }
0x30: {  	s3 =	sld [smem:$0x3FAF]  }
0x31: {  	[smem:$0x3FB8] =	sst s10  }
0x32: {  	s10 =	sld [smem:$0x3FB6];
	_ =	sdelay $0x3  }
0x33: {  	p0 =	seq.s32 s10, $0x1;
	s10 =	sld [smem:$0x3FB8];
	_ =	sdelay $0x3  }
0x34: {  	[smem:$0x3FB8] =	sst s10  }
0x35: {  	s10 =	sld [smem:$0x3FB7];
	_ =	sdelay $0x3  }
0x36: {  	p1 =	seq.s32 s10, $0x1;
	s10 =	sld [smem:$0x3FB8];
	_ =	sdelay $0x3  }
0x37: {  	[smem:$0x3FB8] =	sst s10  }
0x38: {  	s10 =	sld [smem:$0x3FB9]  }
0x39: {  	_ = 	snop;
	(pc) =	sbr.ind lr, $3  }
0x3a: {  	_ = 	snop  }
0x3b: {  	_ = 	snop  }
0x3c: {  	p2 =	seq.s32 s10, $0x1;
	s10 =	sld [smem:$0x3FB8]  }
0x3d: {  	_ =	shalt  }
0x3e: {  	_ =	shalt  }
0x3f: {  	_ =	shalt  }
0x40: {  	_ =	shalt  }
0x41: {  	_ =	shalt  }
0x42: {  	_ =	shalt  }
0x43: {  	_ =	shalt  }
0x44: {  	_ =	shalt  }
0x45: {  	_ =	shalt  }
0x46: {  	_ =	shalt  }
0x47: {  	_ =	shalt  }
0x48: {  	_ =	shalt  }
0x49: {  	_ =	shalt  }
0x4a: {  	_ =	shalt  }
0x4b: {  	_ =	shalt  }
0x4c: {  	_ =	shalt  }
0x4d: {  	_ =	shalt  }
0x4e: {  	_ =	shalt  }
0x4f: {  	_ =	shalt  }
0x50: {  	_ =	shalt  }
0x51: {  	_ =	shalt  }
0x52: {  	_ =	shalt  }
0x53: {  	_ =	shalt  }
0x54: {  	_ =	shalt  }
0x55: {  	_ =	shalt  }
0x56: {  	_ =	shalt  }
0x57: {  	_ =	shalt  }
0x58: {  	_ =	shalt  }
0x59: {  	_ =	shalt  }
0x5a: {  	_ =	shalt  }
0x5b: {  	_ =	shalt  }
0x5c: {  	_ =	shalt  }
0x5d: {  	_ =	shalt  }
0x5e: {  	_ =	shalt  }
0x5f: {  	_ =	shalt  }
0x60: {  	_ =	shalt  }
0x61: {  	_ =	shalt  }
0x62: {  	_ =	shalt  }
0x63: {  	_ =	shalt  }
0x64: {  	_ =	shalt  }
0x65: {  	_ =	shalt  }
0x66: {  	_ =	shalt  }
0x67: {  	_ =	shalt  }
0x68: {  	_ =	shalt  }
0x69: {  	_ =	shalt  }
0x6a: {  	_ =	shalt  }
0x6b: {  	_ =	shalt  }
0x6c: {  	_ =	shalt  }
0x6d: {  	_ =	shalt  }
0x6e: {  	_ =	shalt  }
0x6f: {  	_ =	shalt  }
0x70: {  	_ =	shalt  }
0x71: {  	_ =	shalt  }
0x72: {  	_ =	shalt  }
0x73: {  	_ =	shalt  }
0x74: {  	_ =	shalt  }
0x75: {  	_ =	shalt  }
0x76: {  	_ =	shalt  }
0x77: {  	_ =	shalt  }
0x78: {  	_ =	shalt  }
0x79: {  	_ =	shalt  }
0x7a: {  	_ =	shalt  }
0x7b: {  	_ =	shalt  }
0x7c: {  	_ =	shalt  }
0x7d: {  	_ =	shalt  }
0x7e: {  	_ =	shalt  }
0x7f: {  	_ =	shalt  }
0x80: {  	_ =	shalt  }
0x81: {  	_ =	shalt  }
0x82: {  	_ =	shalt  }
0x83: {  	_ =	shalt  }
0x84: {  	_ =	shalt  }
0x85: {  	_ =	shalt  }
0x86: {  	_ =	shalt  }
0x87: {  	_ =	shalt  }
.Lfunc_end0:
.L_simem_size_0:
called_computation_lowered:
.L_overlay_start_0:
0x88: {  	s2 =	sld [smem:$0x3FD9]  }
0x89: {  	s3 =	sld [smem:$0x3FFE];
	_ =	sdelay $0x1  }
0x8a: {  	s1 =	srdreg.scid  }
0x8b: {  	s0 =	sand.u32 $0x1, s1  }
0x8c: {  	s17 =	sshll.u32 s0, $0xA;
	s2 =	sadd.s32 s3, s2  }
0x8d: {  	s2 =	sadd.s32 s2, s17  }
0x8e: {  	[smem:$0x3FC4] =	sst s2  }
0x8f: {  	_ = 	snop  }
0x90: {  	s2 =	sld [smem:$0x3FD0];
	(tm) =	ssettm $0x1  }
0x91: {  	s18 =	sld [smem:$0x3FFB];
	_ =	sdelay $0x3  }
0x92: {  	_ =	strace s18  }
0x93: {  	s3 =	sld [smem:$0x3FFC];
	_ =	sdelay $0x3  }
0x94: {  	_ =	strace s3  }
0x95: {  	s3 =	sld [smem:$0x3FFD];
	_ =	sdelay $0x3  }
0x96: {  	_ =	strace s3  }
0x97: {  	_ =	strace $0x8FFFFFFF  }
0x98: {  	s19 =	sld [smem:$0x3FDB];
	_ =	sdelay $0x1  }
0x99: {  	s4 =	simm.s32 $_scs_section_size  }
0x9a: {  	s5 =	simm.s32 $_size__tile_overlayer_lowered;
	s6 =	simm.s32 $_tile_overlayer_lowered  }
0x9b: {  	s22 =	simm.s32 $0x1BFF;
	s21 =	sshll.u32 s6, $0x1;
	s3 =	sadd.s32 s4, s19  }
0x9c: {  	s7 =	simm.s32 $0x0;
	s20 =	sshll.u32 s5, $0x1;
	s5 =	sadd.s32 s21, s3  }
0x9d: {  	[timem:s7], [sflag:s22] =	dma.local [hbm:s5], s20  }
0x9e: {  	_ =	swait.ge [sflag:s22], s20  }
0x9f: {  	s4 =	ssub.s32 $0x0, s20;
	[sflag:s22] =	ssyncset.done $0x0  }
0xa0: {  	[sflag:s22] =	ssyncadd.s32 s4;
	_ =	sdelay $0x1  }
0xa1: {  	s23 =	simm.s32 $0x1B8B  }
0xa2: {  	_ =	swait.ge [sflag:s23], $0x1  }
0xa3: {  	[sflag:s23] =	ssyncset.done $0x0  }
0xa4: {  	s25 =	simm.s32 $0x1B8E;
	s24 =	sld [smem:$0x3FFE];
	[sflag:s23] =	ssyncadd.s32 $0xFFFFFFFF  }
0xa5: {  	s26 =	simm.s32 $execute0_lowered;
	[smem:$0x3FD2] =	sst s25  }
0xa6: {  	s5 =	sshll.u32 s26, $0x1;
	_ =	strace $0x80000046;
	[dreg:$0x1] =	wrdreg $0xFFFFFFFF  }
0xa7: {  	s28 =	simm.s32 $_size_execute0_lowered;
	s3 =	sadd.s32 s3, s5;
	[dreg:$0x0] =	wrdreg $0x0  }
0xa8: {  	s5 =	sshll.u32 s28, $0x1;
	[dreg:$0x2] =	wrdreg s3  }
0xa9: {  	[dreg:$0x3] =	wrdreg s5  }
0xaa: {  	[dreg:$0x4] =	wrdreg $0xC0  }
0xab: {  	_ =	task [dreg:s7], $0x5FFFF  }
0xac: {  	[dreg:$0x1] =	wrdreg $0xFFFFFFFF  }
0xad: {  	[dreg:$0x0] =	wrdreg $0x60  }
0xae: {  	[dreg:$0x2] =	wrdreg s24  }
0xaf: {  	[dreg:$0x3] =	wrdreg s2  }
0xb0: {  	[dreg:$0x4] =	wrdreg $0x68000  }
0xb1: {  	[dreg:$0x5] =	wrdreg $0x9  }
0xb2: {  	_ =	task.clear_ibuf [dreg:s7], $0x6FFFF;
	_ =	strace $0x90000046  }
0xb3: {  	s29 =	simm.s32 $0x9;
	_ =	strace $0x80000048  }
0xb4: {  	_ =	swait.ge [sflag:s29], $0x1  }
0xb5: {  	[sflag:s29] =	ssyncadd.s32 $0xFFFFFFFF  }
0xb6: {  	_ =	strace $0x90000048  }
0xb7: {  	_ =	sfence  }
0xb8: {  	s30 =	sld [smem:$0x0];
	_ =	sdelay $0x2  }
0xb9: {  	s31 =	sshll.u32 s1, $0xD;
	s1 =	sshrl.u32 s1, $0x2  }
0xba: {  	s3 =	sand.u32 $0x4000, s31;
	s1 =	sadd.s32 s1, s30  }
0xbb: {  	s0 =	sor.u32 s3, s0;
	s1 =	sshll.u32 s1, $0x11  }
0xbc: {  	s0 =	sor.u32 s1, s0  }
0xbd: {  	s0 =	sadd.s32 $0x8F2B, s0  }
0xbe: {  	[sflag:s0] =	ssyncadd.remote.s32 $0x1  }
0xbf: {  	_ =	sfence.sel $0xFFFF  }
0xc0: {  	[dreg:$0x0] =	wrdreg $0xFFFFFFFF;
	(pc) =	sbr.abs _section_cstart, $3  }
0xc1: {  	[dreg:$0x1] =	wrdreg $0xFFFFFFFF  }
0xc2: {  	_ =	task.clear_ibuf [dreg:s7], $0x2FFFF;
	_ =	strace $0x9FFFFFFF  }
0xc3: {  	(tm) =	ssettm $0x7FFFFFFF  }
tec
execute0_lowered:
.L_overlay_start_1:
0x0: {  	(tag) =	ssettag $0x1  }
0x1: {  	s5 =	rddreg [dreg:$0x0]  }
0x2: {  	s8 =	rddreg [dreg:$0x1]  }
0x3: {  	s2 =	rddreg [dreg:$0x2];
	s1 =	srdreg.scid  }
0x4: {  	s0 =	rddreg [dreg:$0x3];
	s3 =	simm.s32 $0x0;
	s14 =	simm.s32 $0x1  }
0x5: {  	s15 =	simm.s32 $0x2;
	s16 =	simm.s32 $0x80;
	s17 =	simm.s32 $0x100  }
0x6: {  	s18 =	simm.s32 $0x180;
	s6 =	sand.u32 $0x1, s1;
	s1 =	stileid.u32  }
0x7: {  	s19 =	simm.s32 $0x0;
	[smem:$0x7FF] =	sst s3;
	s7 =	smul.u32 $0x138800, s6  }
0x8: {  	s4 =	sshll.u32 s6, $0x4;
	s9 =	smul.u32 $0x2800, s1;
	_ =	strace $0x80000047  }
0x9: {  	s28 =	ssub.s32 $0x2, s6;
	s11 =	smul.u32 $0x500, s1;
	s29 =	ssub.s32 $0x8C, s1  }
0xa: {  	s12 =	smul.u32 $0xA000, s1;
	s31 =	sshll.u32 s1, $0x6;
	s4 =	sor.u32 s1, s4  }
0xb: {  	s6 =	sshrl.u32 s28, $0x1;
	s4 =	smul.u32 $0x500, s4;
	s7 =	sadd.s32 s9, s7  }
0xc: {  	s13 =	ssub.s32 s28, s6;
	s6 =	sshrl.u32 s29, $0x4;
	s8 =	sadd.s32 s11, s8  }
0xd: {  	s30 =	sshrl.u32 s12, $0x2;
	s11 =	simm.s32 $0x2800;
	s12 =	sor.u32 $0x1C03, s31  }
0xe: {  	s7 =	sshrl.u32 s7, $0x3;
	s9 =	sadd.s32 s30, s2;
	s26 =	sadd.s32 s4, s5  }
0xf: {  	s4 =	sadd.s32 $0xC200, s5;
	s10 =	sadd.s32 s7, s5;
	s7 =	smax.u32 s13, $0x1  }
0x10: {  	s13 =	simm.s32 $0x3;
	s5 =	sadd.s32 $0x2200, s26;
	s10 =	sadd.s32 $0xCA00, s10  }
.LBB2_1:
0x11: {  	[tilespmem:s3], [sflag:$0x1] =	stream.linear.gather [hbm4b:s5+s3], $0x2800, $0x38;
	[tilespmem:$0x1A0C0] =	vst v63  }
0x12: {  	p0 =	sne.s32 s6, $0x1  }
.Ltmp0:
0x13: {  	s20 =	sshrl.u32 s9, $0x3;
	(pc) =	sbr.rel @!p0 .LBB2_3-.Ltmp0, $4  }
0x14: {  	[tilespmem:s11], [sflag:$0x2] =	stream.linear.gather [hbm4b:s4+s3], $0x4000, $0x38;
	[tilespmem:$0x1A0C0] =	vst v63  }
0x15: {  	[spmem:s20], [sflag:s12] =	dma.local [hbm:s8], $0x500  }
0x16: {  	s21 =	sadd.s32 $0xFFFFFFFF, s6;
	_ =	swait.ge [sflag:s13], $0x500  }
0x17: {  	s22 =	sadd.s32 $0x28000, s9;
	s23 =	smov.u32 s8;
	[sflag:s13] =	ssyncset.done $0x0  }
.LBB2_2:
0x18: {  	s24 =	sshrl.u32 s22, $0x3  }
0x19: {  	[sflag:s13] =	ssyncadd.s32 $0xFFFFFB00;
	s23 =	sadd.s32 $0x5000, s23;
	p1 =	sne.s32 s21, $0x1  }
0x1a: {  	[spmem:s24], [sflag:s12] =	dma.local [hbm:s23], $0x500  }
.Ltmp1:
0x1b: {  	_ = 	snop;
	(pc) =	sbr.rel @p1 .LBB2_2-.Ltmp1, $4  }
0x1c: {  	_ = 	snop  }
0x1d: {  	s21 =	sadd.s32 $0xFFFFFFFF, s21  }
0x1e: {  	_ =	swait.ge [sflag:s13], $0x500  }
0x1f: {  	s22 =	sadd.s32 $0x28000, s22;
	[sflag:s13] =	ssyncset.done $0x0  }
.LBB2_3:
0x20: {  	[sflag:s13] =	ssyncadd.s32 $0xFFFFFB00  }
0x21: {  	_ =	swait.ge [sflag:s14], $0x2800  }
0x22: {  	[sflag:s14] =	ssyncset.done $0x0  }
0x23: {  	[sflag:s14] =	ssyncadd.s32 $0xFFFFD800  }
0x24: {  	_ =	swait.ge [sflag:s15], $0x4000  }
0x25: {  	[sflag:s15] =	ssyncset.done $0x0  }
0x26: {  	[sflag:s15] =	ssyncadd.s32 $0xFFFFC000  }
0x27: {  	[bflag:$0x0] =	sbarrier.arrive $0xFFFF  }
0x28: {  	[spmem:s2] =	stream.indirect.scatter.add.f32 [tilespmem:s11], [sflag:$0x2], $0x80, s3, s16, $0xb8;
	[tilespmem:$0x1A0C0] =	vst v63  }
0x29: {  	_ = 	snop  }
0x2a: {  	[spmem:s2] =	stream.indirect.scatter.add.f32 [tilespmem:s11], [sflag:$0x2], $0x80, s16, s16, $0xb8;
	[tilespmem:$0x1A0C0] =	vst v63  }
0x2b: {  	_ = 	snop  }
0x2c: {  	[spmem:s2] =	stream.indirect.scatter.add.f32 [tilespmem:s11], [sflag:$0x2], $0x80, s17, s16, $0xb8;
	[tilespmem:$0x1A0C0] =	vst v63  }
0x2d: {  	_ = 	snop  }
0x2e: {  	[spmem:s2] =	stream.indirect.scatter.add.f32 [tilespmem:s11], [sflag:$0x2], $0x80, s18, s16, $0xb8;
	[tilespmem:$0x1A0C0] =	vst v63  }
0x2f: {  	_ =	swait.ge [sflag:s15], $0x4000  }
0x30: {  	[sflag:s15] =	ssyncset.done $0x0  }
0x31: {  	s21 =	simm.s32 $0xA00;
	s22 =	simm.s32 $0x200;
	[sflag:s15] =	ssyncadd.s32 $0xFFFFC000  }
.LBB2_4:
0x32: {  	[spmem:s2] =	stream.indirect.scatter.add.f32 [tilespmem:s11], [sflag:$0x2], $0x80, s22, s16, $0xb8;
	[tilespmem:$0x1A0C0] =	vst v63  }
0x33: {  	s22 =	smov.u32 s21;
	p1 =	sne.s32 s21, $0x9E00  }
.Ltmp2:
0x34: {  	s21 =	sadd.s32 $0x200, s21;
	(pc) =	sbr.rel @p1 .LBB2_4-.Ltmp2, $4  }
0x35: {  	_ = 	snop  }
0x36: {  	_ =	swait.ge [sflag:s15], $0x4000  }
0x37: {  	[sflag:s15] =	ssyncset.done $0x0  }
0x38: {  	s22 =	sshra.s32 s22, $0x2;
	[sflag:s15] =	ssyncadd.s32 $0xFFFFC000  }
0x39: {  	[spmem:s2] =	stream.indirect.scatter.add.f32 [tilespmem:s11], [sflag:$0x2], $0x80, s22, s16, $0xb8;
	[tilespmem:$0x1A0C0] =	vst v63  }
0x3a: {  	_ =	swait.ge [sflag:s15], $0x4000  }
0x3b: {  	[sflag:s15] =	ssyncset.done $0x0  }
0x3c: {  	[sflag:s15] =	ssyncadd.s32 $0xFFFFC000  }
0x3d: {  	_ =	swait.ge [sflag:s15], $0x4000  }
0x3e: {  	[sflag:s15] =	ssyncset.done $0x0  }
0x3f: {  	[sflag:s15] =	ssyncadd.s32 $0xFFFFC000  }
0x40: {  	_ =	swait.ge [sflag:s15], $0x4000  }
0x41: {  	[sflag:s15] =	ssyncset.done $0x0  }
0x42: {  	[sflag:s15] =	ssyncadd.s32 $0xFFFFC000  }
0x43: {  	_ =	swait.ge [sflag:s15], $0x4000  }
0x44: {  	[sflag:s15] =	ssyncset.done $0x0  }
.Ltmp3:
0x45: {  	[sflag:s15] =	ssyncadd.s32 $0xFFFFC000;
	(pc) =	sbr.rel @!p0 .LBB2_7-.Ltmp3, $4  }
0x46: {  	[bflag:$0x0] =	sbarrier.arrive $0xFFFF  }
0x47: {  	[hbm:s10], [sflag:s12] =	dma.local [spmem:s20], $0x500  }
0x48: {  	s21 =	sadd.s32 $0x28000, s9;
	_ =	swait.ge [sflag:s13], $0x500  }
0x49: {  	s22 =	smov.u32 s10;
	s20 =	sadd.s32 $0xFFFFFFFF, s6;
	[sflag:s13] =	ssyncset.done $0x0  }
.LBB2_6:
0x4a: {  	s23 =	sshrl.u32 s21, $0x3  }
0x4b: {  	[sflag:s13] =	ssyncadd.s32 $0xFFFFFB00;
	s22 =	sadd.s32 $0x5000, s22;
	p0 =	sne.s32 s20, $0x1  }
0x4c: {  	[hbm:s22], [sflag:s12] =	dma.local [spmem:s23], $0x500  }
.Ltmp4:
0x4d: {  	_ = 	snop;
	(pc) =	sbr.rel @p0 .LBB2_6-.Ltmp4, $4  }
0x4e: {  	_ = 	snop  }
0x4f: {  	s20 =	sadd.s32 $0xFFFFFFFF, s20  }
0x50: {  	_ =	swait.ge [sflag:s13], $0x500  }
0x51: {  	s21 =	sadd.s32 $0x28000, s21;
	[sflag:s13] =	ssyncset.done $0x0  }
.LBB2_7:
0x52: {  	s19 =	sadd.s32 $0x1, s19  }
0x53: {  	p0 =	sne.s32 s19, s7  }
.Ltmp5:
0x54: {  	_ = 	snop;
	(pc) =	sbr.rel @p0 .LBB2_1-.Ltmp5, $2  }
0x55: {  	_ =	sdelay $0x2  }
0x56: {  	[sflag:s13] =	ssyncadd.s32 $0xFFFFFB00  }
0x57: {  	_ =	sfence.sel $0x180000  }
0x58: {  	[bflag:$0x0] =	sbarrier.arrive $0xFFFF  }
0x59: {  	p0 =	sne.s32 s1, $0x0;
	_ =	strace $0x90000047  }
0x5a: {  	s0 =	sadd.s32 @!p0 $0x100000, s0;
	[bflag:$0x2] =	sbarrier.arrive $0xFFFF  }
0x5b: {  	[sflag:s0] =	ssyncadd.tile.s32 @!p0 $0x1;
	_ =	shalt  }
.Lfunc_end2:
_tile_overlayer_lowered:
.L_overlay_start_2:
0x5c: {  	(tag) =	ssettag $0x2  }
0x5d: {  	s0 =	rddreg [dreg:$0x0];
	s2 =	stileid.u32  }
0x5e: {  	s1 =	rddreg [dreg:$0x1];
	p0 =	sne.s32 s2, $0x0  }
0x5f: {  	s3 =	rddreg [dreg:$0x2];
	[bflag:$0x3] =	sbarrier.arrive $0xFFFF;
	s2 =	simm.s32 @!p0 $0x1C03  }
0x60: {  	[timem:s3], [sflag:s2] =	dma.local @!p0 [hbm:s0], s1  }
0x61: {  	s0 =	simm.s32 @!p0 $0x3  }
0x62: {  	_ =	swait.ge @!p0 [sflag:s0], s1  }
0x63: {  	s1 =	ssub.s32 @!p0 $0x0, s1;
	[sflag:s0] =	ssyncset.done @!p0 $0x0  }
0x64: {  	[sflag:s0] =	ssyncadd.s32 @!p0 s1  }
0x65: {  	[bflag:$0x3] =	sbarrier.arrive $0xFFFF  }
0x66: {  	_ =	shalt  }

</sc_bundles>
